<compile_context>
chip_gen: v7x
topology: tpu7x:2x2x1
jax: 0.10.2.dev20260603
libtpu: 0.0.44.dev20260713+nightly
codegen_flags: <defaults>
</compile_context>

<pallas_src>
import functools

import jax
import jax.numpy as jnp
from jax import lax
from jax.experimental import pallas as pl
from jax.experimental.pallas import tpu as pltpu
from jax.experimental.pallas import tpu_sc as plsc

HH = 512
RECENT = 512
CACHE = HH + RECENT
T = 4096
SEL = T - RECENT
D = 128
NPAIR = 256
NC, NS = 2, 16
NW = NC * NS
PPW = NPAIR // NW


ROWS_PER_STEP = 32


def _sum_body(attn_ref, hh_ref):
    x = attn_ref[...]
    hh = jnp.sum(x, axis=1)
    hh_ref[...] = lax.bitcast_convert_type(hh, jnp.int32)


def _tc_sum(attn):
    return pl.pallas_call(
        _sum_body,
        grid=(NPAIR // ROWS_PER_STEP,),
        in_specs=[pl.BlockSpec((ROWS_PER_STEP, 8, T), lambda i: (i, 0, 0))],
        out_specs=pl.BlockSpec((ROWS_PER_STEP, T), lambda i: (i, 0)),
        out_shape=jax.ShapeDtypeStruct((NPAIR, T), jnp.int32),
    )(attn)


def _sc_body(hh_hbm, k_hbm, v_hbm, ko_hbm, vo_hbm, hn_hbm,
             row_v, ca_v, cb_v, idx_v, hn_v, buf_v, gsem, osem):
    wid = lax.axis_index("s") * NC + lax.axis_index("c")
    lane = lax.iota(jnp.int32, 16)

    def pair_body(j, _):
        p = wid * PPW + j
        base = p * T
        orow = p * CACHE
        pltpu.sync_copy(hh_hbm.at[p], row_v)

        NB = 4
        NT = 16
        gd = [pltpu.make_async_copy(
            (k_hbm if t % 2 == 0 else v_hbm).at[
                pl.ds(base + SEL + ((t % 8) // 2) * 128, 128)]
            if t < 8 else
            (k_hbm if t % 2 == 0 else v_hbm).at[
                idx_v.at[pl.ds(((t % 8) // 2) * 128, 128)]],
            buf_v.at[t % NB], gsem) for t in range(NT)]
        od = [pltpu.make_async_copy(
            buf_v.at[t % NB],
            (ko_hbm if t % 2 == 0 else vo_hbm).at[
                pl.ds(orow + ((4 if t < 8 else 0) + (t % 8) // 2) * 128,
                      128)],
            osem) for t in range(NT)]

        def step(t):
            if t >= NB:
                od[t - NB].wait()
            gd[t].start()
            if t >= 1:
                gd[t - 1].wait()
                od[t - 1].start()

        step(0)
        step(1)
        step(2)

        def mmx(i, c):
            mn, mx = c
            v = row_v[pl.ds(i * 16, 16)]
            return jnp.minimum(mn, jnp.min(v)), jnp.maximum(mx, jnp.max(v))

        mn, mx = lax.fori_loop(
            0, SEL // 16, mmx,
            (jnp.int32(0x7FFFFFFF), jnp.int32(-0x80000000)))
        rng = mx - mn

        def hib(b, h):
            return jnp.where((rng >> b) > 0, b, h)

        h = lax.fori_loop(0, 31, hib, jnp.int32(0))
        s = 30 - h
        step(3)

        def icp(i, _):
            ca_v[pl.ds(i * 16, 16)] = (row_v[pl.ds(i * 16, 16)] - mn) << s
            return 0

        lax.fori_loop(0, SEL // 16, icp, 0)
        step(4)

        def rnd(t, st):
            ncand, need, prefix = st
            bit = 30 - t
            nv = (ncand + 15) >> 4

            def c1b(i, c):
                v = ca_v[pl.ds(i * 16, 16)]
                valid = (i * 16 + lane) < ncand
                one = jnp.logical_and(((v >> bit) & 1) == 1, valid)
                return c + jnp.sum(one.astype(jnp.int32))

            cnt1 = lax.fori_loop(0, nv, c1b, jnp.int32(0))
            pick1 = cnt1 >= need
            nnext = jnp.where(pick1, cnt1, ncand - cnt1)
            need2 = jnp.where(pick1, need, need - cnt1)
            prefix2 = jnp.where(pick1, prefix | (1 << bit), prefix)

            def sb(i, c):
                v = ca_v[pl.ds(i * 16, 16)]
                valid = (i * 16 + lane) < ncand
                one = ((v >> bit) & 1) == 1
                keepl = jnp.logical_and(valid, one == pick1)
                ki = keepl.astype(jnp.int32)
                pos = c + plsc.cumsum(ki) - 1
                plsc.store_scatter(cb_v, [pos], v, mask=keepl)
                return c + jnp.sum(ki)

            lax.fori_loop(0, nv, sb, jnp.int32(0))

            def cpb(i, _):
                ca_v[pl.ds(i * 16, 16)] = cb_v[pl.ds(i * 16, 16)]
                return 0

            lax.fori_loop(0, (nnext + 15) >> 4, cpb, 0)
            return (nnext, need2, prefix2)

        st = (jnp.int32(SEL), jnp.int32(HH), jnp.int32(0))
        for ri in range(3):
            st = lax.fori_loop(2 * ri, 2 * ri + 2, rnd, st)
            step(5 + ri)
        st = lax.fori_loop(6, 31, rnd, st)
        _, rq, prefix = st
        vstar = (prefix >> s) + mn

        def cb(i, carry):
            ck, ct = carry
            v = row_v[pl.ds(i * 16, 16)]
            gt = v > vstar
            eq = v == vstar
            eqi = eq.astype(jnp.int32)
            tie_rank = ct + plsc.cumsum(eqi)
            keep = jnp.logical_or(gt, jnp.logical_and(eq, tie_rank <= rq))
            kint = keep.astype(jnp.int32)
            pos = ck + plsc.cumsum(kint) - 1
            gidx = base + i * 16 + lane
            plsc.store_scatter(idx_v, [pos], gidx, mask=keep)
            plsc.store_scatter(hn_v, [pos], v, mask=keep)
            return ck + jnp.sum(kint), ct + jnp.sum(eqi)

        lax.fori_loop(0, SEL // 16, cb, (jnp.int32(0), jnp.int32(0)))
        step(8)

        def rb(i, _):
            off = i * 16
            hn_v[pl.ds(HH + off, 16)] = row_v[pl.ds(SEL + off, 16)]
            return 0

        lax.fori_loop(0, RECENT // 16, rb, 0)
        step(9)
        pltpu.sync_copy(hn_v.at[pl.ds(0, CACHE)], hn_hbm.at[p])
        for t in range(10, NT):
            step(t)
        gd[NT - 1].wait()
        od[NT - 1].start()
        for t in range(NT - NB, NT):
            od[t].wait()
        return 0

    lax.fori_loop(0, PPW, pair_body, 0)


_sc_gather = functools.partial(
    pl.kernel,
    out_type=[
        jax.ShapeDtypeStruct((NPAIR * CACHE, D), jnp.float32),
        jax.ShapeDtypeStruct((NPAIR * CACHE, D), jnp.float32),
        jax.ShapeDtypeStruct((NPAIR, CACHE), jnp.int32),
    ],
    mesh=plsc.VectorSubcoreMesh(core_axis_name="c", subcore_axis_name="s"),
    scratch_types=[
        pltpu.VMEM((T,), jnp.int32),
        pltpu.VMEM((SEL,), jnp.int32),
        pltpu.VMEM((SEL,), jnp.int32),
        pltpu.VMEM((CACHE,), jnp.int32),
        pltpu.VMEM((CACHE,), jnp.int32),
        pltpu.VMEM((4, 128, D), jnp.float32),
        pltpu.SemaphoreType.DMA,
        pltpu.SemaphoreType.DMA,
    ],
    compiler_params=pltpu.CompilerParams(needs_layout_passes=False),
)(_sc_body)


def kernel(attn_score_cache, key_cache, value_cache):
    B, H, Q, T_ = attn_score_cache.shape
    attn = attn_score_cache.reshape(B * H, Q, T_)
    hh_bits = _tc_sum(attn)
    kf = key_cache.reshape(B * H * T_, D)
    vf = value_cache.reshape(B * H * T_, D)
    ko, vo, hn = _sc_gather(hh_bits, kf, vf)
    hn_f = lax.bitcast_convert_type(hn, jnp.float32)
    return (
        ko.reshape(B, H, CACHE, D),
        vo.reshape(B, H, CACHE, D),
        hn_f.reshape(B, H, CACHE),
    )

# --- scband reference (transcript-rebuilt; emitter-appended) ---
"""Pipeline reference for scband-h2-ollama-attention-streaming-10926396801279 (READ-ONLY COPY).

The authoritative reference and input builder live on the scoring server;
editing this copy changes nothing except your own understanding.
"""

import jax, jax.numpy as jnp
import numpy as np

HH_SIZE = 512
RECENT_SIZE = 512


def setup_inputs(seed: int = 0) -> dict:
    key = jax.random.key(seed)
    k1, k2, k3 = jax.random.split(key, 3)
    # attention probabilities for the new q_len=8 tokens over T=4096 kv positions
    attn_score_cache = jax.random.uniform(k1, (8, 32, 8, 4096), dtype=jnp.float32)
    key_cache = jax.random.normal(k2, (8, 32, 4096, 128), dtype=jnp.float32)
    value_cache = jax.random.normal(k3, (8, 32, 4096, 128), dtype=jnp.float32)
    return {"attn_score_cache": attn_score_cache, "key_cache": key_cache, "value_cache": value_cache}


def reference(attn_score_cache, key_cache, value_cache):
    # H2OKVCache_LayerWise.__call__ with num_key_value_groups=1 (no GQA reduction)
    # and hh_score initially None (first call): hh_score = attn_score_cache.sum(2).
    hh_score = attn_score_cache.sum(axis=2)  # [B, H, T]
    B, H, T = hh_score.shape
    cache_size = HH_SIZE + RECENT_SIZE
    # seq_len (T=4096) > cache_size (1024) -> eviction path
    select_hh_scores = hh_score[:, :, : T - RECENT_SIZE]
    _, keep_topk = jax.lax.top_k(select_hh_scores, HH_SIZE)  # [B, H, hh_size]
    keep_topk = jnp.sort(keep_topk, axis=-1)
    keep_recent = jnp.broadcast_to(jnp.arange(T - RECENT_SIZE, T, dtype=keep_topk.dtype), (B, H, RECENT_SIZE))
    keep_idx = jnp.concatenate([keep_topk, keep_recent], axis=-1)  # [B, H, cache_size]
    d = key_cache.shape[-1]
    idx4 = jnp.broadcast_to(keep_idx[..., None], (B, H, cache_size, d))
    k_hh_recent = jnp.take_along_axis(key_cache, idx4, axis=2)
    v_hh_recent = jnp.take_along_axis(value_cache, idx4, axis=2)
    hh_score_new = jnp.take_along_axis(hh_score, keep_idx, axis=2)
    return (k_hh_recent, v_hh_recent, hh_score_new)

if __name__ == "__main__":
    import jax
    _d = setup_inputs()
    print(jax.jit(kernel)(*tuple(_d.values())))

</pallas_src>

<mosaic_0001>
#map = affine_map<(d0, d1) -> (0, 0)>
module attributes {stable_mosaic.version = 14 : i64} {
  func.func @_sc_body(%arg0: i32, %arg1: i32, %arg2: memref<256x4096xi32, #tpu.memory_space<hbm>>, %arg3: memref<1048576x128xf32, #tpu.memory_space<hbm>>, %arg4: memref<1048576x128xf32, #tpu.memory_space<hbm>>, %arg5: memref<262144x128xf32, #tpu.memory_space<hbm>>, %arg6: memref<262144x128xf32, #tpu.memory_space<hbm>>, %arg7: memref<256x1024xi32, #tpu.memory_space<hbm>>, %arg8: memref<4096xi32, #tpu.memory_space<vmem>>, %arg9: memref<3584xi32, #tpu.memory_space<vmem>>, %arg10: memref<3584xi32, #tpu.memory_space<vmem>>, %arg11: memref<1024xi32, #tpu.memory_space<vmem>>, %arg12: memref<1024xi32, #tpu.memory_space<vmem>>, %arg13: memref<4x128x128xf32, #tpu.memory_space<vmem>>, %arg14: memref<!tpu.dma_semaphore, #tpu.memory_space<semaphore_mem>>, %arg15: memref<!tpu.dma_semaphore, #tpu.memory_space<semaphore_mem>>) attributes {dimension_semantics = [#tpu.dimension_semantics<core_parallel>, #tpu.dimension_semantics<subcore_parallel>], iteration_bounds = array<i64: 2, 16>, scalar_prefetch = 0 : i64, scratch_operands = 8 : i64, tpu.core_type = #tpu.core_type<sc_vector_subcore>, window_params = [{transform_indices = #map}, {transform_indices = #map}, {transform_indices = #map}, {transform_indices = #map}, {transform_indices = #map}, {transform_indices = #map}]} {
    %mul3A = arith.constant 2 : i32
    %mul3A_0 = arith.muli %arg1, %mul3A : i32
    %add3A = arith.addi %mul3A_0, %arg0 : i32
    %iota3A = tpu.iota {dimensions = array<i32: 0>} : vector<16xi32>
    %scan3A = arith.constant 0 : i32
    %scan3A_1 = arith.constant 0 : i32
    %scan3A_2 = arith.constant 8 : i32
    %scan3A_3 = arith.addi %scan3A_1, %scan3A_2 : i32
    %scan3A_4 = arith.constant 1 : i32
    %scan3A_5 = scf.for %scan3A_7 = %scan3A_1 to %scan3A_3 step %scan3A_4 iter_args(%scan3A_8 = %scan3A) -> (i32)  : i32 {
      %mul3A_9 = arith.constant 8 : i32
      %mul3A_10 = arith.muli %add3A, %mul3A_9 : i32
      %add3A_11 = arith.addi %mul3A_10, %scan3A_7 : i32
      %mul3A_12 = arith.constant 4096 : i32
      %mul3A_13 = arith.muli %add3A_11, %mul3A_12 : i32
      %mul3A_14 = arith.constant 1024 : i32
      %mul3A_15 = arith.muli %add3A_11, %mul3A_14 : i32
      "tpu.region"() ({
        %run_scoped3A = tpu.sem_alloc : memref<!tpu.dma_semaphore, #tpu.memory_space<semaphore_mem>>
        %dma_start3A_930 = arith.constant 0 : i32
        %dma_start3A_931 = tpu.memref_slice %arg2[%add3A_11, %dma_start3A_930] : memref<256x4096xi32, #tpu.memory_space<hbm>> -> memref<1x4096xi32, #tpu.memory_space<hbm>>
        %dma_start3A_932 = tpu.memref_squeeze %dma_start3A_931 : memref<1x4096xi32, #tpu.memory_space<hbm>> -> memref<4096xi32, #tpu.memory_space<hbm>>
        %dma_start3A_933 = arith.constant 0 : i32
        %dma_start3A_934 = tpu.memref_slice %arg2[%add3A_11, %dma_start3A_933] : memref<256x4096xi32, #tpu.memory_space<hbm>> -> memref<1x4096xi32, #tpu.memory_space<hbm>>
        %dma_start3A_935 = tpu.memref_squeeze %dma_start3A_934 : memref<1x4096xi32, #tpu.memory_space<hbm>> -> memref<4096xi32, #tpu.memory_space<hbm>>
        tpu.enqueue_dma source(%dma_start3A_935 : memref<4096xi32, #tpu.memory_space<hbm>>) target(%arg8 : memref<4096xi32, #tpu.memory_space<vmem>>) target_semaphore(%run_scoped3A : memref<!tpu.dma_semaphore, #tpu.memory_space<semaphore_mem>>)
        %dma_wait3A_936 = arith.constant 0 : i32
        %dma_wait3A_937 = tpu.memref_slice %arg2[%add3A_11, %dma_wait3A_936] : memref<256x4096xi32, #tpu.memory_space<hbm>> -> memref<1x4096xi32, #tpu.memory_space<hbm>>
        %dma_wait3A_938 = tpu.memref_squeeze %dma_wait3A_937 : memref<1x4096xi32, #tpu.memory_space<hbm>> -> memref<4096xi32, #tpu.memory_space<hbm>>
        %dma_wait3A_939 = arith.constant 0 : i32
        %dma_wait3A_940 = tpu.memref_slice %arg2[%add3A_11, %dma_wait3A_939] : memref<256x4096xi32, #tpu.memory_space<hbm>> -> memref<1x4096xi32, #tpu.memory_space<hbm>>
        %dma_wait3A_941 = tpu.memref_squeeze %dma_wait3A_940 : memref<1x4096xi32, #tpu.memory_space<hbm>> -> memref<4096xi32, #tpu.memory_space<hbm>>
        tpu.wait_dma2 semaphore(%run_scoped3A : memref<!tpu.dma_semaphore, #tpu.memory_space<semaphore_mem>>) src(%dma_wait3A_941 : memref<4096xi32, #tpu.memory_space<hbm>>) dst(%arg8 : memref<4096xi32, #tpu.memory_space<vmem>>)
        tpu.yield
      }) : () -> ()
      %add3A_16 = arith.constant 3584 : i32
      %add3A_17 = arith.addi %mul3A_13, %add3A_16 : i32
      %add3A_18 = arith.constant 0 : i32
      %add3A_19 = arith.addi %add3A_17, %add3A_18 : i32
      %add3A_20 = arith.constant 3584 : i32
      %add3A_21 = arith.addi %mul3A_13, %add3A_20 : i32
      %add3A_22 = arith.constant 0 : i32
      %add3A_23 = arith.addi %add3A_21, %add3A_22 : i32
      %add3A_24 = arith.constant 3584 : i32
      %add3A_25 = arith.addi %mul3A_13, %add3A_24 : i32
      %add3A_26 = arith.constant 128 : i32
      %add3A_27 = arith.addi %add3A_25, %add3A_26 : i32
      %add3A_28 = arith.constant 3584 : i32
      %add3A_29 = arith.addi %mul3A_13, %add3A_28 : i32
      %add3A_30 = arith.constant 128 : i32
      %add3A_31 = arith.addi %add3A_29, %add3A_30 : i32
      %add3A_32 = arith.constant 3584 : i32
      %add3A_33 = arith.addi %mul3A_13, %add3A_32 : i32
      %add3A_34 = arith.constant 256 : i32
      %add3A_35 = arith.addi %add3A_33, %add3A_34 : i32
      %add3A_36 = arith.constant 3584 : i32
      %add3A_37 = arith.addi %mul3A_13, %add3A_36 : i32
      %add3A_38 = arith.constant 256 : i32
      %add3A_39 = arith.addi %add3A_37, %add3A_38 : i32
      %add3A_40 = arith.constant 3584 : i32
      %add3A_41 = arith.addi %mul3A_13, %add3A_40 : i32
      %add3A_42 = arith.constant 384 : i32
      %add3A_43 = arith.addi %add3A_41, %add3A_42 : i32
      %add3A_44 = arith.constant 3584 : i32
      %add3A_45 = arith.addi %mul3A_13, %add3A_44 : i32
      %add3A_46 = arith.constant 384 : i32
      %add3A_47 = arith.addi %add3A_45, %add3A_46 : i32
      %add3A_48 = arith.constant 512 : i32
      %add3A_49 = arith.addi %mul3A_15, %add3A_48 : i32
      %add3A_50 = arith.constant 512 : i32
      %add3A_51 = arith.addi %mul3A_15, %add3A_50 : i32
      %add3A_52 = arith.constant 640 : i32
      %add3A_53 = arith.addi %mul3A_15, %add3A_52 : i32
      %add3A_54 = arith.constant 640 : i32
      %add3A_55 = arith.addi %mul3A_15, %add3A_54 : i32
      %add3A_56 = arith.constant 768 : i32
      %add3A_57 = arith.addi %mul3A_15, %add3A_56 : i32
      %add3A_58 = arith.constant 768 : i32
      %add3A_59 = arith.addi %mul3A_15, %add3A_58 : i32
      %add3A_60 = arith.constant 896 : i32
      %add3A_61 = arith.addi %mul3A_15, %add3A_60 : i32
      %add3A_62 = arith.constant 896 : i32
      %add3A_63 = arith.addi %mul3A_15, %add3A_62 : i32
      %add3A_64 = arith.constant 0 : i32
      %add3A_65 = arith.addi %mul3A_15, %add3A_64 : i32
      %add3A_66 = arith.constant 0 : i32
      %add3A_67 = arith.addi %mul3A_15, %add3A_66 : i32
      %add3A_68 = arith.constant 128 : i32
      %add3A_69 = arith.addi %mul3A_15, %add3A_68 : i32
      %add3A_70 = arith.constant 128 : i32
      %add3A_71 = arith.addi %mul3A_15, %add3A_70 : i32
      %add3A_72 = arith.constant 256 : i32
      %add3A_73 = arith.addi %mul3A_15, %add3A_72 : i32
      %add3A_74 = arith.constant 256 : i32
      %add3A_75 = arith.addi %mul3A_15, %add3A_74 : i32
      %add3A_76 = arith.constant 384 : i32
      %add3A_77 = arith.addi %mul3A_15, %add3A_76 : i32
      %add3A_78 = arith.constant 384 : i32
      %add3A_79 = arith.addi %mul3A_15, %add3A_78 : i32
      %dma_start3A = arith.constant 0 : i32
      %dma_start3A_80 = arith.constant 0 : i32
      %dma_start3A_81 = arith.constant 0 : i32
      %dma_start3A_82 = tpu.memref_slice %arg13[%dma_start3A, %dma_start3A_80, %dma_start3A_81] : memref<4x128x128xf32, #tpu.memory_space<vmem>> -> memref<1x128x128xf32, #tpu.memory_space<vmem>>
      %dma_start3A_83 = tpu.memref_squeeze %dma_start3A_82 : memref<1x128x128xf32, #tpu.memory_space<vmem>> -> memref<128x128xf32, #tpu.memory_space<vmem>>
      %dma_start3A_84 = arith.constant 0 : i32
      %dma_start3A_85 = tpu.memref_slice %arg3[%add3A_19, %dma_start3A_84] : memref<1048576x128xf32, #tpu.memory_space<hbm>> -> memref<128x128xf32, #tpu.memory_space<hbm>>
      %dma_start3A_86 = arith.constant 0 : i32
      %dma_start3A_87 = arith.constant 0 : i32
      %dma_start3A_88 = tpu.memref_slice %arg13[%dma_start3A, %dma_start3A_86, %dma_start3A_87] : memref<4x128x128xf32, #tpu.memory_space<vmem>> -> memref<1x128x128xf32, #tpu.memory_space<vmem>>
      %dma_start3A_89 = tpu.memref_squeeze %dma_start3A_88 : memref<1x128x128xf32, #tpu.memory_space<vmem>> -> memref<128x128xf32, #tpu.memory_space<vmem>>
      %dma_start3A_90 = arith.constant 0 : i32
      %dma_start3A_91 = tpu.memref_slice %arg3[%add3A_19, %dma_start3A_90] : memref<1048576x128xf32, #tpu.memory_space<hbm>> -> memref<128x128xf32, #tpu.memory_space<hbm>>
      tpu.enqueue_dma source(%dma_start3A_91 : memref<128x128xf32, #tpu.memory_space<hbm>>) target(%dma_start3A_89 : memref<128x128xf32, #tpu.memory_space<vmem>>) target_semaphore(%arg14 : memref<!tpu.dma_semaphore, #tpu.memory_space<semaphore_mem>>)
      %dma_start3A_92 = arith.constant 1 : i32
      %dma_start3A_93 = arith.constant 0 : i32
      %dma_start3A_94 = arith.constant 0 : i32
      %dma_start3A_95 = tpu.memref_slice %arg13[%dma_start3A_92, %dma_start3A_93, %dma_start3A_94] : memref<4x128x128xf32, #tpu.memory_space<vmem>> -> memref<1x128x128xf32, #tpu.memory_space<vmem>>
      %dma_start3A_96 = tpu.memref_squeeze %dma_start3A_95 : memref<1x128x128xf32, #tpu.memory_space<vmem>> -> memref<128x128xf32, #tpu.memory_space<vmem>>
      %dma_start3A_97 = arith.constant 0 : i32
      %dma_start3A_98 = tpu.memref_slice %arg4[%add3A_23, %dma_start3A_97] : memref<1048576x128xf32, #tpu.memory_space<hbm>> -> memref<128x128xf32, #tpu.memory_space<hbm>>
      %dma_start3A_99 = arith.constant 0 : i32
      %dma_start3A_100 = arith.constant 0 : i32
      %dma_start3A_101 = tpu.memref_slice %arg13[%dma_start3A_92, %dma_start3A_99, %dma_start3A_100] : memref<4x128x128xf32, #tpu.memory_space<vmem>> -> memref<1x128x128xf32, #tpu.memory_space<vmem>>
      %dma_start3A_102 = tpu.memref_squeeze %dma_start3A_101 : memref<1x128x128xf32, #tpu.memory_space<vmem>> -> memref<128x128xf32, #tpu.memory_space<vmem>>
      %dma_start3A_103 = arith.constant 0 : i32
      %dma_start3A_104 = tpu.memref_slice %arg4[%add3A_23, %dma_start3A_103] : memref<1048576x128xf32, #tpu.memory_space<hbm>> -> memref<128x128xf32, #tpu.memory_space<hbm>>
      tpu.enqueue_dma source(%dma_start3A_104 : memref<128x128xf32, #tpu.memory_space<hbm>>) target(%dma_start3A_102 : memref<128x128xf32, #tpu.memory_space<vmem>>) target_semaphore(%arg14 : memref<!tpu.dma_semaphore, #tpu.memory_space<semaphore_mem>>)
      %dma_wait3A = arith.constant 0 : i32
      %dma_wait3A_105 = arith.constant 0 : i32
      %dma_wait3A_106 = arith.constant 0 : i32
      %dma_wait3A_107 = tpu.memref_slice %arg13[%dma_wait3A, %dma_wait3A_105, %dma_wait3A_106] : memref<4x128x128xf32, #tpu.memory_space<vmem>> -> memref<1x128x128xf32, #tpu.memory_space<vmem>>
      %dma_wait3A_108 = tpu.memref_squeeze %dma_wait3A_107 : memref<1x128x128xf32, #tpu.memory_space<vmem>> -> memref<128x128xf32, #tpu.memory_space<vmem>>
      %dma_wait3A_109 = arith.constant 0 : i32
      %dma_wait3A_110 = tpu.memref_slice %arg3[%add3A_19, %dma_wait3A_109] : memref<1048576x128xf32, #tpu.memory_space<hbm>> -> memref<128x128xf32, #tpu.memory_space<hbm>>
      %dma_wait3A_111 = arith.constant 0 : i32
      %dma_wait3A_112 = arith.constant 0 : i32
      %dma_wait3A_113 = tpu.memref_slice %arg13[%dma_wait3A, %dma_wait3A_111, %dma_wait3A_112] : memref<4x128x128xf32, #tpu.memory_space<vmem>> -> memref<1x128x128xf32, #tpu.memory_space<vmem>>
      %dma_wait3A_114 = tpu.memref_squeeze %dma_wait3A_113 : memref<1x128x128xf32, #tpu.memory_space<vmem>> -> memref<128x128xf32, #tpu.memory_space<vmem>>
      %dma_wait3A_115 = arith.constant 0 : i32
      %dma_wait3A_116 = tpu.memref_slice %arg3[%add3A_19, %dma_wait3A_115] : memref<1048576x128xf32, #tpu.memory_space<hbm>> -> memref<128x128xf32, #tpu.memory_space<hbm>>
      tpu.wait_dma2 semaphore(%arg14 : memref<!tpu.dma_semaphore, #tpu.memory_space<semaphore_mem>>) src(%dma_wait3A_116 : memref<128x128xf32, #tpu.memory_space<hbm>>) dst(%dma_wait3A_114 : memref<128x128xf32, #tpu.memory_space<vmem>>)
      %dma_start3A_117 = arith.constant 0 : i32
      %dma_start3A_118 = arith.constant 0 : i32
      %dma_start3A_119 = arith.constant 0 : i32
      %dma_start3A_120 = tpu.memref_slice %arg13[%dma_start3A_117, %dma_start3A_118, %dma_start3A_119] : memref<4x128x128xf32, #tpu.memory_space<vmem>> -> memref<1x128x128xf32, #tpu.memory_space<vmem>>
      %dma_start3A_121 = tpu.memref_squeeze %dma_start3A_120 : memref<1x128x128xf32, #tpu.memory_space<vmem>> -> memref<128x128xf32, #tpu.memory_space<vmem>>
      %dma_start3A_122 = arith.constant 0 : i32
      %dma_start3A_123 = tpu.memref_slice %arg5[%add3A_49, %dma_start3A_122] : memref<262144x128xf32, #tpu.memory_space<hbm>> -> memref<128x128xf32, #tpu.memory_space<hbm>>
      %dma_start3A_124 = arith.constant 0 : i32
      %dma_start3A_125 = tpu.memref_slice %arg5[%add3A_49, %dma_start3A_124] : memref<262144x128xf32, #tpu.memory_space<hbm>> -> memref<128x128xf32, #tpu.memory_space<hbm>>
      %dma_start3A_126 = arith.constant 0 : i32
      %dma_start3A_127 = arith.constant 0 : i32
      %dma_start3A_128 = tpu.memref_slice %arg13[%dma_start3A_117, %dma_start3A_126, %dma_start3A_127] : memref<4x128x128xf32, #tpu.memory_space<vmem>> -> memref<1x128x128xf32, #tpu.memory_space<vmem>>
      %dma_start3A_129 = tpu.memref_squeeze %dma_start3A_128 : memref<1x128x128xf32, #tpu.memory_space<vmem>> -> memref<128x128xf32, #tpu.memory_space<vmem>>
      tpu.enqueue_dma source(%dma_start3A_129 : memref<128x128xf32, #tpu.memory_space<vmem>>) target(%dma_start3A_125 : memref<128x128xf32, #tpu.memory_space<hbm>>) target_semaphore(%arg15 : memref<!tpu.dma_semaphore, #tpu.memory_space<semaphore_mem>>)
      %dma_start3A_130 = arith.constant 2 : i32
      %dma_start3A_131 = arith.constant 0 : i32
      %dma_start3A_132 = arith.constant 0 : i32
      %dma_start3A_133 = tpu.memref_slice %arg13[%dma_start3A_130, %dma_start3A_131, %dma_start3A_132] : memref<4x128x128xf32, #tpu.memory_space<vmem>> -> memref<1x128x128xf32, #tpu.memory_space<vmem>>
      %dma_start3A_134 = tpu.memref_squeeze %dma_start3A_133 : memref<1x128x128xf32, #tpu.memory_space<vmem>> -> memref<128x128xf32, #tpu.memory_space<vmem>>
      %dma_start3A_135 = arith.constant 0 : i32
      %dma_start3A_136 = tpu.memref_slice %arg3[%add3A_27, %dma_start3A_135] : memref<1048576x128xf32, #tpu.memory_space<hbm>> -> memref<128x128xf32, #tpu.memory_space<hbm>>
      %dma_start3A_137 = arith.constant 0 : i32
      %dma_start3A_138 = arith.constant 0 : i32
      %dma_start3A_139 = tpu.memref_slice %arg13[%dma_start3A_130, %dma_start3A_137, %dma_start3A_138] : memref<4x128x128xf32, #tpu.memory_space<vmem>> -> memref<1x128x128xf32, #tpu.memory_space<vmem>>
      %dma_start3A_140 = tpu.memref_squeeze %dma_start3A_139 : memref<1x128x128xf32, #tpu.memory_space<vmem>> -> memref<128x128xf32, #tpu.memory_space<vmem>>
      %dma_start3A_141 = arith.constant 0 : i32
      %dma_start3A_142 = tpu.memref_slice %arg3[%add3A_27, %dma_start3A_141] : memref<1048576x128xf32, #tpu.memory_space<hbm>> -> memref<128x128xf32, #tpu.memory_space<hbm>>
      tpu.enqueue_dma source(%dma_start3A_142 : memref<128x128xf32, #tpu.memory_space<hbm>>) target(%dma_start3A_140 : memref<128x128xf32, #tpu.memory_space<vmem>>) target_semaphore(%arg14 : memref<!tpu.dma_semaphore, #tpu.memory_space<semaphore_mem>>)
      %dma_wait3A_143 = arith.constant 1 : i32
      %dma_wait3A_144 = arith.constant 0 : i32
      %dma_wait3A_145 = arith.constant 0 : i32
      %dma_wait3A_146 = tpu.memref_slice %arg13[%dma_wait3A_143, %dma_wait3A_144, %dma_wait3A_145] : memref<4x128x128xf32, #tpu.memory_space<vmem>> -> memref<1x128x128xf32, #tpu.memory_space<vmem>>
      %dma_wait3A_147 = tpu.memref_squeeze %dma_wait3A_146 : memref<1x128x128xf32, #tpu.memory_space<vmem>> -> memref<128x128xf32, #tpu.memory_space<vmem>>
      %dma_wait3A_148 = arith.constant 0 : i32
      %dma_wait3A_149 = tpu.memref_slice %arg4[%add3A_23, %dma_wait3A_148] : memref<1048576x128xf32, #tpu.memory_space<hbm>> -> memref<128x128xf32, #tpu.memory_space<hbm>>
      %dma_wait3A_150 = arith.constant 0 : i32
      %dma_wait3A_151 = arith.constant 0 : i32
      %dma_wait3A_152 = tpu.memref_slice %arg13[%dma_wait3A_143, %dma_wait3A_150, %dma_wait3A_151] : memref<4x128x128xf32, #tpu.memory_space<vmem>> -> memref<1x128x128xf32, #tpu.memory_space<vmem>>
      %dma_wait3A_153 = tpu.memref_squeeze %dma_wait3A_152 : memref<1x128x128xf32, #tpu.memory_space<vmem>> -> memref<128x128xf32, #tpu.memory_space<vmem>>
      %dma_wait3A_154 = arith.constant 0 : i32
      %dma_wait3A_155 = tpu.memref_slice %arg4[%add3A_23, %dma_wait3A_154] : memref<1048576x128xf32, #tpu.memory_space<hbm>> -> memref<128x128xf32, #tpu.memory_space<hbm>>
      tpu.wait_dma2 semaphore(%arg14 : memref<!tpu.dma_semaphore, #tpu.memory_space<semaphore_mem>>) src(%dma_wait3A_155 : memref<128x128xf32, #tpu.memory_space<hbm>>) dst(%dma_wait3A_153 : memref<128x128xf32, #tpu.memory_space<vmem>>)
      %dma_start3A_156 = arith.constant 1 : i32
      %dma_start3A_157 = arith.constant 0 : i32
      %dma_start3A_158 = arith.constant 0 : i32
      %dma_start3A_159 = tpu.memref_slice %arg13[%dma_start3A_156, %dma_start3A_157, %dma_start3A_158] : memref<4x128x128xf32, #tpu.memory_space<vmem>> -> memref<1x128x128xf32, #tpu.memory_space<vmem>>
      %dma_start3A_160 = tpu.memref_squeeze %dma_start3A_159 : memref<1x128x128xf32, #tpu.memory_space<vmem>> -> memref<128x128xf32, #tpu.memory_space<vmem>>
      %dma_start3A_161 = arith.constant 0 : i32
      %dma_start3A_162 = tpu.memref_slice %arg6[%add3A_51, %dma_start3A_161] : memref<262144x128xf32, #tpu.memory_space<hbm>> -> memref<128x128xf32, #tpu.memory_space<hbm>>
      %dma_start3A_163 = arith.constant 0 : i32
      %dma_start3A_164 = tpu.memref_slice %arg6[%add3A_51, %dma_start3A_163] : memref<262144x128xf32, #tpu.memory_space<hbm>> -> memref<128x128xf32, #tpu.memory_space<hbm>>
      %dma_start3A_165 = arith.constant 0 : i32
      %dma_start3A_166 = arith.constant 0 : i32
      %dma_start3A_167 = tpu.memref_slice %arg13[%dma_start3A_156, %dma_start3A_165, %dma_start3A_166] : memref<4x128x128xf32, #tpu.memory_space<vmem>> -> memref<1x128x128xf32, #tpu.memory_space<vmem>>
      %dma_start3A_168 = tpu.memref_squeeze %dma_start3A_167 : memref<1x128x128xf32, #tpu.memory_space<vmem>> -> memref<128x128xf32, #tpu.memory_space<vmem>>
      tpu.enqueue_dma source(%dma_start3A_168 : memref<128x128xf32, #tpu.memory_space<vmem>>) target(%dma_start3A_164 : memref<128x128xf32, #tpu.memory_space<hbm>>) target_semaphore(%arg15 : memref<!tpu.dma_semaphore, #tpu.memory_space<semaphore_mem>>)
      %scan3A_169 = arith.constant 2147483647 : i32
      %scan3A_170 = arith.constant -2147483648 : i32
      %scan3A_171 = arith.constant 0 : i32
      %scan3A_172 = arith.constant 224 : i32
      %scan3A_173 = arith.addi %scan3A_171, %scan3A_172 : i32
      %scan3A_174 = arith.constant 1 : i32
      %scan3A_175:2 = scf.for %scan3A_930 = %scan3A_171 to %scan3A_173 step %scan3A_174 iter_args(%scan3A_931 = %scan3A_169, %scan3A_932 = %scan3A_170) -> (i32, i32)  : i32 {
        %mul3A_933 = arith.constant 16 : i32
        %mul3A_934 = arith.muli %scan3A_930, %mul3A_933 : i32
        %get3A = arith.index_cast %mul3A_934 : i32 to index
        %get3A_935 = tpu.vector_load %arg8[%get3A] {strides = array<i32>} : memref<4096xi32, #tpu.memory_space<vmem>>, vector<16xi32>,
        %reduce_min3A = arith.constant true
        %reduce_min3A_936 = vector.broadcast %reduce_min3A : i1 to vector<16xi1>
        %reduce_min3A_937 = arith.constant -2147483648 : i32
        %reduce_min3A_938 = vector.broadcast %reduce_min3A_937 : i32 to vector<16xi32>
        %reduce_min3A_939 = arith.xori %get3A_935, %reduce_min3A_938 : vector<16xi32>
        %reduce_min3A_940 = tpu.scan <min>, %reduce_min3A_939 masked %reduce_min3A_936 : vector<16xi32>, vector<16xi1> -> vector<16xi32>
        %reduce_min3A_941 = arith.xori %reduce_min3A_940, %reduce_min3A_938 : vector<16xi32>
        %reduce_min3A_942 = vector.extract %reduce_min3A_941[15] : i32 from vector<16xi32>
        %min3A = arith.minsi %scan3A_931, %reduce_min3A_942 : i32
        %reduce_max3A = arith.constant true
        %reduce_max3A_943 = vector.broadcast %reduce_max3A : i1 to vector<16xi1>
        %reduce_max3A_944 = arith.constant -2147483648 : i32
        %reduce_max3A_945 = vector.broadcast %reduce_max3A_944 : i32 to vector<16xi32>
        %reduce_max3A_946 = arith.xori %get3A_935, %reduce_max3A_945 : vector<16xi32>
        %reduce_max3A_947 = tpu.scan <max>, %reduce_max3A_946 masked %reduce_max3A_943 : vector<16xi32>, vector<16xi1> -> vector<16xi32>
        %reduce_max3A_948 = arith.xori %reduce_max3A_947, %reduce_max3A_945 : vector<16xi32>
        %reduce_max3A_949 = vector.extract %reduce_max3A_948[15] : i32 from vector<16xi32>
        %max3A = arith.maxsi %scan3A_932, %reduce_max3A_949 : i32
        scf.yield %min3A, %max3A : i32, i32
      }
      %scan3A_176 = arith.constant 224 : i32
      %sub3A = arith.subi %scan3A_175#1, %scan3A_175#0 : i32
      %scan3A_177 = arith.constant 0 : i32
      %scan3A_178 = arith.constant 0 : i32
      %scan3A_179 = arith.constant 31 : i32
      %scan3A_180 = arith.addi %scan3A_178, %scan3A_179 : i32
      %scan3A_181 = arith.constant 1 : i32
      %scan3A_182 = scf.for %scan3A_930 = %scan3A_178 to %scan3A_180 step %scan3A_181 iter_args(%scan3A_931 = %scan3A_177) -> (i32)  : i32 {
        %shift_right_arithmetic3A_932 = arith.shrsi %sub3A, %scan3A_930 : i32
        %gt3A = arith.constant 0 : i32
        %gt3A_933 = arith.cmpi sgt, %shift_right_arithmetic3A_932, %gt3A : i32
        %select_n3A = arith.select %gt3A_933, %scan3A_930, %scan3A_931 : i32
        scf.yield %select_n3A : i32
      }
      %scan3A_183 = arith.constant 31 : i32
      %sub3A_184 = arith.constant 30 : i32
      %sub3A_185 = arith.subi %sub3A_184, %scan3A_182 : i32
      %dma_start3A_186 = arith.constant 3 : i32
      %dma_start3A_187 = arith.constant 0 : i32
      %dma_start3A_188 = arith.constant 0 : i32
      %dma_start3A_189 = tpu.memref_slice %arg13[%dma_start3A_186, %dma_start3A_187, %dma_start3A_188] : memref<4x128x128xf32, #tpu.memory_space<vmem>> -> memref<1x128x128xf32, #tpu.memory_space<vmem>>
      %dma_start3A_190 = tpu.memref_squeeze %dma_start3A_189 : memref<1x128x128xf32, #tpu.memory_space<vmem>> -> memref<128x128xf32, #tpu.memory_space<vmem>>
      %dma_start3A_191 = arith.constant 0 : i32
      %dma_start3A_192 = tpu.memref_slice %arg4[%add3A_31, %dma_start3A_191] : memref<1048576x128xf32, #tpu.memory_space<hbm>> -> memref<128x128xf32, #tpu.memory_space<hbm>>
      %dma_start3A_193 = arith.constant 0 : i32
      %dma_start3A_194 = arith.constant 0 : i32
      %dma_start3A_195 = tpu.memref_slice %arg13[%dma_start3A_186, %dma_start3A_193, %dma_start3A_194] : memref<4x128x128xf32, #tpu.memory_space<vmem>> -> memref<1x128x128xf32, #tpu.memory_space<vmem>>
      %dma_start3A_196 = tpu.memref_squeeze %dma_start3A_195 : memref<1x128x128xf32, #tpu.memory_space<vmem>> -> memref<128x128xf32, #tpu.memory_space<vmem>>
      %dma_start3A_197 = arith.constant 0 : i32
      %dma_start3A_198 = tpu.memref_slice %arg4[%add3A_31, %dma_start3A_197] : memref<1048576x128xf32, #tpu.memory_space<hbm>> -> memref<128x128xf32, #tpu.memory_space<hbm>>
      tpu.enqueue_dma source(%dma_start3A_198 : memref<128x128xf32, #tpu.memory_space<hbm>>) target(%dma_start3A_196 : memref<128x128xf32, #tpu.memory_space<vmem>>) target_semaphore(%arg14 : memref<!tpu.dma_semaphore, #tpu.memory_space<semaphore_mem>>)
      %dma_wait3A_199 = arith.constant 2 : i32
      %dma_wait3A_200 = arith.constant 0 : i32
      %dma_wait3A_201 = arith.constant 0 : i32
      %dma_wait3A_202 = tpu.memref_slice %arg13[%dma_wait3A_199, %dma_wait3A_200, %dma_wait3A_201] : memref<4x128x128xf32, #tpu.memory_space<vmem>> -> memref<1x128x128xf32, #tpu.memory_space<vmem>>
      %dma_wait3A_203 = tpu.memref_squeeze %dma_wait3A_202 : memref<1x128x128xf32, #tpu.memory_space<vmem>> -> memref<128x128xf32, #tpu.memory_space<vmem>>
      %dma_wait3A_204 = arith.constant 0 : i32
      %dma_wait3A_205 = tpu.memref_slice %arg3[%add3A_27, %dma_wait3A_204] : memref<1048576x128xf32, #tpu.memory_space<hbm>> -> memref<128x128xf32, #tpu.memory_space<hbm>>
      %dma_wait3A_206 = arith.constant 0 : i32
      %dma_wait3A_207 = arith.constant 0 : i32
      %dma_wait3A_208 = tpu.memref_slice %arg13[%dma_wait3A_199, %dma_wait3A_206, %dma_wait3A_207] : memref<4x128x128xf32, #tpu.memory_space<vmem>> -> memref<1x128x128xf32, #tpu.memory_space<vmem>>
      %dma_wait3A_209 = tpu.memref_squeeze %dma_wait3A_208 : memref<1x128x128xf32, #tpu.memory_space<vmem>> -> memref<128x128xf32, #tpu.memory_space<vmem>>
      %dma_wait3A_210 = arith.constant 0 : i32
      %dma_wait3A_211 = tpu.memref_slice %arg3[%add3A_27, %dma_wait3A_210] : memref<1048576x128xf32, #tpu.memory_space<hbm>> -> memref<128x128xf32, #tpu.memory_space<hbm>>
      tpu.wait_dma2 semaphore(%arg14 : memref<!tpu.dma_semaphore, #tpu.memory_space<semaphore_mem>>) src(%dma_wait3A_211 : memref<128x128xf32, #tpu.memory_space<hbm>>) dst(%dma_wait3A_209 : memref<128x128xf32, #tpu.memory_space<vmem>>)
      %dma_start3A_212 = arith.constant 2 : i32
      %dma_start3A_213 = arith.constant 0 : i32
      %dma_start3A_214 = arith.constant 0 : i32
      %dma_start3A_215 = tpu.memref_slice %arg13[%dma_start3A_212, %dma_start3A_213, %dma_start3A_214] : memref<4x128x128xf32, #tpu.memory_space<vmem>> -> memref<1x128x128xf32, #tpu.memory_space<vmem>>
      %dma_start3A_216 = tpu.memref_squeeze %dma_start3A_215 : memref<1x128x128xf32, #tpu.memory_space<vmem>> -> memref<128x128xf32, #tpu.memory_space<vmem>>
      %dma_start3A_217 = arith.constant 0 : i32
      %dma_start3A_218 = tpu.memref_slice %arg5[%add3A_53, %dma_start3A_217] : memref<262144x128xf32, #tpu.memory_space<hbm>> -> memref<128x128xf32, #tpu.memory_space<hbm>>
      %dma_start3A_219 = arith.constant 0 : i32
      %dma_start3A_220 = tpu.memref_slice %arg5[%add3A_53, %dma_start3A_219] : memref<262144x128xf32, #tpu.memory_space<hbm>> -> memref<128x128xf32, #tpu.memory_space<hbm>>
      %dma_start3A_221 = arith.constant 0 : i32
      %dma_start3A_222 = arith.constant 0 : i32
      %dma_start3A_223 = tpu.memref_slice %arg13[%dma_start3A_212, %dma_start3A_221, %dma_start3A_222] : memref<4x128x128xf32, #tpu.memory_space<vmem>> -> memref<1x128x128xf32, #tpu.memory_space<vmem>>
      %dma_start3A_224 = tpu.memref_squeeze %dma_start3A_223 : memref<1x128x128xf32, #tpu.memory_space<vmem>> -> memref<128x128xf32, #tpu.memory_space<vmem>>
      tpu.enqueue_dma source(%dma_start3A_224 : memref<128x128xf32, #tpu.memory_space<vmem>>) target(%dma_start3A_220 : memref<128x128xf32, #tpu.memory_space<hbm>>) target_semaphore(%arg15 : memref<!tpu.dma_semaphore, #tpu.memory_space<semaphore_mem>>)
      %scan3A_225 = arith.constant 0 : i32
      %scan3A_226 = arith.constant 0 : i32
      %scan3A_227 = arith.constant 224 : i32
      %scan3A_228 = arith.addi %scan3A_226, %scan3A_227 : i32
      %scan3A_229 = arith.constant 1 : i32
      %scan3A_230 = scf.for %scan3A_930 = %scan3A_226 to %scan3A_228 step %scan3A_229 iter_args(%scan3A_931 = %scan3A_225) -> (i32)  : i32 {
        %mul3A_932 = arith.constant 16 : i32
        %mul3A_933 = arith.muli %scan3A_930, %mul3A_932 : i32
        %get3A = arith.index_cast %mul3A_933 : i32 to index
        %get3A_934 = tpu.vector_load %arg8[%get3A] {strides = array<i32>} : memref<4096xi32, #tpu.memory_space<vmem>>, vector<16xi32>,
        %sub3A_935 = vector.broadcast %scan3A_175#0 : i32 to vector<16xi32>
        %sub3A_936 = arith.subi %get3A_934, %sub3A_935 : vector<16xi32>
        %shift_left3A = vector.broadcast %sub3A_185 : i32 to vector<16xi32>
        %shift_left3A_937 = arith.shli %sub3A_936, %shift_left3A : vector<16xi32>
        %mul3A_938 = arith.constant 16 : i32
        %mul3A_939 = arith.muli %scan3A_930, %mul3A_938 : i32
        %swap3A = arith.index_cast %mul3A_939 : i32 to index
        %swap3A_940 = tpu.vector_load %arg9[%swap3A] {strides = array<i32>} : memref<3584xi32, #tpu.memory_space<vmem>>, vector<16xi32>,
        tpu.vector_store %arg9[%swap3A], %shift_left3A_937 {strides = array<i32>} : memref<3584xi32, #tpu.memory_space<vmem>>, vector<16xi32>,
        %scan3A_941 = arith.constant 0 : i32
        scf.yield %scan3A_941 : i32
      }
      %scan3A_231 = arith.constant 224 : i32
      %dma_wait3A_232 = arith.constant 0 : i32
      %dma_wait3A_233 = arith.constant 0 : i32
      %dma_wait3A_234 = arith.constant 0 : i32
      %dma_wait3A_235 = tpu.memref_slice %arg13[%dma_wait3A_232, %dma_wait3A_233, %dma_wait3A_234] : memref<4x128x128xf32, #tpu.memory_space<vmem>> -> memref<1x128x128xf32, #tpu.memory_space<vmem>>
      %dma_wait3A_236 = tpu.memref_squeeze %dma_wait3A_235 : memref<1x128x128xf32, #tpu.memory_space<vmem>> -> memref<128x128xf32, #tpu.memory_space<vmem>>
      %dma_wait3A_237 = arith.constant 0 : i32
      %dma_wait3A_238 = tpu.memref_slice %arg5[%add3A_49, %dma_wait3A_237] : memref<262144x128xf32, #tpu.memory_space<hbm>> -> memref<128x128xf32, #tpu.memory_space<hbm>>
      %dma_wait3A_239 = arith.constant 0 : i32
      %dma_wait3A_240 = tpu.memref_slice %arg5[%add3A_49, %dma_wait3A_239] : memref<262144x128xf32, #tpu.memory_space<hbm>> -> memref<128x128xf32, #tpu.memory_space<hbm>>
      %dma_wait3A_241 = arith.constant 0 : i32
      %dma_wait3A_242 = arith.constant 0 : i32
      %dma_wait3A_243 = tpu.memref_slice %arg13[%dma_wait3A_232, %dma_wait3A_241, %dma_wait3A_242] : memref<4x128x128xf32, #tpu.memory_space<vmem>> -> memref<1x128x128xf32, #tpu.memory_space<vmem>>
      %dma_wait3A_244 = tpu.memref_squeeze %dma_wait3A_243 : memref<1x128x128xf32, #tpu.memory_space<vmem>> -> memref<128x128xf32, #tpu.memory_space<vmem>>
      tpu.wait_dma2 semaphore(%arg15 : memref<!tpu.dma_semaphore, #tpu.memory_space<semaphore_mem>>) src(%dma_wait3A_244 : memref<128x128xf32, #tpu.memory_space<vmem>>) dst(%dma_wait3A_240 : memref<128x128xf32, #tpu.memory_space<hbm>>)
      %dma_start3A_245 = arith.constant 0 : i32
      %dma_start3A_246 = arith.constant 0 : i32
      %dma_start3A_247 = arith.constant 0 : i32
      %dma_start3A_248 = tpu.memref_slice %arg13[%dma_start3A_245, %dma_start3A_246, %dma_start3A_247] : memref<4x128x128xf32, #tpu.memory_space<vmem>> -> memref<1x128x128xf32, #tpu.memory_space<vmem>>
      %dma_start3A_249 = tpu.memref_squeeze %dma_start3A_248 : memref<1x128x128xf32, #tpu.memory_space<vmem>> -> memref<128x128xf32, #tpu.memory_space<vmem>>
      %dma_start3A_250 = arith.constant 0 : i32
      %dma_start3A_251 = tpu.memref_slice %arg3[%add3A_35, %dma_start3A_250] : memref<1048576x128xf32, #tpu.memory_space<hbm>> -> memref<128x128xf32, #tpu.memory_space<hbm>>
      %dma_start3A_252 = arith.constant 0 : i32
      %dma_start3A_253 = arith.constant 0 : i32
      %dma_start3A_254 = tpu.memref_slice %arg13[%dma_start3A_245, %dma_start3A_252, %dma_start3A_253] : memref<4x128x128xf32, #tpu.memory_space<vmem>> -> memref<1x128x128xf32, #tpu.memory_space<vmem>>
      %dma_start3A_255 = tpu.memref_squeeze %dma_start3A_254 : memref<1x128x128xf32, #tpu.memory_space<vmem>> -> memref<128x128xf32, #tpu.memory_space<vmem>>
      %dma_start3A_256 = arith.constant 0 : i32
      %dma_start3A_257 = tpu.memref_slice %arg3[%add3A_35, %dma_start3A_256] : memref<1048576x128xf32, #tpu.memory_space<hbm>> -> memref<128x128xf32, #tpu.memory_space<hbm>>
      tpu.enqueue_dma source(%dma_start3A_257 : memref<128x128xf32, #tpu.memory_space<hbm>>) target(%dma_start3A_255 : memref<128x128xf32, #tpu.memory_space<vmem>>) target_semaphore(%arg14 : memref<!tpu.dma_semaphore, #tpu.memory_space<semaphore_mem>>)
      %dma_wait3A_258 = arith.constant 3 : i32
      %dma_wait3A_259 = arith.constant 0 : i32
      %dma_wait3A_260 = arith.constant 0 : i32
      %dma_wait3A_261 = tpu.memref_slice %arg13[%dma_wait3A_258, %dma_wait3A_259, %dma_wait3A_260] : memref<4x128x128xf32, #tpu.memory_space<vmem>> -> memref<1x128x128xf32, #tpu.memory_space<vmem>>
      %dma_wait3A_262 = tpu.memref_squeeze %dma_wait3A_261 : memref<1x128x128xf32, #tpu.memory_space<vmem>> -> memref<128x128xf32, #tpu.memory_space<vmem>>
      %dma_wait3A_263 = arith.constant 0 : i32
      %dma_wait3A_264 = tpu.memref_slice %arg4[%add3A_31, %dma_wait3A_263] : memref<1048576x128xf32, #tpu.memory_space<hbm>> -> memref<128x128xf32, #tpu.memory_space<hbm>>
      %dma_wait3A_265 = arith.constant 0 : i32
      %dma_wait3A_266 = arith.constant 0 : i32
      %dma_wait3A_267 = tpu.memref_slice %arg13[%dma_wait3A_258, %dma_wait3A_265, %dma_wait3A_266] : memref<4x128x128xf32, #tpu.memory_space<vmem>> -> memref<1x128x128xf32, #tpu.memory_space<vmem>>
      %dma_wait3A_268 = tpu.memref_squeeze %dma_wait3A_267 : memref<1x128x128xf32, #tpu.memory_space<vmem>> -> memref<128x128xf32, #tpu.memory_space<vmem>>
      %dma_wait3A_269 = arith.constant 0 : i32
      %dma_wait3A_270 = tpu.memref_slice %arg4[%add3A_31, %dma_wait3A_269] : memref<1048576x128xf32, #tpu.memory_space<hbm>> -> memref<128x128xf32, #tpu.memory_space<hbm>>
      tpu.wait_dma2 semaphore(%arg14 : memref<!tpu.dma_semaphore, #tpu.memory_space<semaphore_mem>>) src(%dma_wait3A_270 : memref<128x128xf32, #tpu.memory_space<hbm>>) dst(%dma_wait3A_268 : memref<128x128xf32, #tpu.memory_space<vmem>>)
      %dma_start3A_271 = arith.constant 3 : i32
      %dma_start3A_272 = arith.constant 0 : i32
      %dma_start3A_273 = arith.constant 0 : i32
      %dma_start3A_274 = tpu.memref_slice %arg13[%dma_start3A_271, %dma_start3A_272, %dma_start3A_273] : memref<4x128x128xf32, #tpu.memory_space<vmem>> -> memref<1x128x128xf32, #tpu.memory_space<vmem>>
      %dma_start3A_275 = tpu.memref_squeeze %dma_start3A_274 : memref<1x128x128xf32, #tpu.memory_space<vmem>> -> memref<128x128xf32, #tpu.memory_space<vmem>>
      %dma_start3A_276 = arith.constant 0 : i32
      %dma_start3A_277 = tpu.memref_slice %arg6[%add3A_55, %dma_start3A_276] : memref<262144x128xf32, #tpu.memory_space<hbm>> -> memref<128x128xf32, #tpu.memory_space<hbm>>
      %dma_start3A_278 = arith.constant 0 : i32
      %dma_start3A_279 = tpu.memref_slice %arg6[%add3A_55, %dma_start3A_278] : memref<262144x128xf32, #tpu.memory_space<hbm>> -> memref<128x128xf32, #tpu.memory_space<hbm>>
      %dma_start3A_280 = arith.constant 0 : i32
      %dma_start3A_281 = arith.constant 0 : i32
      %dma_start3A_282 = tpu.memref_slice %arg13[%dma_start3A_271, %dma_start3A_280, %dma_start3A_281] : memref<4x128x128xf32, #tpu.memory_space<vmem>> -> memref<1x128x128xf32, #tpu.memory_space<vmem>>
      %dma_start3A_283 = tpu.memref_squeeze %dma_start3A_282 : memref<1x128x128xf32, #tpu.memory_space<vmem>> -> memref<128x128xf32, #tpu.memory_space<vmem>>
      tpu.enqueue_dma source(%dma_start3A_283 : memref<128x128xf32, #tpu.memory_space<vmem>>) target(%dma_start3A_279 : memref<128x128xf32, #tpu.memory_space<hbm>>) target_semaphore(%arg15 : memref<!tpu.dma_semaphore, #tpu.memory_space<semaphore_mem>>)
      %scan3A_284 = arith.constant 3584 : i32
      %scan3A_285 = arith.constant 512 : i32
      %scan3A_286 = arith.constant 0 : i32
      %scan3A_287 = arith.constant 0 : i32
      %scan3A_288 = arith.constant 2 : i32
      %scan3A_289 = arith.addi %scan3A_287, %scan3A_288 : i32
      %scan3A_290 = arith.constant 1 : i32
      %scan3A_291:3 = scf.for %scan3A_930 = %scan3A_287 to %scan3A_289 step %scan3A_290 iter_args(%scan3A_931 = %scan3A_284, %scan3A_932 = %scan3A_285, %scan3A_933 = %scan3A_286) -> (i32, i32, i32)  : i32 {
        %sub3A_934 = arith.constant 30 : i32
        %sub3A_935 = arith.subi %sub3A_934, %scan3A_930 : i32
        %add3A_936 = arith.constant 15 : i32
        %add3A_937 = arith.addi %scan3A_931, %add3A_936 : i32
        %shift_right_arithmetic3A_938 = arith.constant 4 : i32
        %shift_right_arithmetic3A_939 = arith.shrsi %add3A_937, %shift_right_arithmetic3A_938 : i32
        %while3A = arith.constant 0 : i32
        %while3A_940 = arith.constant 0 : i32
        %while3A_941 = arith.subi %shift_right_arithmetic3A_939, %while3A : i32
        %while3A_942 = arith.addi %while3A, %while3A_941 : i32
        %while3A_943 = arith.constant 1 : i32
        %while3A_944 = arith.divsi %while3A_941, %while3A_943 : i32
        %while3A_945 = arith.muli %while3A_944, %while3A_943 : i32
        %while3A_946 = arith.addi %while3A, %while3A_945 : i32
        %while3A_947 = arith.constant 1 : i32
        %while3A_948 = scf.for %while3A_984 = %while3A to %while3A_946 step %while3A_947 iter_args(%while3A_985 = %while3A_940) -> (i32)  : i32 {
          %mul3A_986 = arith.constant 16 : i32
          %mul3A_987 = arith.muli %while3A_984, %mul3A_986 : i32
          %get3A = arith.index_cast %mul3A_987 : i32 to index
          %get3A_988 = tpu.vector_load %arg9[%get3A] {strides = array<i32>} : memref<3584xi32, #tpu.memory_space<vmem>>, vector<16xi32>,
          %mul3A_989 = arith.constant 16 : i32
          %mul3A_990 = arith.muli %while3A_984, %mul3A_989 : i32
          %add3A_991 = vector.broadcast %mul3A_990 : i32 to vector<16xi32>
          %add3A_992 = arith.addi %add3A_991, %iota3A : vector<16xi32>
          %lt3A = vector.broadcast %scan3A_931 : i32 to vector<16xi32>
          %lt3A_993 = arith.cmpi slt, %add3A_992, %lt3A : vector<16xi32>
          %shift_right_arithmetic3A_994 = vector.broadcast %sub3A_935 : i32 to vector<16xi32>
          %shift_right_arithmetic3A_995 = arith.shrsi %get3A_988, %shift_right_arithmetic3A_994 : vector<16xi32>
          %and3A = arith.constant 1 : i32
          %and3A_996 = vector.broadcast %and3A : i32 to vector<16xi32>
          %and3A_997 = arith.andi %shift_right_arithmetic3A_995, %and3A_996 : vector<16xi32>
          %eq3A = arith.constant 1 : i32
          %eq3A_998 = vector.broadcast %eq3A : i32 to vector<16xi32>
          %eq3A_999 = arith.cmpi eq, %and3A_997, %eq3A_998 : vector<16xi32>
          %and3A_1000 = arith.andi %eq3A_999, %lt3A_993 : vector<16xi1>
          %convert_element_type3A = arith.extui %and3A_1000 : vector<16xi1> to vector<16xi32>
          %reduce_sum3A = arith.constant true
          %reduce_sum3A_1001 = vector.broadcast %reduce_sum3A : i1 to vector<16xi1>
          %reduce_sum3A_1002 = tpu.scan <sum>, %convert_element_type3A masked %reduce_sum3A_1001 : vector<16xi32>, vector<16xi1> -> vector<16xi32>
          %reduce_sum3A_1003 = vector.extract %reduce_sum3A_1002[15] : i32 from vector<16xi32>
          %add3A_1004 = arith.addi %while3A_985, %reduce_sum3A_1003 : i32
          scf.yield %add3A_1004 : i32
        }
        %while3A_949 = arith.constant 1 : i32
        %while3A_950 = scf.for %while3A_984 = %while3A_946 to %while3A_942 step %while3A_949 iter_args(%while3A_985 = %while3A_948) -> (i32)  : i32 {
          %mul3A_986 = arith.constant 16 : i32
          %mul3A_987 = arith.muli %while3A_984, %mul3A_986 : i32
          %get3A = arith.index_cast %mul3A_987 : i32 to index
          %get3A_988 = tpu.vector_load %arg9[%get3A] {strides = array<i32>} : memref<3584xi32, #tpu.memory_space<vmem>>, vector<16xi32>,
          %mul3A_989 = arith.constant 16 : i32
          %mul3A_990 = arith.muli %while3A_984, %mul3A_989 : i32
          %add3A_991 = vector.broadcast %mul3A_990 : i32 to vector<16xi32>
          %add3A_992 = arith.addi %add3A_991, %iota3A : vector<16xi32>
          %lt3A = vector.broadcast %scan3A_931 : i32 to vector<16xi32>
          %lt3A_993 = arith.cmpi slt, %add3A_992, %lt3A : vector<16xi32>
          %shift_right_arithmetic3A_994 = vector.broadcast %sub3A_935 : i32 to vector<16xi32>
          %shift_right_arithmetic3A_995 = arith.shrsi %get3A_988, %shift_right_arithmetic3A_994 : vector<16xi32>
          %and3A = arith.constant 1 : i32
          %and3A_996 = vector.broadcast %and3A : i32 to vector<16xi32>
          %and3A_997 = arith.andi %shift_right_arithmetic3A_995, %and3A_996 : vector<16xi32>
          %eq3A = arith.constant 1 : i32
          %eq3A_998 = vector.broadcast %eq3A : i32 to vector<16xi32>
          %eq3A_999 = arith.cmpi eq, %and3A_997, %eq3A_998 : vector<16xi32>
          %and3A_1000 = arith.andi %eq3A_999, %lt3A_993 : vector<16xi1>
          %convert_element_type3A = arith.extui %and3A_1000 : vector<16xi1> to vector<16xi32>
          %reduce_sum3A = arith.constant true
          %reduce_sum3A_1001 = vector.broadcast %reduce_sum3A : i1 to vector<16xi1>
          %reduce_sum3A_1002 = tpu.scan <sum>, %convert_element_type3A masked %reduce_sum3A_1001 : vector<16xi32>, vector<16xi1> -> vector<16xi32>
          %reduce_sum3A_1003 = vector.extract %reduce_sum3A_1002[15] : i32 from vector<16xi32>
          %add3A_1004 = arith.addi %while3A_985, %reduce_sum3A_1003 : i32
          scf.yield %add3A_1004 : i32
        }
        %ge3A = arith.cmpi sge, %while3A_950, %scan3A_932 : i32
        %sub3A_951 = arith.subi %scan3A_931, %while3A_950 : i32
        %select_n3A = arith.select %ge3A, %while3A_950, %sub3A_951 : i32
        %sub3A_952 = arith.subi %scan3A_932, %while3A_950 : i32
        %select_n3A_953 = arith.select %ge3A, %scan3A_932, %sub3A_952 : i32
        %shift_left3A = arith.constant 1 : i32
        %shift_left3A_954 = arith.shli %shift_left3A, %sub3A_935 : i32
        %or3A = arith.ori %scan3A_933, %shift_left3A_954 : i32
        %select_n3A_955 = arith.select %ge3A, %or3A, %scan3A_933 : i32
        %while3A_956 = arith.constant 0 : i32
        %while3A_957 = arith.constant 0 : i32
        %while3A_958 = arith.subi %shift_right_arithmetic3A_939, %while3A_956 : i32
        %while3A_959 = arith.addi %while3A_956, %while3A_958 : i32
        %while3A_960 = arith.constant 1 : i32
        %while3A_961 = arith.divsi %while3A_958, %while3A_960 : i32
        %while3A_962 = arith.muli %while3A_961, %while3A_960 : i32
        %while3A_963 = arith.addi %while3A_956, %while3A_962 : i32
        %while3A_964 = arith.constant 1 : i32
        %while3A_965 = scf.for %while3A_984 = %while3A_956 to %while3A_963 step %while3A_964 iter_args(%while3A_985 = %while3A_957) -> (i32)  : i32 {
          %mul3A_986 = arith.constant 16 : i32
          %mul3A_987 = arith.muli %while3A_984, %mul3A_986 : i32
          %get3A = arith.index_cast %mul3A_987 : i32 to index
          %get3A_988 = tpu.vector_load %arg9[%get3A] {strides = array<i32>} : memref<3584xi32, #tpu.memory_space<vmem>>, vector<16xi32>,
          %mul3A_989 = arith.constant 16 : i32
          %mul3A_990 = arith.muli %while3A_984, %mul3A_989 : i32
          %add3A_991 = vector.broadcast %mul3A_990 : i32 to vector<16xi32>
          %add3A_992 = arith.addi %add3A_991, %iota3A : vector<16xi32>
          %lt3A = vector.broadcast %scan3A_931 : i32 to vector<16xi32>
          %lt3A_993 = arith.cmpi slt, %add3A_992, %lt3A : vector<16xi32>
          %shift_right_arithmetic3A_994 = vector.broadcast %sub3A_935 : i32 to vector<16xi32>
          %shift_right_arithmetic3A_995 = arith.shrsi %get3A_988, %shift_right_arithmetic3A_994 : vector<16xi32>
          %and3A = arith.constant 1 : i32
          %and3A_996 = vector.broadcast %and3A : i32 to vector<16xi32>
          %and3A_997 = arith.andi %shift_right_arithmetic3A_995, %and3A_996 : vector<16xi32>
          %eq3A = arith.constant 1 : i32
          %eq3A_998 = vector.broadcast %eq3A : i32 to vector<16xi32>
          %eq3A_999 = arith.cmpi eq, %and3A_997, %eq3A_998 : vector<16xi32>
          %eq3A_1000 = vector.broadcast %ge3A : i1 to vector<16xi1>
          %eq3A_1001 = vector.broadcast %eq3A_1000 : vector<16xi1> to vector<16xi1>
          %eq3A_1002 = arith.xori %eq3A_999, %eq3A_1001 : vector<16xi1>
          %eq3A_1003 = arith.constant dense<true> : vector<16xi1>
          %eq3A_1004 = arith.xori %eq3A_1002, %eq3A_1003 : vector<16xi1>
          %and3A_1005 = arith.andi %lt3A_993, %eq3A_1004 : vector<16xi1>
          %convert_element_type3A = arith.extui %and3A_1005 : vector<16xi1> to vector<16xi32>
          %broadcast_in_dim3A = arith.constant true
          %broadcast_in_dim3A_1006 = vector.broadcast %broadcast_in_dim3A : i1 to vector<16xi1>
          %masked_cumsum3A = tpu.scan <sum>, %convert_element_type3A masked %broadcast_in_dim3A_1006 : vector<16xi32>, vector<16xi1> -> vector<16xi32>
          %add3A_1007 = vector.broadcast %while3A_985 : i32 to vector<16xi32>
          %add3A_1008 = arith.addi %add3A_1007, %masked_cumsum3A : vector<16xi32>
          %sub3A_1009 = arith.constant 1 : i32
          %sub3A_1010 = vector.broadcast %sub3A_1009 : i32 to vector<16xi32>
          %sub3A_1011 = arith.subi %add3A_1008, %sub3A_1010 : vector<16xi32>
          tpu.vector_store_idx %arg10[%sub3A_1011], %get3A_988 masked %and3A_1005 : memref<3584xi32, #tpu.memory_space<vmem>>[vector<16xi32>], vector<16xi32>, vector<16xi1>
          %reduce_sum3A = arith.constant true
          %reduce_sum3A_1012 = vector.broadcast %reduce_sum3A : i1 to vector<16xi1>
          %reduce_sum3A_1013 = tpu.scan <sum>, %convert_element_type3A masked %reduce_sum3A_1012 : vector<16xi32>, vector<16xi1> -> vector<16xi32>
          %reduce_sum3A_1014 = vector.extract %reduce_sum3A_1013[15] : i32 from vector<16xi32>
          %add3A_1015 = arith.addi %while3A_985, %reduce_sum3A_1014 : i32
          scf.yield %add3A_1015 : i32
        }
        %while3A_966 = arith.constant 1 : i32
        %while3A_967 = scf.for %while3A_984 = %while3A_963 to %while3A_959 step %while3A_966 iter_args(%while3A_985 = %while3A_965) -> (i32)  : i32 {
          %mul3A_986 = arith.constant 16 : i32
          %mul3A_987 = arith.muli %while3A_984, %mul3A_986 : i32
          %get3A = arith.index_cast %mul3A_987 : i32 to index
          %get3A_988 = tpu.vector_load %arg9[%get3A] {strides = array<i32>} : memref<3584xi32, #tpu.memory_space<vmem>>, vector<16xi32>,
          %mul3A_989 = arith.constant 16 : i32
          %mul3A_990 = arith.muli %while3A_984, %mul3A_989 : i32
          %add3A_991 = vector.broadcast %mul3A_990 : i32 to vector<16xi32>
          %add3A_992 = arith.addi %add3A_991, %iota3A : vector<16xi32>
          %lt3A = vector.broadcast %scan3A_931 : i32 to vector<16xi32>
          %lt3A_993 = arith.cmpi slt, %add3A_992, %lt3A : vector<16xi32>
          %shift_right_arithmetic3A_994 = vector.broadcast %sub3A_935 : i32 to vector<16xi32>
          %shift_right_arithmetic3A_995 = arith.shrsi %get3A_988, %shift_right_arithmetic3A_994 : vector<16xi32>
          %and3A = arith.constant 1 : i32
          %and3A_996 = vector.broadcast %and3A : i32 to vector<16xi32>
          %and3A_997 = arith.andi %shift_right_arithmetic3A_995, %and3A_996 : vector<16xi32>
          %eq3A = arith.constant 1 : i32
          %eq3A_998 = vector.broadcast %eq3A : i32 to vector<16xi32>
          %eq3A_999 = arith.cmpi eq, %and3A_997, %eq3A_998 : vector<16xi32>
          %eq3A_1000 = vector.broadcast %ge3A : i1 to vector<16xi1>
          %eq3A_1001 = vector.broadcast %eq3A_1000 : vector<16xi1> to vector<16xi1>
          %eq3A_1002 = arith.xori %eq3A_999, %eq3A_1001 : vector<16xi1>
          %eq3A_1003 = arith.constant dense<true> : vector<16xi1>
          %eq3A_1004 = arith.xori %eq3A_1002, %eq3A_1003 : vector<16xi1>
          %and3A_1005 = arith.andi %lt3A_993, %eq3A_1004 : vector<16xi1>
          %convert_element_type3A = arith.extui %and3A_1005 : vector<16xi1> to vector<16xi32>
          %broadcast_in_dim3A = arith.constant true
          %broadcast_in_dim3A_1006 = vector.broadcast %broadcast_in_dim3A : i1 to vector<16xi1>
          %masked_cumsum3A = tpu.scan <sum>, %convert_element_type3A masked %broadcast_in_dim3A_1006 : vector<16xi32>, vector<16xi1> -> vector<16xi32>
          %add3A_1007 = vector.broadcast %while3A_985 : i32 to vector<16xi32>
          %add3A_1008 = arith.addi %add3A_1007, %masked_cumsum3A : vector<16xi32>
          %sub3A_1009 = arith.constant 1 : i32
          %sub3A_1010 = vector.broadcast %sub3A_1009 : i32 to vector<16xi32>
          %sub3A_1011 = arith.subi %add3A_1008, %sub3A_1010 : vector<16xi32>
          tpu.vector_store_idx %arg10[%sub3A_1011], %get3A_988 masked %and3A_1005 : memref<3584xi32, #tpu.memory_space<vmem>>[vector<16xi32>], vector<16xi32>, vector<16xi1>
          %reduce_sum3A = arith.constant true
          %reduce_sum3A_1012 = vector.broadcast %reduce_sum3A : i1 to vector<16xi1>
          %reduce_sum3A_1013 = tpu.scan <sum>, %convert_element_type3A masked %reduce_sum3A_1012 : vector<16xi32>, vector<16xi1> -> vector<16xi32>
          %reduce_sum3A_1014 = vector.extract %reduce_sum3A_1013[15] : i32 from vector<16xi32>
          %add3A_1015 = arith.addi %while3A_985, %reduce_sum3A_1014 : i32
          scf.yield %add3A_1015 : i32
        }
        %add3A_968 = arith.constant 15 : i32
        %add3A_969 = arith.addi %select_n3A, %add3A_968 : i32
        %shift_right_arithmetic3A_970 = arith.constant 4 : i32
        %shift_right_arithmetic3A_971 = arith.shrsi %add3A_969, %shift_right_arithmetic3A_970 : i32
        %while3A_972 = arith.constant 0 : i32
        %while3A_973 = arith.constant 0 : i32
        %while3A_974 = arith.subi %shift_right_arithmetic3A_971, %while3A_972 : i32
        %while3A_975 = arith.addi %while3A_972, %while3A_974 : i32
        %while3A_976 = arith.constant 1 : i32
        %while3A_977 = arith.divsi %while3A_974, %while3A_976 : i32
        %while3A_978 = arith.muli %while3A_977, %while3A_976 : i32
        %while3A_979 = arith.addi %while3A_972, %while3A_978 : i32
        %while3A_980 = arith.constant 1 : i32
        %while3A_981 = scf.for %while3A_984 = %while3A_972 to %while3A_979 step %while3A_980 iter_args(%while3A_985 = %while3A_973) -> (i32)  : i32 {
          %mul3A_986 = arith.constant 16 : i32
          %mul3A_987 = arith.muli %while3A_984, %mul3A_986 : i32
          %get3A = arith.index_cast %mul3A_987 : i32 to index
          %get3A_988 = tpu.vector_load %arg10[%get3A] {strides = array<i32>} : memref<3584xi32, #tpu.memory_space<vmem>>, vector<16xi32>,
          %mul3A_989 = arith.constant 16 : i32
          %mul3A_990 = arith.muli %while3A_984, %mul3A_989 : i32
          %swap3A = arith.index_cast %mul3A_990 : i32 to index
          %swap3A_991 = tpu.vector_load %arg9[%swap3A] {strides = array<i32>} : memref<3584xi32, #tpu.memory_space<vmem>>, vector<16xi32>,
          tpu.vector_store %arg9[%swap3A], %get3A_988 {strides = array<i32>} : memref<3584xi32, #tpu.memory_space<vmem>>, vector<16xi32>,
          %while3A_992 = arith.constant 0 : i32
          scf.yield %while3A_992 : i32
        }
        %while3A_982 = arith.constant 1 : i32
        %while3A_983 = scf.for %while3A_984 = %while3A_979 to %while3A_975 step %while3A_982 iter_args(%while3A_985 = %while3A_981) -> (i32)  : i32 {
          %mul3A_986 = arith.constant 16 : i32
          %mul3A_987 = arith.muli %while3A_984, %mul3A_986 : i32
          %get3A = arith.index_cast %mul3A_987 : i32 to index
          %get3A_988 = tpu.vector_load %arg10[%get3A] {strides = array<i32>} : memref<3584xi32, #tpu.memory_space<vmem>>, vector<16xi32>,
          %mul3A_989 = arith.constant 16 : i32
          %mul3A_990 = arith.muli %while3A_984, %mul3A_989 : i32
          %swap3A = arith.index_cast %mul3A_990 : i32 to index
          %swap3A_991 = tpu.vector_load %arg9[%swap3A] {strides = array<i32>} : memref<3584xi32, #tpu.memory_space<vmem>>, vector<16xi32>,
          tpu.vector_store %arg9[%swap3A], %get3A_988 {strides = array<i32>} : memref<3584xi32, #tpu.memory_space<vmem>>, vector<16xi32>,
          %while3A_992 = arith.constant 0 : i32
          scf.yield %while3A_992 : i32
        }
        scf.yield %select_n3A, %select_n3A_953, %select_n3A_955 : i32, i32, i32
      }
      %scan3A_292 = arith.constant 2 : i32
      %dma_wait3A_293 = arith.constant 1 : i32
      %dma_wait3A_294 = arith.constant 0 : i32
      %dma_wait3A_295 = arith.constant 0 : i32
      %dma_wait3A_296 = tpu.memref_slice %arg13[%dma_wait3A_293, %dma_wait3A_294, %dma_wait3A_295] : memref<4x128x128xf32, #tpu.memory_space<vmem>> -> memref<1x128x128xf32, #tpu.memory_space<vmem>>
      %dma_wait3A_297 = tpu.memref_squeeze %dma_wait3A_296 : memref<1x128x128xf32, #tpu.memory_space<vmem>> -> memref<128x128xf32, #tpu.memory_space<vmem>>
      %dma_wait3A_298 = arith.constant 0 : i32
      %dma_wait3A_299 = tpu.memref_slice %arg6[%add3A_51, %dma_wait3A_298] : memref<262144x128xf32, #tpu.memory_space<hbm>> -> memref<128x128xf32, #tpu.memory_space<hbm>>
      %dma_wait3A_300 = arith.constant 0 : i32
      %dma_wait3A_301 = tpu.memref_slice %arg6[%add3A_51, %dma_wait3A_300] : memref<262144x128xf32, #tpu.memory_space<hbm>> -> memref<128x128xf32, #tpu.memory_space<hbm>>
      %dma_wait3A_302 = arith.constant 0 : i32
      %dma_wait3A_303 = arith.constant 0 : i32
      %dma_wait3A_304 = tpu.memref_slice %arg13[%dma_wait3A_293, %dma_wait3A_302, %dma_wait3A_303] : memref<4x128x128xf32, #tpu.memory_space<vmem>> -> memref<1x128x128xf32, #tpu.memory_space<vmem>>
      %dma_wait3A_305 = tpu.memref_squeeze %dma_wait3A_304 : memref<1x128x128xf32, #tpu.memory_space<vmem>> -> memref<128x128xf32, #tpu.memory_space<vmem>>
      tpu.wait_dma2 semaphore(%arg15 : memref<!tpu.dma_semaphore, #tpu.memory_space<semaphore_mem>>) src(%dma_wait3A_305 : memref<128x128xf32, #tpu.memory_space<vmem>>) dst(%dma_wait3A_301 : memref<128x128xf32, #tpu.memory_space<hbm>>)
      %dma_start3A_306 = arith.constant 1 : i32
      %dma_start3A_307 = arith.constant 0 : i32
      %dma_start3A_308 = arith.constant 0 : i32
      %dma_start3A_309 = tpu.memref_slice %arg13[%dma_start3A_306, %dma_start3A_307, %dma_start3A_308] : memref<4x128x128xf32, #tpu.memory_space<vmem>> -> memref<1x128x128xf32, #tpu.memory_space<vmem>>
      %dma_start3A_310 = tpu.memref_squeeze %dma_start3A_309 : memref<1x128x128xf32, #tpu.memory_space<vmem>> -> memref<128x128xf32, #tpu.memory_space<vmem>>
      %dma_start3A_311 = arith.constant 0 : i32
      %dma_start3A_312 = tpu.memref_slice %arg4[%add3A_39, %dma_start3A_311] : memref<1048576x128xf32, #tpu.memory_space<hbm>> -> memref<128x128xf32, #tpu.memory_space<hbm>>
      %dma_start3A_313 = arith.constant 0 : i32
      %dma_start3A_314 = arith.constant 0 : i32
      %dma_start3A_315 = tpu.memref_slice %arg13[%dma_start3A_306, %dma_start3A_313, %dma_start3A_314] : memref<4x128x128xf32, #tpu.memory_space<vmem>> -> memref<1x128x128xf32, #tpu.memory_space<vmem>>
      %dma_start3A_316 = tpu.memref_squeeze %dma_start3A_315 : memref<1x128x128xf32, #tpu.memory_space<vmem>> -> memref<128x128xf32, #tpu.memory_space<vmem>>
      %dma_start3A_317 = arith.constant 0 : i32
      %dma_start3A_318 = tpu.memref_slice %arg4[%add3A_39, %dma_start3A_317] : memref<1048576x128xf32, #tpu.memory_space<hbm>> -> memref<128x128xf32, #tpu.memory_space<hbm>>
      tpu.enqueue_dma source(%dma_start3A_318 : memref<128x128xf32, #tpu.memory_space<hbm>>) target(%dma_start3A_316 : memref<128x128xf32, #tpu.memory_space<vmem>>) target_semaphore(%arg14 : memref<!tpu.dma_semaphore, #tpu.memory_space<semaphore_mem>>)
      %dma_wait3A_319 = arith.constant 0 : i32
      %dma_wait3A_320 = arith.constant 0 : i32
      %dma_wait3A_321 = arith.constant 0 : i32
      %dma_wait3A_322 = tpu.memref_slice %arg13[%dma_wait3A_319, %dma_wait3A_320, %dma_wait3A_321] : memref<4x128x128xf32, #tpu.memory_space<vmem>> -> memref<1x128x128xf32, #tpu.memory_space<vmem>>
      %dma_wait3A_323 = tpu.memref_squeeze %dma_wait3A_322 : memref<1x128x128xf32, #tpu.memory_space<vmem>> -> memref<128x128xf32, #tpu.memory_space<vmem>>
      %dma_wait3A_324 = arith.constant 0 : i32
      %dma_wait3A_325 = tpu.memref_slice %arg3[%add3A_35, %dma_wait3A_324] : memref<1048576x128xf32, #tpu.memory_space<hbm>> -> memref<128x128xf32, #tpu.memory_space<hbm>>
      %dma_wait3A_326 = arith.constant 0 : i32
      %dma_wait3A_327 = arith.constant 0 : i32
      %dma_wait3A_328 = tpu.memref_slice %arg13[%dma_wait3A_319, %dma_wait3A_326, %dma_wait3A_327] : memref<4x128x128xf32, #tpu.memory_space<vmem>> -> memref<1x128x128xf32, #tpu.memory_space<vmem>>
      %dma_wait3A_329 = tpu.memref_squeeze %dma_wait3A_328 : memref<1x128x128xf32, #tpu.memory_space<vmem>> -> memref<128x128xf32, #tpu.memory_space<vmem>>
      %dma_wait3A_330 = arith.constant 0 : i32
      %dma_wait3A_331 = tpu.memref_slice %arg3[%add3A_35, %dma_wait3A_330] : memref<1048576x128xf32, #tpu.memory_space<hbm>> -> memref<128x128xf32, #tpu.memory_space<hbm>>
      tpu.wait_dma2 semaphore(%arg14 : memref<!tpu.dma_semaphore, #tpu.memory_space<semaphore_mem>>) src(%dma_wait3A_331 : memref<128x128xf32, #tpu.memory_space<hbm>>) dst(%dma_wait3A_329 : memref<128x128xf32, #tpu.memory_space<vmem>>)
      %dma_start3A_332 = arith.constant 0 : i32
      %dma_start3A_333 = arith.constant 0 : i32
      %dma_start3A_334 = arith.constant 0 : i32
      %dma_start3A_335 = tpu.memref_slice %arg13[%dma_start3A_332, %dma_start3A_333, %dma_start3A_334] : memref<4x128x128xf32, #tpu.memory_space<vmem>> -> memref<1x128x128xf32, #tpu.memory_space<vmem>>
      %dma_start3A_336 = tpu.memref_squeeze %dma_start3A_335 : memref<1x128x128xf32, #tpu.memory_space<vmem>> -> memref<128x128xf32, #tpu.memory_space<vmem>>
      %dma_start3A_337 = arith.constant 0 : i32
      %dma_start3A_338 = tpu.memref_slice %arg5[%add3A_57, %dma_start3A_337] : memref<262144x128xf32, #tpu.memory_space<hbm>> -> memref<128x128xf32, #tpu.memory_space<hbm>>
      %dma_start3A_339 = arith.constant 0 : i32
      %dma_start3A_340 = tpu.memref_slice %arg5[%add3A_57, %dma_start3A_339] : memref<262144x128xf32, #tpu.memory_space<hbm>> -> memref<128x128xf32, #tpu.memory_space<hbm>>
      %dma_start3A_341 = arith.constant 0 : i32
      %dma_start3A_342 = arith.constant 0 : i32
      %dma_start3A_343 = tpu.memref_slice %arg13[%dma_start3A_332, %dma_start3A_341, %dma_start3A_342] : memref<4x128x128xf32, #tpu.memory_space<vmem>> -> memref<1x128x128xf32, #tpu.memory_space<vmem>>
      %dma_start3A_344 = tpu.memref_squeeze %dma_start3A_343 : memref<1x128x128xf32, #tpu.memory_space<vmem>> -> memref<128x128xf32, #tpu.memory_space<vmem>>
      tpu.enqueue_dma source(%dma_start3A_344 : memref<128x128xf32, #tpu.memory_space<vmem>>) target(%dma_start3A_340 : memref<128x128xf32, #tpu.memory_space<hbm>>) target_semaphore(%arg15 : memref<!tpu.dma_semaphore, #tpu.memory_space<semaphore_mem>>)
      %scan3A_345 = arith.constant 2 : i32
      %scan3A_346 = arith.constant 2 : i32
      %scan3A_347 = arith.addi %scan3A_345, %scan3A_346 : i32
      %scan3A_348 = arith.constant 1 : i32
      %scan3A_349:3 = scf.for %scan3A_930 = %scan3A_345 to %scan3A_347 step %scan3A_348 iter_args(%scan3A_931 = %scan3A_291#0, %scan3A_932 = %scan3A_291#1, %scan3A_933 = %scan3A_291#2) -> (i32, i32, i32)  : i32 {
        %sub3A_934 = arith.constant 30 : i32
        %sub3A_935 = arith.subi %sub3A_934, %scan3A_930 : i32
        %add3A_936 = arith.constant 15 : i32
        %add3A_937 = arith.addi %scan3A_931, %add3A_936 : i32
        %shift_right_arithmetic3A_938 = arith.constant 4 : i32
        %shift_right_arithmetic3A_939 = arith.shrsi %add3A_937, %shift_right_arithmetic3A_938 : i32
        %while3A = arith.constant 0 : i32
        %while3A_940 = arith.constant 0 : i32
        %while3A_941 = arith.subi %shift_right_arithmetic3A_939, %while3A : i32
        %while3A_942 = arith.addi %while3A, %while3A_941 : i32
        %while3A_943 = arith.constant 1 : i32
        %while3A_944 = arith.divsi %while3A_941, %while3A_943 : i32
        %while3A_945 = arith.muli %while3A_944, %while3A_943 : i32
        %while3A_946 = arith.addi %while3A, %while3A_945 : i32
        %while3A_947 = arith.constant 1 : i32
        %while3A_948 = scf.for %while3A_984 = %while3A to %while3A_946 step %while3A_947 iter_args(%while3A_985 = %while3A_940) -> (i32)  : i32 {
          %mul3A_986 = arith.constant 16 : i32
          %mul3A_987 = arith.muli %while3A_984, %mul3A_986 : i32
          %get3A = arith.index_cast %mul3A_987 : i32 to index
          %get3A_988 = tpu.vector_load %arg9[%get3A] {strides = array<i32>} : memref<3584xi32, #tpu.memory_space<vmem>>, vector<16xi32>,
          %mul3A_989 = arith.constant 16 : i32
          %mul3A_990 = arith.muli %while3A_984, %mul3A_989 : i32
          %add3A_991 = vector.broadcast %mul3A_990 : i32 to vector<16xi32>
          %add3A_992 = arith.addi %add3A_991, %iota3A : vector<16xi32>
          %lt3A = vector.broadcast %scan3A_931 : i32 to vector<16xi32>
          %lt3A_993 = arith.cmpi slt, %add3A_992, %lt3A : vector<16xi32>
          %shift_right_arithmetic3A_994 = vector.broadcast %sub3A_935 : i32 to vector<16xi32>
          %shift_right_arithmetic3A_995 = arith.shrsi %get3A_988, %shift_right_arithmetic3A_994 : vector<16xi32>
          %and3A = arith.constant 1 : i32
          %and3A_996 = vector.broadcast %and3A : i32 to vector<16xi32>
          %and3A_997 = arith.andi %shift_right_arithmetic3A_995, %and3A_996 : vector<16xi32>
          %eq3A = arith.constant 1 : i32
          %eq3A_998 = vector.broadcast %eq3A : i32 to vector<16xi32>
          %eq3A_999 = arith.cmpi eq, %and3A_997, %eq3A_998 : vector<16xi32>
          %and3A_1000 = arith.andi %eq3A_999, %lt3A_993 : vector<16xi1>
          %convert_element_type3A = arith.extui %and3A_1000 : vector<16xi1> to vector<16xi32>
          %reduce_sum3A = arith.constant true
          %reduce_sum3A_1001 = vector.broadcast %reduce_sum3A : i1 to vector<16xi1>
          %reduce_sum3A_1002 = tpu.scan <sum>, %convert_element_type3A masked %reduce_sum3A_1001 : vector<16xi32>, vector<16xi1> -> vector<16xi32>
          %reduce_sum3A_1003 = vector.extract %reduce_sum3A_1002[15] : i32 from vector<16xi32>
          %add3A_1004 = arith.addi %while3A_985, %reduce_sum3A_1003 : i32
          scf.yield %add3A_1004 : i32
        }
        %while3A_949 = arith.constant 1 : i32
        %while3A_950 = scf.for %while3A_984 = %while3A_946 to %while3A_942 step %while3A_949 iter_args(%while3A_985 = %while3A_948) -> (i32)  : i32 {
          %mul3A_986 = arith.constant 16 : i32
          %mul3A_987 = arith.muli %while3A_984, %mul3A_986 : i32
          %get3A = arith.index_cast %mul3A_987 : i32 to index
          %get3A_988 = tpu.vector_load %arg9[%get3A] {strides = array<i32>} : memref<3584xi32, #tpu.memory_space<vmem>>, vector<16xi32>,
          %mul3A_989 = arith.constant 16 : i32
          %mul3A_990 = arith.muli %while3A_984, %mul3A_989 : i32
          %add3A_991 = vector.broadcast %mul3A_990 : i32 to vector<16xi32>
          %add3A_992 = arith.addi %add3A_991, %iota3A : vector<16xi32>
          %lt3A = vector.broadcast %scan3A_931 : i32 to vector<16xi32>
          %lt3A_993 = arith.cmpi slt, %add3A_992, %lt3A : vector<16xi32>
          %shift_right_arithmetic3A_994 = vector.broadcast %sub3A_935 : i32 to vector<16xi32>
          %shift_right_arithmetic3A_995 = arith.shrsi %get3A_988, %shift_right_arithmetic3A_994 : vector<16xi32>
          %and3A = arith.constant 1 : i32
          %and3A_996 = vector.broadcast %and3A : i32 to vector<16xi32>
          %and3A_997 = arith.andi %shift_right_arithmetic3A_995, %and3A_996 : vector<16xi32>
          %eq3A = arith.constant 1 : i32
          %eq3A_998 = vector.broadcast %eq3A : i32 to vector<16xi32>
          %eq3A_999 = arith.cmpi eq, %and3A_997, %eq3A_998 : vector<16xi32>
          %and3A_1000 = arith.andi %eq3A_999, %lt3A_993 : vector<16xi1>
          %convert_element_type3A = arith.extui %and3A_1000 : vector<16xi1> to vector<16xi32>
          %reduce_sum3A = arith.constant true
          %reduce_sum3A_1001 = vector.broadcast %reduce_sum3A : i1 to vector<16xi1>
          %reduce_sum3A_1002 = tpu.scan <sum>, %convert_element_type3A masked %reduce_sum3A_1001 : vector<16xi32>, vector<16xi1> -> vector<16xi32>
          %reduce_sum3A_1003 = vector.extract %reduce_sum3A_1002[15] : i32 from vector<16xi32>
          %add3A_1004 = arith.addi %while3A_985, %reduce_sum3A_1003 : i32
          scf.yield %add3A_1004 : i32
        }
        %ge3A = arith.cmpi sge, %while3A_950, %scan3A_932 : i32
        %sub3A_951 = arith.subi %scan3A_931, %while3A_950 : i32
        %select_n3A = arith.select %ge3A, %while3A_950, %sub3A_951 : i32
        %sub3A_952 = arith.subi %scan3A_932, %while3A_950 : i32
        %select_n3A_953 = arith.select %ge3A, %scan3A_932, %sub3A_952 : i32
        %shift_left3A = arith.constant 1 : i32
        %shift_left3A_954 = arith.shli %shift_left3A, %sub3A_935 : i32
        %or3A = arith.ori %scan3A_933, %shift_left3A_954 : i32
        %select_n3A_955 = arith.select %ge3A, %or3A, %scan3A_933 : i32
        %while3A_956 = arith.constant 0 : i32
        %while3A_957 = arith.constant 0 : i32
        %while3A_958 = arith.subi %shift_right_arithmetic3A_939, %while3A_956 : i32
        %while3A_959 = arith.addi %while3A_956, %while3A_958 : i32
        %while3A_960 = arith.constant 1 : i32
        %while3A_961 = arith.divsi %while3A_958, %while3A_960 : i32
        %while3A_962 = arith.muli %while3A_961, %while3A_960 : i32
        %while3A_963 = arith.addi %while3A_956, %while3A_962 : i32
        %while3A_964 = arith.constant 1 : i32
        %while3A_965 = scf.for %while3A_984 = %while3A_956 to %while3A_963 step %while3A_964 iter_args(%while3A_985 = %while3A_957) -> (i32)  : i32 {
          %mul3A_986 = arith.constant 16 : i32
          %mul3A_987 = arith.muli %while3A_984, %mul3A_986 : i32
          %get3A = arith.index_cast %mul3A_987 : i32 to index
          %get3A_988 = tpu.vector_load %arg9[%get3A] {strides = array<i32>} : memref<3584xi32, #tpu.memory_space<vmem>>, vector<16xi32>,
          %mul3A_989 = arith.constant 16 : i32
          %mul3A_990 = arith.muli %while3A_984, %mul3A_989 : i32
          %add3A_991 = vector.broadcast %mul3A_990 : i32 to vector<16xi32>
          %add3A_992 = arith.addi %add3A_991, %iota3A : vector<16xi32>
          %lt3A = vector.broadcast %scan3A_931 : i32 to vector<16xi32>
          %lt3A_993 = arith.cmpi slt, %add3A_992, %lt3A : vector<16xi32>
          %shift_right_arithmetic3A_994 = vector.broadcast %sub3A_935 : i32 to vector<16xi32>
          %shift_right_arithmetic3A_995 = arith.shrsi %get3A_988, %shift_right_arithmetic3A_994 : vector<16xi32>
          %and3A = arith.constant 1 : i32
          %and3A_996 = vector.broadcast %and3A : i32 to vector<16xi32>
          %and3A_997 = arith.andi %shift_right_arithmetic3A_995, %and3A_996 : vector<16xi32>
          %eq3A = arith.constant 1 : i32
          %eq3A_998 = vector.broadcast %eq3A : i32 to vector<16xi32>
          %eq3A_999 = arith.cmpi eq, %and3A_997, %eq3A_998 : vector<16xi32>
          %eq3A_1000 = vector.broadcast %ge3A : i1 to vector<16xi1>
          %eq3A_1001 = vector.broadcast %eq3A_1000 : vector<16xi1> to vector<16xi1>
          %eq3A_1002 = arith.xori %eq3A_999, %eq3A_1001 : vector<16xi1>
          %eq3A_1003 = arith.constant dense<true> : vector<16xi1>
          %eq3A_1004 = arith.xori %eq3A_1002, %eq3A_1003 : vector<16xi1>
          %and3A_1005 = arith.andi %lt3A_993, %eq3A_1004 : vector<16xi1>
          %convert_element_type3A = arith.extui %and3A_1005 : vector<16xi1> to vector<16xi32>
          %broadcast_in_dim3A = arith.constant true
          %broadcast_in_dim3A_1006 = vector.broadcast %broadcast_in_dim3A : i1 to vector<16xi1>
          %masked_cumsum3A = tpu.scan <sum>, %convert_element_type3A masked %broadcast_in_dim3A_1006 : vector<16xi32>, vector<16xi1> -> vector<16xi32>
          %add3A_1007 = vector.broadcast %while3A_985 : i32 to vector<16xi32>
          %add3A_1008 = arith.addi %add3A_1007, %masked_cumsum3A : vector<16xi32>
          %sub3A_1009 = arith.constant 1 : i32
          %sub3A_1010 = vector.broadcast %sub3A_1009 : i32 to vector<16xi32>
          %sub3A_1011 = arith.subi %add3A_1008, %sub3A_1010 : vector<16xi32>
          tpu.vector_store_idx %arg10[%sub3A_1011], %get3A_988 masked %and3A_1005 : memref<3584xi32, #tpu.memory_space<vmem>>[vector<16xi32>], vector<16xi32>, vector<16xi1>
          %reduce_sum3A = arith.constant true
          %reduce_sum3A_1012 = vector.broadcast %reduce_sum3A : i1 to vector<16xi1>
          %reduce_sum3A_1013 = tpu.scan <sum>, %convert_element_type3A masked %reduce_sum3A_1012 : vector<16xi32>, vector<16xi1> -> vector<16xi32>
          %reduce_sum3A_1014 = vector.extract %reduce_sum3A_1013[15] : i32 from vector<16xi32>
          %add3A_1015 = arith.addi %while3A_985, %reduce_sum3A_1014 : i32
          scf.yield %add3A_1015 : i32
        }
        %while3A_966 = arith.constant 1 : i32
        %while3A_967 = scf.for %while3A_984 = %while3A_963 to %while3A_959 step %while3A_966 iter_args(%while3A_985 = %while3A_965) -> (i32)  : i32 {
          %mul3A_986 = arith.constant 16 : i32
          %mul3A_987 = arith.muli %while3A_984, %mul3A_986 : i32
          %get3A = arith.index_cast %mul3A_987 : i32 to index
          %get3A_988 = tpu.vector_load %arg9[%get3A] {strides = array<i32>} : memref<3584xi32, #tpu.memory_space<vmem>>, vector<16xi32>,
          %mul3A_989 = arith.constant 16 : i32
          %mul3A_990 = arith.muli %while3A_984, %mul3A_989 : i32
          %add3A_991 = vector.broadcast %mul3A_990 : i32 to vector<16xi32>
          %add3A_992 = arith.addi %add3A_991, %iota3A : vector<16xi32>
          %lt3A = vector.broadcast %scan3A_931 : i32 to vector<16xi32>
          %lt3A_993 = arith.cmpi slt, %add3A_992, %lt3A : vector<16xi32>
          %shift_right_arithmetic3A_994 = vector.broadcast %sub3A_935 : i32 to vector<16xi32>
          %shift_right_arithmetic3A_995 = arith.shrsi %get3A_988, %shift_right_arithmetic3A_994 : vector<16xi32>
          %and3A = arith.constant 1 : i32
          %and3A_996 = vector.broadcast %and3A : i32 to vector<16xi32>
          %and3A_997 = arith.andi %shift_right_arithmetic3A_995, %and3A_996 : vector<16xi32>
          %eq3A = arith.constant 1 : i32
          %eq3A_998 = vector.broadcast %eq3A : i32 to vector<16xi32>
          %eq3A_999 = arith.cmpi eq, %and3A_997, %eq3A_998 : vector<16xi32>
          %eq3A_1000 = vector.broadcast %ge3A : i1 to vector<16xi1>
          %eq3A_1001 = vector.broadcast %eq3A_1000 : vector<16xi1> to vector<16xi1>
          %eq3A_1002 = arith.xori %eq3A_999, %eq3A_1001 : vector<16xi1>
          %eq3A_1003 = arith.constant dense<true> : vector<16xi1>
          %eq3A_1004 = arith.xori %eq3A_1002, %eq3A_1003 : vector<16xi1>
          %and3A_1005 = arith.andi %lt3A_993, %eq3A_1004 : vector<16xi1>
          %convert_element_type3A = arith.extui %and3A_1005 : vector<16xi1> to vector<16xi32>
          %broadcast_in_dim3A = arith.constant true
          %broadcast_in_dim3A_1006 = vector.broadcast %broadcast_in_dim3A : i1 to vector<16xi1>
          %masked_cumsum3A = tpu.scan <sum>, %convert_element_type3A masked %broadcast_in_dim3A_1006 : vector<16xi32>, vector<16xi1> -> vector<16xi32>
          %add3A_1007 = vector.broadcast %while3A_985 : i32 to vector<16xi32>
          %add3A_1008 = arith.addi %add3A_1007, %masked_cumsum3A : vector<16xi32>
          %sub3A_1009 = arith.constant 1 : i32
          %sub3A_1010 = vector.broadcast %sub3A_1009 : i32 to vector<16xi32>
          %sub3A_1011 = arith.subi %add3A_1008, %sub3A_1010 : vector<16xi32>
          tpu.vector_store_idx %arg10[%sub3A_1011], %get3A_988 masked %and3A_1005 : memref<3584xi32, #tpu.memory_space<vmem>>[vector<16xi32>], vector<16xi32>, vector<16xi1>
          %reduce_sum3A = arith.constant true
          %reduce_sum3A_1012 = vector.broadcast %reduce_sum3A : i1 to vector<16xi1>
          %reduce_sum3A_1013 = tpu.scan <sum>, %convert_element_type3A masked %reduce_sum3A_1012 : vector<16xi32>, vector<16xi1> -> vector<16xi32>
          %reduce_sum3A_1014 = vector.extract %reduce_sum3A_1013[15] : i32 from vector<16xi32>
          %add3A_1015 = arith.addi %while3A_985, %reduce_sum3A_1014 : i32
          scf.yield %add3A_1015 : i32
        }
        %add3A_968 = arith.constant 15 : i32
        %add3A_969 = arith.addi %select_n3A, %add3A_968 : i32
        %shift_right_arithmetic3A_970 = arith.constant 4 : i32
        %shift_right_arithmetic3A_971 = arith.shrsi %add3A_969, %shift_right_arithmetic3A_970 : i32
        %while3A_972 = arith.constant 0 : i32
        %while3A_973 = arith.constant 0 : i32
        %while3A_974 = arith.subi %shift_right_arithmetic3A_971, %while3A_972 : i32
        %while3A_975 = arith.addi %while3A_972, %while3A_974 : i32
        %while3A_976 = arith.constant 1 : i32
        %while3A_977 = arith.divsi %while3A_974, %while3A_976 : i32
        %while3A_978 = arith.muli %while3A_977, %while3A_976 : i32
        %while3A_979 = arith.addi %while3A_972, %while3A_978 : i32
        %while3A_980 = arith.constant 1 : i32
        %while3A_981 = scf.for %while3A_984 = %while3A_972 to %while3A_979 step %while3A_980 iter_args(%while3A_985 = %while3A_973) -> (i32)  : i32 {
          %mul3A_986 = arith.constant 16 : i32
          %mul3A_987 = arith.muli %while3A_984, %mul3A_986 : i32
          %get3A = arith.index_cast %mul3A_987 : i32 to index
          %get3A_988 = tpu.vector_load %arg10[%get3A] {strides = array<i32>} : memref<3584xi32, #tpu.memory_space<vmem>>, vector<16xi32>,
          %mul3A_989 = arith.constant 16 : i32
          %mul3A_990 = arith.muli %while3A_984, %mul3A_989 : i32
          %swap3A = arith.index_cast %mul3A_990 : i32 to index
          %swap3A_991 = tpu.vector_load %arg9[%swap3A] {strides = array<i32>} : memref<3584xi32, #tpu.memory_space<vmem>>, vector<16xi32>,
          tpu.vector_store %arg9[%swap3A], %get3A_988 {strides = array<i32>} : memref<3584xi32, #tpu.memory_space<vmem>>, vector<16xi32>,
          %while3A_992 = arith.constant 0 : i32
          scf.yield %while3A_992 : i32
        }
        %while3A_982 = arith.constant 1 : i32
        %while3A_983 = scf.for %while3A_984 = %while3A_979 to %while3A_975 step %while3A_982 iter_args(%while3A_985 = %while3A_981) -> (i32)  : i32 {
          %mul3A_986 = arith.constant 16 : i32
          %mul3A_987 = arith.muli %while3A_984, %mul3A_986 : i32
          %get3A = arith.index_cast %mul3A_987 : i32 to index
          %get3A_988 = tpu.vector_load %arg10[%get3A] {strides = array<i32>} : memref<3584xi32, #tpu.memory_space<vmem>>, vector<16xi32>,
          %mul3A_989 = arith.constant 16 : i32
          %mul3A_990 = arith.muli %while3A_984, %mul3A_989 : i32
          %swap3A = arith.index_cast %mul3A_990 : i32 to index
          %swap3A_991 = tpu.vector_load %arg9[%swap3A] {strides = array<i32>} : memref<3584xi32, #tpu.memory_space<vmem>>, vector<16xi32>,
          tpu.vector_store %arg9[%swap3A], %get3A_988 {strides = array<i32>} : memref<3584xi32, #tpu.memory_space<vmem>>, vector<16xi32>,
          %while3A_992 = arith.constant 0 : i32
          scf.yield %while3A_992 : i32
        }
        scf.yield %select_n3A, %select_n3A_953, %select_n3A_955 : i32, i32, i32
      }
      %scan3A_350 = arith.constant 2 : i32
      %dma_wait3A_351 = arith.constant 2 : i32
      %dma_wait3A_352 = arith.constant 0 : i32
      %dma_wait3A_353 = arith.constant 0 : i32
      %dma_wait3A_354 = tpu.memref_slice %arg13[%dma_wait3A_351, %dma_wait3A_352, %dma_wait3A_353] : memref<4x128x128xf32, #tpu.memory_space<vmem>> -> memref<1x128x128xf32, #tpu.memory_space<vmem>>
      %dma_wait3A_355 = tpu.memref_squeeze %dma_wait3A_354 : memref<1x128x128xf32, #tpu.memory_space<vmem>> -> memref<128x128xf32, #tpu.memory_space<vmem>>
      %dma_wait3A_356 = arith.constant 0 : i32
      %dma_wait3A_357 = tpu.memref_slice %arg5[%add3A_53, %dma_wait3A_356] : memref<262144x128xf32, #tpu.memory_space<hbm>> -> memref<128x128xf32, #tpu.memory_space<hbm>>
      %dma_wait3A_358 = arith.constant 0 : i32
      %dma_wait3A_359 = tpu.memref_slice %arg5[%add3A_53, %dma_wait3A_358] : memref<262144x128xf32, #tpu.memory_space<hbm>> -> memref<128x128xf32, #tpu.memory_space<hbm>>
      %dma_wait3A_360 = arith.constant 0 : i32
      %dma_wait3A_361 = arith.constant 0 : i32
      %dma_wait3A_362 = tpu.memref_slice %arg13[%dma_wait3A_351, %dma_wait3A_360, %dma_wait3A_361] : memref<4x128x128xf32, #tpu.memory_space<vmem>> -> memref<1x128x128xf32, #tpu.memory_space<vmem>>
      %dma_wait3A_363 = tpu.memref_squeeze %dma_wait3A_362 : memref<1x128x128xf32, #tpu.memory_space<vmem>> -> memref<128x128xf32, #tpu.memory_space<vmem>>
      tpu.wait_dma2 semaphore(%arg15 : memref<!tpu.dma_semaphore, #tpu.memory_space<semaphore_mem>>) src(%dma_wait3A_363 : memref<128x128xf32, #tpu.memory_space<vmem>>) dst(%dma_wait3A_359 : memref<128x128xf32, #tpu.memory_space<hbm>>)
      %dma_start3A_364 = arith.constant 2 : i32
      %dma_start3A_365 = arith.constant 0 : i32
      %dma_start3A_366 = arith.constant 0 : i32
      %dma_start3A_367 = tpu.memref_slice %arg13[%dma_start3A_364, %dma_start3A_365, %dma_start3A_366] : memref<4x128x128xf32, #tpu.memory_space<vmem>> -> memref<1x128x128xf32, #tpu.memory_space<vmem>>
      %dma_start3A_368 = tpu.memref_squeeze %dma_start3A_367 : memref<1x128x128xf32, #tpu.memory_space<vmem>> -> memref<128x128xf32, #tpu.memory_space<vmem>>
      %dma_start3A_369 = arith.constant 0 : i32
      %dma_start3A_370 = tpu.memref_slice %arg3[%add3A_43, %dma_start3A_369] : memref<1048576x128xf32, #tpu.memory_space<hbm>> -> memref<128x128xf32, #tpu.memory_space<hbm>>
      %dma_start3A_371 = arith.constant 0 : i32
      %dma_start3A_372 = arith.constant 0 : i32
      %dma_start3A_373 = tpu.memref_slice %arg13[%dma_start3A_364, %dma_start3A_371, %dma_start3A_372] : memref<4x128x128xf32, #tpu.memory_space<vmem>> -> memref<1x128x128xf32, #tpu.memory_space<vmem>>
      %dma_start3A_374 = tpu.memref_squeeze %dma_start3A_373 : memref<1x128x128xf32, #tpu.memory_space<vmem>> -> memref<128x128xf32, #tpu.memory_space<vmem>>
      %dma_start3A_375 = arith.constant 0 : i32
      %dma_start3A_376 = tpu.memref_slice %arg3[%add3A_43, %dma_start3A_375] : memref<1048576x128xf32, #tpu.memory_space<hbm>> -> memref<128x128xf32, #tpu.memory_space<hbm>>
      tpu.enqueue_dma source(%dma_start3A_376 : memref<128x128xf32, #tpu.memory_space<hbm>>) target(%dma_start3A_374 : memref<128x128xf32, #tpu.memory_space<vmem>>) target_semaphore(%arg14 : memref<!tpu.dma_semaphore, #tpu.memory_space<semaphore_mem>>)
      %dma_wait3A_377 = arith.constant 1 : i32
      %dma_wait3A_378 = arith.constant 0 : i32
      %dma_wait3A_379 = arith.constant 0 : i32
      %dma_wait3A_380 = tpu.memref_slice %arg13[%dma_wait3A_377, %dma_wait3A_378, %dma_wait3A_379] : memref<4x128x128xf32, #tpu.memory_space<vmem>> -> memref<1x128x128xf32, #tpu.memory_space<vmem>>
      %dma_wait3A_381 = tpu.memref_squeeze %dma_wait3A_380 : memref<1x128x128xf32, #tpu.memory_space<vmem>> -> memref<128x128xf32, #tpu.memory_space<vmem>>
      %dma_wait3A_382 = arith.constant 0 : i32
      %dma_wait3A_383 = tpu.memref_slice %arg4[%add3A_39, %dma_wait3A_382] : memref<1048576x128xf32, #tpu.memory_space<hbm>> -> memref<128x128xf32, #tpu.memory_space<hbm>>
      %dma_wait3A_384 = arith.constant 0 : i32
      %dma_wait3A_385 = arith.constant 0 : i32
      %dma_wait3A_386 = tpu.memref_slice %arg13[%dma_wait3A_377, %dma_wait3A_384, %dma_wait3A_385] : memref<4x128x128xf32, #tpu.memory_space<vmem>> -> memref<1x128x128xf32, #tpu.memory_space<vmem>>
      %dma_wait3A_387 = tpu.memref_squeeze %dma_wait3A_386 : memref<1x128x128xf32, #tpu.memory_space<vmem>> -> memref<128x128xf32, #tpu.memory_space<vmem>>
      %dma_wait3A_388 = arith.constant 0 : i32
      %dma_wait3A_389 = tpu.memref_slice %arg4[%add3A_39, %dma_wait3A_388] : memref<1048576x128xf32, #tpu.memory_space<hbm>> -> memref<128x128xf32, #tpu.memory_space<hbm>>
      tpu.wait_dma2 semaphore(%arg14 : memref<!tpu.dma_semaphore, #tpu.memory_space<semaphore_mem>>) src(%dma_wait3A_389 : memref<128x128xf32, #tpu.memory_space<hbm>>) dst(%dma_wait3A_387 : memref<128x128xf32, #tpu.memory_space<vmem>>)
      %dma_start3A_390 = arith.constant 1 : i32
      %dma_start3A_391 = arith.constant 0 : i32
      %dma_start3A_392 = arith.constant 0 : i32
      %dma_start3A_393 = tpu.memref_slice %arg13[%dma_start3A_390, %dma_start3A_391, %dma_start3A_392] : memref<4x128x128xf32, #tpu.memory_space<vmem>> -> memref<1x128x128xf32, #tpu.memory_space<vmem>>
      %dma_start3A_394 = tpu.memref_squeeze %dma_start3A_393 : memref<1x128x128xf32, #tpu.memory_space<vmem>> -> memref<128x128xf32, #tpu.memory_space<vmem>>
      %dma_start3A_395 = arith.constant 0 : i32
      %dma_start3A_396 = tpu.memref_slice %arg6[%add3A_59, %dma_start3A_395] : memref<262144x128xf32, #tpu.memory_space<hbm>> -> memref<128x128xf32, #tpu.memory_space<hbm>>
      %dma_start3A_397 = arith.constant 0 : i32
      %dma_start3A_398 = tpu.memref_slice %arg6[%add3A_59, %dma_start3A_397] : memref<262144x128xf32, #tpu.memory_space<hbm>> -> memref<128x128xf32, #tpu.memory_space<hbm>>
      %dma_start3A_399 = arith.constant 0 : i32
      %dma_start3A_400 = arith.constant 0 : i32
      %dma_start3A_401 = tpu.memref_slice %arg13[%dma_start3A_390, %dma_start3A_399, %dma_start3A_400] : memref<4x128x128xf32, #tpu.memory_space<vmem>> -> memref<1x128x128xf32, #tpu.memory_space<vmem>>
      %dma_start3A_402 = tpu.memref_squeeze %dma_start3A_401 : memref<1x128x128xf32, #tpu.memory_space<vmem>> -> memref<128x128xf32, #tpu.memory_space<vmem>>
      tpu.enqueue_dma source(%dma_start3A_402 : memref<128x128xf32, #tpu.memory_space<vmem>>) target(%dma_start3A_398 : memref<128x128xf32, #tpu.memory_space<hbm>>) target_semaphore(%arg15 : memref<!tpu.dma_semaphore, #tpu.memory_space<semaphore_mem>>)
      %scan3A_403 = arith.constant 4 : i32
      %scan3A_404 = arith.constant 2 : i32
      %scan3A_405 = arith.addi %scan3A_403, %scan3A_404 : i32
      %scan3A_406 = arith.constant 1 : i32
      %scan3A_407:3 = scf.for %scan3A_930 = %scan3A_403 to %scan3A_405 step %scan3A_406 iter_args(%scan3A_931 = %scan3A_349#0, %scan3A_932 = %scan3A_349#1, %scan3A_933 = %scan3A_349#2) -> (i32, i32, i32)  : i32 {
        %sub3A_934 = arith.constant 30 : i32
        %sub3A_935 = arith.subi %sub3A_934, %scan3A_930 : i32
        %add3A_936 = arith.constant 15 : i32
        %add3A_937 = arith.addi %scan3A_931, %add3A_936 : i32
        %shift_right_arithmetic3A_938 = arith.constant 4 : i32
        %shift_right_arithmetic3A_939 = arith.shrsi %add3A_937, %shift_right_arithmetic3A_938 : i32
        %while3A = arith.constant 0 : i32
        %while3A_940 = arith.constant 0 : i32
        %while3A_941 = arith.subi %shift_right_arithmetic3A_939, %while3A : i32
        %while3A_942 = arith.addi %while3A, %while3A_941 : i32
        %while3A_943 = arith.constant 1 : i32
        %while3A_944 = arith.divsi %while3A_941, %while3A_943 : i32
        %while3A_945 = arith.muli %while3A_944, %while3A_943 : i32
        %while3A_946 = arith.addi %while3A, %while3A_945 : i32
        %while3A_947 = arith.constant 1 : i32
        %while3A_948 = scf.for %while3A_984 = %while3A to %while3A_946 step %while3A_947 iter_args(%while3A_985 = %while3A_940) -> (i32)  : i32 {
          %mul3A_986 = arith.constant 16 : i32
          %mul3A_987 = arith.muli %while3A_984, %mul3A_986 : i32
          %get3A = arith.index_cast %mul3A_987 : i32 to index
          %get3A_988 = tpu.vector_load %arg9[%get3A] {strides = array<i32>} : memref<3584xi32, #tpu.memory_space<vmem>>, vector<16xi32>,
          %mul3A_989 = arith.constant 16 : i32
          %mul3A_990 = arith.muli %while3A_984, %mul3A_989 : i32
          %add3A_991 = vector.broadcast %mul3A_990 : i32 to vector<16xi32>
          %add3A_992 = arith.addi %add3A_991, %iota3A : vector<16xi32>
          %lt3A = vector.broadcast %scan3A_931 : i32 to vector<16xi32>
          %lt3A_993 = arith.cmpi slt, %add3A_992, %lt3A : vector<16xi32>
          %shift_right_arithmetic3A_994 = vector.broadcast %sub3A_935 : i32 to vector<16xi32>
          %shift_right_arithmetic3A_995 = arith.shrsi %get3A_988, %shift_right_arithmetic3A_994 : vector<16xi32>
          %and3A = arith.constant 1 : i32
          %and3A_996 = vector.broadcast %and3A : i32 to vector<16xi32>
          %and3A_997 = arith.andi %shift_right_arithmetic3A_995, %and3A_996 : vector<16xi32>
          %eq3A = arith.constant 1 : i32
          %eq3A_998 = vector.broadcast %eq3A : i32 to vector<16xi32>
          %eq3A_999 = arith.cmpi eq, %and3A_997, %eq3A_998 : vector<16xi32>
          %and3A_1000 = arith.andi %eq3A_999, %lt3A_993 : vector<16xi1>
          %convert_element_type3A = arith.extui %and3A_1000 : vector<16xi1> to vector<16xi32>
          %reduce_sum3A = arith.constant true
          %reduce_sum3A_1001 = vector.broadcast %reduce_sum3A : i1 to vector<16xi1>
          %reduce_sum3A_1002 = tpu.scan <sum>, %convert_element_type3A masked %reduce_sum3A_1001 : vector<16xi32>, vector<16xi1> -> vector<16xi32>
          %reduce_sum3A_1003 = vector.extract %reduce_sum3A_1002[15] : i32 from vector<16xi32>
          %add3A_1004 = arith.addi %while3A_985, %reduce_sum3A_1003 : i32
          scf.yield %add3A_1004 : i32
        }
        %while3A_949 = arith.constant 1 : i32
        %while3A_950 = scf.for %while3A_984 = %while3A_946 to %while3A_942 step %while3A_949 iter_args(%while3A_985 = %while3A_948) -> (i32)  : i32 {
          %mul3A_986 = arith.constant 16 : i32
          %mul3A_987 = arith.muli %while3A_984, %mul3A_986 : i32
          %get3A = arith.index_cast %mul3A_987 : i32 to index
          %get3A_988 = tpu.vector_load %arg9[%get3A] {strides = array<i32>} : memref<3584xi32, #tpu.memory_space<vmem>>, vector<16xi32>,
          %mul3A_989 = arith.constant 16 : i32
          %mul3A_990 = arith.muli %while3A_984, %mul3A_989 : i32
          %add3A_991 = vector.broadcast %mul3A_990 : i32 to vector<16xi32>
          %add3A_992 = arith.addi %add3A_991, %iota3A : vector<16xi32>
          %lt3A = vector.broadcast %scan3A_931 : i32 to vector<16xi32>
          %lt3A_993 = arith.cmpi slt, %add3A_992, %lt3A : vector<16xi32>
          %shift_right_arithmetic3A_994 = vector.broadcast %sub3A_935 : i32 to vector<16xi32>
          %shift_right_arithmetic3A_995 = arith.shrsi %get3A_988, %shift_right_arithmetic3A_994 : vector<16xi32>
          %and3A = arith.constant 1 : i32
          %and3A_996 = vector.broadcast %and3A : i32 to vector<16xi32>
          %and3A_997 = arith.andi %shift_right_arithmetic3A_995, %and3A_996 : vector<16xi32>
          %eq3A = arith.constant 1 : i32
          %eq3A_998 = vector.broadcast %eq3A : i32 to vector<16xi32>
          %eq3A_999 = arith.cmpi eq, %and3A_997, %eq3A_998 : vector<16xi32>
          %and3A_1000 = arith.andi %eq3A_999, %lt3A_993 : vector<16xi1>
          %convert_element_type3A = arith.extui %and3A_1000 : vector<16xi1> to vector<16xi32>
          %reduce_sum3A = arith.constant true
          %reduce_sum3A_1001 = vector.broadcast %reduce_sum3A : i1 to vector<16xi1>
          %reduce_sum3A_1002 = tpu.scan <sum>, %convert_element_type3A masked %reduce_sum3A_1001 : vector<16xi32>, vector<16xi1> -> vector<16xi32>
          %reduce_sum3A_1003 = vector.extract %reduce_sum3A_1002[15] : i32 from vector<16xi32>
          %add3A_1004 = arith.addi %while3A_985, %reduce_sum3A_1003 : i32
          scf.yield %add3A_1004 : i32
        }
        %ge3A = arith.cmpi sge, %while3A_950, %scan3A_932 : i32
        %sub3A_951 = arith.subi %scan3A_931, %while3A_950 : i32
        %select_n3A = arith.select %ge3A, %while3A_950, %sub3A_951 : i32
        %sub3A_952 = arith.subi %scan3A_932, %while3A_950 : i32
        %select_n3A_953 = arith.select %ge3A, %scan3A_932, %sub3A_952 : i32
        %shift_left3A = arith.constant 1 : i32
        %shift_left3A_954 = arith.shli %shift_left3A, %sub3A_935 : i32
        %or3A = arith.ori %scan3A_933, %shift_left3A_954 : i32
        %select_n3A_955 = arith.select %ge3A, %or3A, %scan3A_933 : i32
        %while3A_956 = arith.constant 0 : i32
        %while3A_957 = arith.constant 0 : i32
        %while3A_958 = arith.subi %shift_right_arithmetic3A_939, %while3A_956 : i32
        %while3A_959 = arith.addi %while3A_956, %while3A_958 : i32
        %while3A_960 = arith.constant 1 : i32
        %while3A_961 = arith.divsi %while3A_958, %while3A_960 : i32
        %while3A_962 = arith.muli %while3A_961, %while3A_960 : i32
        %while3A_963 = arith.addi %while3A_956, %while3A_962 : i32
        %while3A_964 = arith.constant 1 : i32
        %while3A_965 = scf.for %while3A_984 = %while3A_956 to %while3A_963 step %while3A_964 iter_args(%while3A_985 = %while3A_957) -> (i32)  : i32 {
          %mul3A_986 = arith.constant 16 : i32
          %mul3A_987 = arith.muli %while3A_984, %mul3A_986 : i32
          %get3A = arith.index_cast %mul3A_987 : i32 to index
          %get3A_988 = tpu.vector_load %arg9[%get3A] {strides = array<i32>} : memref<3584xi32, #tpu.memory_space<vmem>>, vector<16xi32>,
          %mul3A_989 = arith.constant 16 : i32
          %mul3A_990 = arith.muli %while3A_984, %mul3A_989 : i32
          %add3A_991 = vector.broadcast %mul3A_990 : i32 to vector<16xi32>
          %add3A_992 = arith.addi %add3A_991, %iota3A : vector<16xi32>
          %lt3A = vector.broadcast %scan3A_931 : i32 to vector<16xi32>
          %lt3A_993 = arith.cmpi slt, %add3A_992, %lt3A : vector<16xi32>
          %shift_right_arithmetic3A_994 = vector.broadcast %sub3A_935 : i32 to vector<16xi32>
          %shift_right_arithmetic3A_995 = arith.shrsi %get3A_988, %shift_right_arithmetic3A_994 : vector<16xi32>
          %and3A = arith.constant 1 : i32
          %and3A_996 = vector.broadcast %and3A : i32 to vector<16xi32>
          %and3A_997 = arith.andi %shift_right_arithmetic3A_995, %and3A_996 : vector<16xi32>
          %eq3A = arith.constant 1 : i32
          %eq3A_998 = vector.broadcast %eq3A : i32 to vector<16xi32>
          %eq3A_999 = arith.cmpi eq, %and3A_997, %eq3A_998 : vector<16xi32>
          %eq3A_1000 = vector.broadcast %ge3A : i1 to vector<16xi1>
          %eq3A_1001 = vector.broadcast %eq3A_1000 : vector<16xi1> to vector<16xi1>
          %eq3A_1002 = arith.xori %eq3A_999, %eq3A_1001 : vector<16xi1>
          %eq3A_1003 = arith.constant dense<true> : vector<16xi1>
          %eq3A_1004 = arith.xori %eq3A_1002, %eq3A_1003 : vector<16xi1>
          %and3A_1005 = arith.andi %lt3A_993, %eq3A_1004 : vector<16xi1>
          %convert_element_type3A = arith.extui %and3A_1005 : vector<16xi1> to vector<16xi32>
          %broadcast_in_dim3A = arith.constant true
          %broadcast_in_dim3A_1006 = vector.broadcast %broadcast_in_dim3A : i1 to vector<16xi1>
          %masked_cumsum3A = tpu.scan <sum>, %convert_element_type3A masked %broadcast_in_dim3A_1006 : vector<16xi32>, vector<16xi1> -> vector<16xi32>
          %add3A_1007 = vector.broadcast %while3A_985 : i32 to vector<16xi32>
          %add3A_1008 = arith.addi %add3A_1007, %masked_cumsum3A : vector<16xi32>
          %sub3A_1009 = arith.constant 1 : i32
          %sub3A_1010 = vector.broadcast %sub3A_1009 : i32 to vector<16xi32>
          %sub3A_1011 = arith.subi %add3A_1008, %sub3A_1010 : vector<16xi32>
          tpu.vector_store_idx %arg10[%sub3A_1011], %get3A_988 masked %and3A_1005 : memref<3584xi32, #tpu.memory_space<vmem>>[vector<16xi32>], vector<16xi32>, vector<16xi1>
          %reduce_sum3A = arith.constant true
          %reduce_sum3A_1012 = vector.broadcast %reduce_sum3A : i1 to vector<16xi1>
          %reduce_sum3A_1013 = tpu.scan <sum>, %convert_element_type3A masked %reduce_sum3A_1012 : vector<16xi32>, vector<16xi1> -> vector<16xi32>
          %reduce_sum3A_1014 = vector.extract %reduce_sum3A_1013[15] : i32 from vector<16xi32>
          %add3A_1015 = arith.addi %while3A_985, %reduce_sum3A_1014 : i32
          scf.yield %add3A_1015 : i32
        }
        %while3A_966 = arith.constant 1 : i32
        %while3A_967 = scf.for %while3A_984 = %while3A_963 to %while3A_959 step %while3A_966 iter_args(%while3A_985 = %while3A_965) -> (i32)  : i32 {
          %mul3A_986 = arith.constant 16 : i32
          %mul3A_987 = arith.muli %while3A_984, %mul3A_986 : i32
          %get3A = arith.index_cast %mul3A_987 : i32 to index
          %get3A_988 = tpu.vector_load %arg9[%get3A] {strides = array<i32>} : memref<3584xi32, #tpu.memory_space<vmem>>, vector<16xi32>,
          %mul3A_989 = arith.constant 16 : i32
          %mul3A_990 = arith.muli %while3A_984, %mul3A_989 : i32
          %add3A_991 = vector.broadcast %mul3A_990 : i32 to vector<16xi32>
          %add3A_992 = arith.addi %add3A_991, %iota3A : vector<16xi32>
          %lt3A = vector.broadcast %scan3A_931 : i32 to vector<16xi32>
          %lt3A_993 = arith.cmpi slt, %add3A_992, %lt3A : vector<16xi32>
          %shift_right_arithmetic3A_994 = vector.broadcast %sub3A_935 : i32 to vector<16xi32>
          %shift_right_arithmetic3A_995 = arith.shrsi %get3A_988, %shift_right_arithmetic3A_994 : vector<16xi32>
          %and3A = arith.constant 1 : i32
          %and3A_996 = vector.broadcast %and3A : i32 to vector<16xi32>
          %and3A_997 = arith.andi %shift_right_arithmetic3A_995, %and3A_996 : vector<16xi32>
          %eq3A = arith.constant 1 : i32
          %eq3A_998 = vector.broadcast %eq3A : i32 to vector<16xi32>
          %eq3A_999 = arith.cmpi eq, %and3A_997, %eq3A_998 : vector<16xi32>
          %eq3A_1000 = vector.broadcast %ge3A : i1 to vector<16xi1>
          %eq3A_1001 = vector.broadcast %eq3A_1000 : vector<16xi1> to vector<16xi1>
          %eq3A_1002 = arith.xori %eq3A_999, %eq3A_1001 : vector<16xi1>
          %eq3A_1003 = arith.constant dense<true> : vector<16xi1>
          %eq3A_1004 = arith.xori %eq3A_1002, %eq3A_1003 : vector<16xi1>
          %and3A_1005 = arith.andi %lt3A_993, %eq3A_1004 : vector<16xi1>
          %convert_element_type3A = arith.extui %and3A_1005 : vector<16xi1> to vector<16xi32>
          %broadcast_in_dim3A = arith.constant true
          %broadcast_in_dim3A_1006 = vector.broadcast %broadcast_in_dim3A : i1 to vector<16xi1>
          %masked_cumsum3A = tpu.scan <sum>, %convert_element_type3A masked %broadcast_in_dim3A_1006 : vector<16xi32>, vector<16xi1> -> vector<16xi32>
          %add3A_1007 = vector.broadcast %while3A_985 : i32 to vector<16xi32>
          %add3A_1008 = arith.addi %add3A_1007, %masked_cumsum3A : vector<16xi32>
          %sub3A_1009 = arith.constant 1 : i32
          %sub3A_1010 = vector.broadcast %sub3A_1009 : i32 to vector<16xi32>
          %sub3A_1011 = arith.subi %add3A_1008, %sub3A_1010 : vector<16xi32>
          tpu.vector_store_idx %arg10[%sub3A_1011], %get3A_988 masked %and3A_1005 : memref<3584xi32, #tpu.memory_space<vmem>>[vector<16xi32>], vector<16xi32>, vector<16xi1>
          %reduce_sum3A = arith.constant true
          %reduce_sum3A_1012 = vector.broadcast %reduce_sum3A : i1 to vector<16xi1>
          %reduce_sum3A_1013 = tpu.scan <sum>, %convert_element_type3A masked %reduce_sum3A_1012 : vector<16xi32>, vector<16xi1> -> vector<16xi32>
          %reduce_sum3A_1014 = vector.extract %reduce_sum3A_1013[15] : i32 from vector<16xi32>
          %add3A_1015 = arith.addi %while3A_985, %reduce_sum3A_1014 : i32
          scf.yield %add3A_1015 : i32
        }
        %add3A_968 = arith.constant 15 : i32
        %add3A_969 = arith.addi %select_n3A, %add3A_968 : i32
        %shift_right_arithmetic3A_970 = arith.constant 4 : i32
        %shift_right_arithmetic3A_971 = arith.shrsi %add3A_969, %shift_right_arithmetic3A_970 : i32
        %while3A_972 = arith.constant 0 : i32
        %while3A_973 = arith.constant 0 : i32
        %while3A_974 = arith.subi %shift_right_arithmetic3A_971, %while3A_972 : i32
        %while3A_975 = arith.addi %while3A_972, %while3A_974 : i32
        %while3A_976 = arith.constant 1 : i32
        %while3A_977 = arith.divsi %while3A_974, %while3A_976 : i32
        %while3A_978 = arith.muli %while3A_977, %while3A_976 : i32
        %while3A_979 = arith.addi %while3A_972, %while3A_978 : i32
        %while3A_980 = arith.constant 1 : i32
        %while3A_981 = scf.for %while3A_984 = %while3A_972 to %while3A_979 step %while3A_980 iter_args(%while3A_985 = %while3A_973) -> (i32)  : i32 {
          %mul3A_986 = arith.constant 16 : i32
          %mul3A_987 = arith.muli %while3A_984, %mul3A_986 : i32
          %get3A = arith.index_cast %mul3A_987 : i32 to index
          %get3A_988 = tpu.vector_load %arg10[%get3A] {strides = array<i32>} : memref<3584xi32, #tpu.memory_space<vmem>>, vector<16xi32>,
          %mul3A_989 = arith.constant 16 : i32
          %mul3A_990 = arith.muli %while3A_984, %mul3A_989 : i32
          %swap3A = arith.index_cast %mul3A_990 : i32 to index
          %swap3A_991 = tpu.vector_load %arg9[%swap3A] {strides = array<i32>} : memref<3584xi32, #tpu.memory_space<vmem>>, vector<16xi32>,
          tpu.vector_store %arg9[%swap3A], %get3A_988 {strides = array<i32>} : memref<3584xi32, #tpu.memory_space<vmem>>, vector<16xi32>,
          %while3A_992 = arith.constant 0 : i32
          scf.yield %while3A_992 : i32
        }
        %while3A_982 = arith.constant 1 : i32
        %while3A_983 = scf.for %while3A_984 = %while3A_979 to %while3A_975 step %while3A_982 iter_args(%while3A_985 = %while3A_981) -> (i32)  : i32 {
          %mul3A_986 = arith.constant 16 : i32
          %mul3A_987 = arith.muli %while3A_984, %mul3A_986 : i32
          %get3A = arith.index_cast %mul3A_987 : i32 to index
          %get3A_988 = tpu.vector_load %arg10[%get3A] {strides = array<i32>} : memref<3584xi32, #tpu.memory_space<vmem>>, vector<16xi32>,
          %mul3A_989 = arith.constant 16 : i32
          %mul3A_990 = arith.muli %while3A_984, %mul3A_989 : i32
          %swap3A = arith.index_cast %mul3A_990 : i32 to index
          %swap3A_991 = tpu.vector_load %arg9[%swap3A] {strides = array<i32>} : memref<3584xi32, #tpu.memory_space<vmem>>, vector<16xi32>,
          tpu.vector_store %arg9[%swap3A], %get3A_988 {strides = array<i32>} : memref<3584xi32, #tpu.memory_space<vmem>>, vector<16xi32>,
          %while3A_992 = arith.constant 0 : i32
          scf.yield %while3A_992 : i32
        }
        scf.yield %select_n3A, %select_n3A_953, %select_n3A_955 : i32, i32, i32
      }
      %scan3A_408 = arith.constant 2 : i32
      %dma_wait3A_409 = arith.constant 3 : i32
      %dma_wait3A_410 = arith.constant 0 : i32
      %dma_wait3A_411 = arith.constant 0 : i32
      %dma_wait3A_412 = tpu.memref_slice %arg13[%dma_wait3A_409, %dma_wait3A_410, %dma_wait3A_411] : memref<4x128x128xf32, #tpu.memory_space<vmem>> -> memref<1x128x128xf32, #tpu.memory_space<vmem>>
      %dma_wait3A_413 = tpu.memref_squeeze %dma_wait3A_412 : memref<1x128x128xf32, #tpu.memory_space<vmem>> -> memref<128x128xf32, #tpu.memory_space<vmem>>
      %dma_wait3A_414 = arith.constant 0 : i32
      %dma_wait3A_415 = tpu.memref_slice %arg6[%add3A_55, %dma_wait3A_414] : memref<262144x128xf32, #tpu.memory_space<hbm>> -> memref<128x128xf32, #tpu.memory_space<hbm>>
      %dma_wait3A_416 = arith.constant 0 : i32
      %dma_wait3A_417 = tpu.memref_slice %arg6[%add3A_55, %dma_wait3A_416] : memref<262144x128xf32, #tpu.memory_space<hbm>> -> memref<128x128xf32, #tpu.memory_space<hbm>>
      %dma_wait3A_418 = arith.constant 0 : i32
      %dma_wait3A_419 = arith.constant 0 : i32
      %dma_wait3A_420 = tpu.memref_slice %arg13[%dma_wait3A_409, %dma_wait3A_418, %dma_wait3A_419] : memref<4x128x128xf32, #tpu.memory_space<vmem>> -> memref<1x128x128xf32, #tpu.memory_space<vmem>>
      %dma_wait3A_421 = tpu.memref_squeeze %dma_wait3A_420 : memref<1x128x128xf32, #tpu.memory_space<vmem>> -> memref<128x128xf32, #tpu.memory_space<vmem>>
      tpu.wait_dma2 semaphore(%arg15 : memref<!tpu.dma_semaphore, #tpu.memory_space<semaphore_mem>>) src(%dma_wait3A_421 : memref<128x128xf32, #tpu.memory_space<vmem>>) dst(%dma_wait3A_417 : memref<128x128xf32, #tpu.memory_space<hbm>>)
      %dma_start3A_422 = arith.constant 3 : i32
      %dma_start3A_423 = arith.constant 0 : i32
      %dma_start3A_424 = arith.constant 0 : i32
      %dma_start3A_425 = tpu.memref_slice %arg13[%dma_start3A_422, %dma_start3A_423, %dma_start3A_424] : memref<4x128x128xf32, #tpu.memory_space<vmem>> -> memref<1x128x128xf32, #tpu.memory_space<vmem>>
      %dma_start3A_426 = tpu.memref_squeeze %dma_start3A_425 : memref<1x128x128xf32, #tpu.memory_space<vmem>> -> memref<128x128xf32, #tpu.memory_space<vmem>>
      %dma_start3A_427 = arith.constant 0 : i32
      %dma_start3A_428 = tpu.memref_slice %arg4[%add3A_47, %dma_start3A_427] : memref<1048576x128xf32, #tpu.memory_space<hbm>> -> memref<128x128xf32, #tpu.memory_space<hbm>>
      %dma_start3A_429 = arith.constant 0 : i32
      %dma_start3A_430 = arith.constant 0 : i32
      %dma_start3A_431 = tpu.memref_slice %arg13[%dma_start3A_422, %dma_start3A_429, %dma_start3A_430] : memref<4x128x128xf32, #tpu.memory_space<vmem>> -> memref<1x128x128xf32, #tpu.memory_space<vmem>>
      %dma_start3A_432 = tpu.memref_squeeze %dma_start3A_431 : memref<1x128x128xf32, #tpu.memory_space<vmem>> -> memref<128x128xf32, #tpu.memory_space<vmem>>
      %dma_start3A_433 = arith.constant 0 : i32
      %dma_start3A_434 = tpu.memref_slice %arg4[%add3A_47, %dma_start3A_433] : memref<1048576x128xf32, #tpu.memory_space<hbm>> -> memref<128x128xf32, #tpu.memory_space<hbm>>
      tpu.enqueue_dma source(%dma_start3A_434 : memref<128x128xf32, #tpu.memory_space<hbm>>) target(%dma_start3A_432 : memref<128x128xf32, #tpu.memory_space<vmem>>) target_semaphore(%arg14 : memref<!tpu.dma_semaphore, #tpu.memory_space<semaphore_mem>>)
      %dma_wait3A_435 = arith.constant 2 : i32
      %dma_wait3A_436 = arith.constant 0 : i32
      %dma_wait3A_437 = arith.constant 0 : i32
      %dma_wait3A_438 = tpu.memref_slice %arg13[%dma_wait3A_435, %dma_wait3A_436, %dma_wait3A_437] : memref<4x128x128xf32, #tpu.memory_space<vmem>> -> memref<1x128x128xf32, #tpu.memory_space<vmem>>
      %dma_wait3A_439 = tpu.memref_squeeze %dma_wait3A_438 : memref<1x128x128xf32, #tpu.memory_space<vmem>> -> memref<128x128xf32, #tpu.memory_space<vmem>>
      %dma_wait3A_440 = arith.constant 0 : i32
      %dma_wait3A_441 = tpu.memref_slice %arg3[%add3A_43, %dma_wait3A_440] : memref<1048576x128xf32, #tpu.memory_space<hbm>> -> memref<128x128xf32, #tpu.memory_space<hbm>>
      %dma_wait3A_442 = arith.constant 0 : i32
      %dma_wait3A_443 = arith.constant 0 : i32
      %dma_wait3A_444 = tpu.memref_slice %arg13[%dma_wait3A_435, %dma_wait3A_442, %dma_wait3A_443] : memref<4x128x128xf32, #tpu.memory_space<vmem>> -> memref<1x128x128xf32, #tpu.memory_space<vmem>>
      %dma_wait3A_445 = tpu.memref_squeeze %dma_wait3A_444 : memref<1x128x128xf32, #tpu.memory_space<vmem>> -> memref<128x128xf32, #tpu.memory_space<vmem>>
      %dma_wait3A_446 = arith.constant 0 : i32
      %dma_wait3A_447 = tpu.memref_slice %arg3[%add3A_43, %dma_wait3A_446] : memref<1048576x128xf32, #tpu.memory_space<hbm>> -> memref<128x128xf32, #tpu.memory_space<hbm>>
      tpu.wait_dma2 semaphore(%arg14 : memref<!tpu.dma_semaphore, #tpu.memory_space<semaphore_mem>>) src(%dma_wait3A_447 : memref<128x128xf32, #tpu.memory_space<hbm>>) dst(%dma_wait3A_445 : memref<128x128xf32, #tpu.memory_space<vmem>>)
      %dma_start3A_448 = arith.constant 2 : i32
      %dma_start3A_449 = arith.constant 0 : i32
      %dma_start3A_450 = arith.constant 0 : i32
      %dma_start3A_451 = tpu.memref_slice %arg13[%dma_start3A_448, %dma_start3A_449, %dma_start3A_450] : memref<4x128x128xf32, #tpu.memory_space<vmem>> -> memref<1x128x128xf32, #tpu.memory_space<vmem>>
      %dma_start3A_452 = tpu.memref_squeeze %dma_start3A_451 : memref<1x128x128xf32, #tpu.memory_space<vmem>> -> memref<128x128xf32, #tpu.memory_space<vmem>>
      %dma_start3A_453 = arith.constant 0 : i32
      %dma_start3A_454 = tpu.memref_slice %arg5[%add3A_61, %dma_start3A_453] : memref<262144x128xf32, #tpu.memory_space<hbm>> -> memref<128x128xf32, #tpu.memory_space<hbm>>
      %dma_start3A_455 = arith.constant 0 : i32
      %dma_start3A_456 = tpu.memref_slice %arg5[%add3A_61, %dma_start3A_455] : memref<262144x128xf32, #tpu.memory_space<hbm>> -> memref<128x128xf32, #tpu.memory_space<hbm>>
      %dma_start3A_457 = arith.constant 0 : i32
      %dma_start3A_458 = arith.constant 0 : i32
      %dma_start3A_459 = tpu.memref_slice %arg13[%dma_start3A_448, %dma_start3A_457, %dma_start3A_458] : memref<4x128x128xf32, #tpu.memory_space<vmem>> -> memref<1x128x128xf32, #tpu.memory_space<vmem>>
      %dma_start3A_460 = tpu.memref_squeeze %dma_start3A_459 : memref<1x128x128xf32, #tpu.memory_space<vmem>> -> memref<128x128xf32, #tpu.memory_space<vmem>>
      tpu.enqueue_dma source(%dma_start3A_460 : memref<128x128xf32, #tpu.memory_space<vmem>>) target(%dma_start3A_456 : memref<128x128xf32, #tpu.memory_space<hbm>>) target_semaphore(%arg15 : memref<!tpu.dma_semaphore, #tpu.memory_space<semaphore_mem>>)
      %scan3A_461 = arith.constant 6 : i32
      %scan3A_462 = arith.constant 25 : i32
      %scan3A_463 = arith.addi %scan3A_461, %scan3A_462 : i32
      %scan3A_464 = arith.constant 1 : i32
      %scan3A_465:3 = scf.for %scan3A_930 = %scan3A_461 to %scan3A_463 step %scan3A_464 iter_args(%scan3A_931 = %scan3A_407#0, %scan3A_932 = %scan3A_407#1, %scan3A_933 = %scan3A_407#2) -> (i32, i32, i32)  : i32 {
        %sub3A_934 = arith.constant 30 : i32
        %sub3A_935 = arith.subi %sub3A_934, %scan3A_930 : i32
        %add3A_936 = arith.constant 15 : i32
        %add3A_937 = arith.addi %scan3A_931, %add3A_936 : i32
        %shift_right_arithmetic3A_938 = arith.constant 4 : i32
        %shift_right_arithmetic3A_939 = arith.shrsi %add3A_937, %shift_right_arithmetic3A_938 : i32
        %while3A = arith.constant 0 : i32
        %while3A_940 = arith.constant 0 : i32
        %while3A_941 = arith.subi %shift_right_arithmetic3A_939, %while3A : i32
        %while3A_942 = arith.addi %while3A, %while3A_941 : i32
        %while3A_943 = arith.constant 1 : i32
        %while3A_944 = arith.divsi %while3A_941, %while3A_943 : i32
        %while3A_945 = arith.muli %while3A_944, %while3A_943 : i32
        %while3A_946 = arith.addi %while3A, %while3A_945 : i32
        %while3A_947 = arith.constant 1 : i32
        %while3A_948 = scf.for %while3A_984 = %while3A to %while3A_946 step %while3A_947 iter_args(%while3A_985 = %while3A_940) -> (i32)  : i32 {
          %mul3A_986 = arith.constant 16 : i32
          %mul3A_987 = arith.muli %while3A_984, %mul3A_986 : i32
          %get3A = arith.index_cast %mul3A_987 : i32 to index
          %get3A_988 = tpu.vector_load %arg9[%get3A] {strides = array<i32>} : memref<3584xi32, #tpu.memory_space<vmem>>, vector<16xi32>,
          %mul3A_989 = arith.constant 16 : i32
          %mul3A_990 = arith.muli %while3A_984, %mul3A_989 : i32
          %add3A_991 = vector.broadcast %mul3A_990 : i32 to vector<16xi32>
          %add3A_992 = arith.addi %add3A_991, %iota3A : vector<16xi32>
          %lt3A = vector.broadcast %scan3A_931 : i32 to vector<16xi32>
          %lt3A_993 = arith.cmpi slt, %add3A_992, %lt3A : vector<16xi32>
          %shift_right_arithmetic3A_994 = vector.broadcast %sub3A_935 : i32 to vector<16xi32>
          %shift_right_arithmetic3A_995 = arith.shrsi %get3A_988, %shift_right_arithmetic3A_994 : vector<16xi32>
          %and3A = arith.constant 1 : i32
          %and3A_996 = vector.broadcast %and3A : i32 to vector<16xi32>
          %and3A_997 = arith.andi %shift_right_arithmetic3A_995, %and3A_996 : vector<16xi32>
          %eq3A = arith.constant 1 : i32
          %eq3A_998 = vector.broadcast %eq3A : i32 to vector<16xi32>
          %eq3A_999 = arith.cmpi eq, %and3A_997, %eq3A_998 : vector<16xi32>
          %and3A_1000 = arith.andi %eq3A_999, %lt3A_993 : vector<16xi1>
          %convert_element_type3A = arith.extui %and3A_1000 : vector<16xi1> to vector<16xi32>
          %reduce_sum3A = arith.constant true
          %reduce_sum3A_1001 = vector.broadcast %reduce_sum3A : i1 to vector<16xi1>
          %reduce_sum3A_1002 = tpu.scan <sum>, %convert_element_type3A masked %reduce_sum3A_1001 : vector<16xi32>, vector<16xi1> -> vector<16xi32>
          %reduce_sum3A_1003 = vector.extract %reduce_sum3A_1002[15] : i32 from vector<16xi32>
          %add3A_1004 = arith.addi %while3A_985, %reduce_sum3A_1003 : i32
          scf.yield %add3A_1004 : i32
        }
        %while3A_949 = arith.constant 1 : i32
        %while3A_950 = scf.for %while3A_984 = %while3A_946 to %while3A_942 step %while3A_949 iter_args(%while3A_985 = %while3A_948) -> (i32)  : i32 {
          %mul3A_986 = arith.constant 16 : i32
          %mul3A_987 = arith.muli %while3A_984, %mul3A_986 : i32
          %get3A = arith.index_cast %mul3A_987 : i32 to index
          %get3A_988 = tpu.vector_load %arg9[%get3A] {strides = array<i32>} : memref<3584xi32, #tpu.memory_space<vmem>>, vector<16xi32>,
          %mul3A_989 = arith.constant 16 : i32
          %mul3A_990 = arith.muli %while3A_984, %mul3A_989 : i32
          %add3A_991 = vector.broadcast %mul3A_990 : i32 to vector<16xi32>
          %add3A_992 = arith.addi %add3A_991, %iota3A : vector<16xi32>
          %lt3A = vector.broadcast %scan3A_931 : i32 to vector<16xi32>
          %lt3A_993 = arith.cmpi slt, %add3A_992, %lt3A : vector<16xi32>
          %shift_right_arithmetic3A_994 = vector.broadcast %sub3A_935 : i32 to vector<16xi32>
          %shift_right_arithmetic3A_995 = arith.shrsi %get3A_988, %shift_right_arithmetic3A_994 : vector<16xi32>
          %and3A = arith.constant 1 : i32
          %and3A_996 = vector.broadcast %and3A : i32 to vector<16xi32>
          %and3A_997 = arith.andi %shift_right_arithmetic3A_995, %and3A_996 : vector<16xi32>
          %eq3A = arith.constant 1 : i32
          %eq3A_998 = vector.broadcast %eq3A : i32 to vector<16xi32>
          %eq3A_999 = arith.cmpi eq, %and3A_997, %eq3A_998 : vector<16xi32>
          %and3A_1000 = arith.andi %eq3A_999, %lt3A_993 : vector<16xi1>
          %convert_element_type3A = arith.extui %and3A_1000 : vector<16xi1> to vector<16xi32>
          %reduce_sum3A = arith.constant true
          %reduce_sum3A_1001 = vector.broadcast %reduce_sum3A : i1 to vector<16xi1>
          %reduce_sum3A_1002 = tpu.scan <sum>, %convert_element_type3A masked %reduce_sum3A_1001 : vector<16xi32>, vector<16xi1> -> vector<16xi32>
          %reduce_sum3A_1003 = vector.extract %reduce_sum3A_1002[15] : i32 from vector<16xi32>
          %add3A_1004 = arith.addi %while3A_985, %reduce_sum3A_1003 : i32
          scf.yield %add3A_1004 : i32
        }
        %ge3A = arith.cmpi sge, %while3A_950, %scan3A_932 : i32
        %sub3A_951 = arith.subi %scan3A_931, %while3A_950 : i32
        %select_n3A = arith.select %ge3A, %while3A_950, %sub3A_951 : i32
        %sub3A_952 = arith.subi %scan3A_932, %while3A_950 : i32
        %select_n3A_953 = arith.select %ge3A, %scan3A_932, %sub3A_952 : i32
        %shift_left3A = arith.constant 1 : i32
        %shift_left3A_954 = arith.shli %shift_left3A, %sub3A_935 : i32
        %or3A = arith.ori %scan3A_933, %shift_left3A_954 : i32
        %select_n3A_955 = arith.select %ge3A, %or3A, %scan3A_933 : i32
        %while3A_956 = arith.constant 0 : i32
        %while3A_957 = arith.constant 0 : i32
        %while3A_958 = arith.subi %shift_right_arithmetic3A_939, %while3A_956 : i32
        %while3A_959 = arith.addi %while3A_956, %while3A_958 : i32
        %while3A_960 = arith.constant 1 : i32
        %while3A_961 = arith.divsi %while3A_958, %while3A_960 : i32
        %while3A_962 = arith.muli %while3A_961, %while3A_960 : i32
        %while3A_963 = arith.addi %while3A_956, %while3A_962 : i32
        %while3A_964 = arith.constant 1 : i32
        %while3A_965 = scf.for %while3A_984 = %while3A_956 to %while3A_963 step %while3A_964 iter_args(%while3A_985 = %while3A_957) -> (i32)  : i32 {
          %mul3A_986 = arith.constant 16 : i32
          %mul3A_987 = arith.muli %while3A_984, %mul3A_986 : i32
          %get3A = arith.index_cast %mul3A_987 : i32 to index
          %get3A_988 = tpu.vector_load %arg9[%get3A] {strides = array<i32>} : memref<3584xi32, #tpu.memory_space<vmem>>, vector<16xi32>,
          %mul3A_989 = arith.constant 16 : i32
          %mul3A_990 = arith.muli %while3A_984, %mul3A_989 : i32
          %add3A_991 = vector.broadcast %mul3A_990 : i32 to vector<16xi32>
          %add3A_992 = arith.addi %add3A_991, %iota3A : vector<16xi32>
          %lt3A = vector.broadcast %scan3A_931 : i32 to vector<16xi32>
          %lt3A_993 = arith.cmpi slt, %add3A_992, %lt3A : vector<16xi32>
          %shift_right_arithmetic3A_994 = vector.broadcast %sub3A_935 : i32 to vector<16xi32>
          %shift_right_arithmetic3A_995 = arith.shrsi %get3A_988, %shift_right_arithmetic3A_994 : vector<16xi32>
          %and3A = arith.constant 1 : i32
          %and3A_996 = vector.broadcast %and3A : i32 to vector<16xi32>
          %and3A_997 = arith.andi %shift_right_arithmetic3A_995, %and3A_996 : vector<16xi32>
          %eq3A = arith.constant 1 : i32
          %eq3A_998 = vector.broadcast %eq3A : i32 to vector<16xi32>
          %eq3A_999 = arith.cmpi eq, %and3A_997, %eq3A_998 : vector<16xi32>
          %eq3A_1000 = vector.broadcast %ge3A : i1 to vector<16xi1>
          %eq3A_1001 = vector.broadcast %eq3A_1000 : vector<16xi1> to vector<16xi1>
          %eq3A_1002 = arith.xori %eq3A_999, %eq3A_1001 : vector<16xi1>
          %eq3A_1003 = arith.constant dense<true> : vector<16xi1>
          %eq3A_1004 = arith.xori %eq3A_1002, %eq3A_1003 : vector<16xi1>
          %and3A_1005 = arith.andi %lt3A_993, %eq3A_1004 : vector<16xi1>
          %convert_element_type3A = arith.extui %and3A_1005 : vector<16xi1> to vector<16xi32>
          %broadcast_in_dim3A = arith.constant true
          %broadcast_in_dim3A_1006 = vector.broadcast %broadcast_in_dim3A : i1 to vector<16xi1>
          %masked_cumsum3A = tpu.scan <sum>, %convert_element_type3A masked %broadcast_in_dim3A_1006 : vector<16xi32>, vector<16xi1> -> vector<16xi32>
          %add3A_1007 = vector.broadcast %while3A_985 : i32 to vector<16xi32>
          %add3A_1008 = arith.addi %add3A_1007, %masked_cumsum3A : vector<16xi32>
          %sub3A_1009 = arith.constant 1 : i32
          %sub3A_1010 = vector.broadcast %sub3A_1009 : i32 to vector<16xi32>
          %sub3A_1011 = arith.subi %add3A_1008, %sub3A_1010 : vector<16xi32>
          tpu.vector_store_idx %arg10[%sub3A_1011], %get3A_988 masked %and3A_1005 : memref<3584xi32, #tpu.memory_space<vmem>>[vector<16xi32>], vector<16xi32>, vector<16xi1>
          %reduce_sum3A = arith.constant true
          %reduce_sum3A_1012 = vector.broadcast %reduce_sum3A : i1 to vector<16xi1>
          %reduce_sum3A_1013 = tpu.scan <sum>, %convert_element_type3A masked %reduce_sum3A_1012 : vector<16xi32>, vector<16xi1> -> vector<16xi32>
          %reduce_sum3A_1014 = vector.extract %reduce_sum3A_1013[15] : i32 from vector<16xi32>
          %add3A_1015 = arith.addi %while3A_985, %reduce_sum3A_1014 : i32
          scf.yield %add3A_1015 : i32
        }
        %while3A_966 = arith.constant 1 : i32
        %while3A_967 = scf.for %while3A_984 = %while3A_963 to %while3A_959 step %while3A_966 iter_args(%while3A_985 = %while3A_965) -> (i32)  : i32 {
          %mul3A_986 = arith.constant 16 : i32
          %mul3A_987 = arith.muli %while3A_984, %mul3A_986 : i32
          %get3A = arith.index_cast %mul3A_987 : i32 to index
          %get3A_988 = tpu.vector_load %arg9[%get3A] {strides = array<i32>} : memref<3584xi32, #tpu.memory_space<vmem>>, vector<16xi32>,
          %mul3A_989 = arith.constant 16 : i32
          %mul3A_990 = arith.muli %while3A_984, %mul3A_989 : i32
          %add3A_991 = vector.broadcast %mul3A_990 : i32 to vector<16xi32>
          %add3A_992 = arith.addi %add3A_991, %iota3A : vector<16xi32>
          %lt3A = vector.broadcast %scan3A_931 : i32 to vector<16xi32>
          %lt3A_993 = arith.cmpi slt, %add3A_992, %lt3A : vector<16xi32>
          %shift_right_arithmetic3A_994 = vector.broadcast %sub3A_935 : i32 to vector<16xi32>
          %shift_right_arithmetic3A_995 = arith.shrsi %get3A_988, %shift_right_arithmetic3A_994 : vector<16xi32>
          %and3A = arith.constant 1 : i32
          %and3A_996 = vector.broadcast %and3A : i32 to vector<16xi32>
          %and3A_997 = arith.andi %shift_right_arithmetic3A_995, %and3A_996 : vector<16xi32>
          %eq3A = arith.constant 1 : i32
          %eq3A_998 = vector.broadcast %eq3A : i32 to vector<16xi32>
          %eq3A_999 = arith.cmpi eq, %and3A_997, %eq3A_998 : vector<16xi32>
          %eq3A_1000 = vector.broadcast %ge3A : i1 to vector<16xi1>
          %eq3A_1001 = vector.broadcast %eq3A_1000 : vector<16xi1> to vector<16xi1>
          %eq3A_1002 = arith.xori %eq3A_999, %eq3A_1001 : vector<16xi1>
          %eq3A_1003 = arith.constant dense<true> : vector<16xi1>
          %eq3A_1004 = arith.xori %eq3A_1002, %eq3A_1003 : vector<16xi1>
          %and3A_1005 = arith.andi %lt3A_993, %eq3A_1004 : vector<16xi1>
          %convert_element_type3A = arith.extui %and3A_1005 : vector<16xi1> to vector<16xi32>
          %broadcast_in_dim3A = arith.constant true
          %broadcast_in_dim3A_1006 = vector.broadcast %broadcast_in_dim3A : i1 to vector<16xi1>
          %masked_cumsum3A = tpu.scan <sum>, %convert_element_type3A masked %broadcast_in_dim3A_1006 : vector<16xi32>, vector<16xi1> -> vector<16xi32>
          %add3A_1007 = vector.broadcast %while3A_985 : i32 to vector<16xi32>
          %add3A_1008 = arith.addi %add3A_1007, %masked_cumsum3A : vector<16xi32>
          %sub3A_1009 = arith.constant 1 : i32
          %sub3A_1010 = vector.broadcast %sub3A_1009 : i32 to vector<16xi32>
          %sub3A_1011 = arith.subi %add3A_1008, %sub3A_1010 : vector<16xi32>
          tpu.vector_store_idx %arg10[%sub3A_1011], %get3A_988 masked %and3A_1005 : memref<3584xi32, #tpu.memory_space<vmem>>[vector<16xi32>], vector<16xi32>, vector<16xi1>
          %reduce_sum3A = arith.constant true
          %reduce_sum3A_1012 = vector.broadcast %reduce_sum3A : i1 to vector<16xi1>
          %reduce_sum3A_1013 = tpu.scan <sum>, %convert_element_type3A masked %reduce_sum3A_1012 : vector<16xi32>, vector<16xi1> -> vector<16xi32>
          %reduce_sum3A_1014 = vector.extract %reduce_sum3A_1013[15] : i32 from vector<16xi32>
          %add3A_1015 = arith.addi %while3A_985, %reduce_sum3A_1014 : i32
          scf.yield %add3A_1015 : i32
        }
        %add3A_968 = arith.constant 15 : i32
        %add3A_969 = arith.addi %select_n3A, %add3A_968 : i32
        %shift_right_arithmetic3A_970 = arith.constant 4 : i32
        %shift_right_arithmetic3A_971 = arith.shrsi %add3A_969, %shift_right_arithmetic3A_970 : i32
        %while3A_972 = arith.constant 0 : i32
        %while3A_973 = arith.constant 0 : i32
        %while3A_974 = arith.subi %shift_right_arithmetic3A_971, %while3A_972 : i32
        %while3A_975 = arith.addi %while3A_972, %while3A_974 : i32
        %while3A_976 = arith.constant 1 : i32
        %while3A_977 = arith.divsi %while3A_974, %while3A_976 : i32
        %while3A_978 = arith.muli %while3A_977, %while3A_976 : i32
        %while3A_979 = arith.addi %while3A_972, %while3A_978 : i32
        %while3A_980 = arith.constant 1 : i32
        %while3A_981 = scf.for %while3A_984 = %while3A_972 to %while3A_979 step %while3A_980 iter_args(%while3A_985 = %while3A_973) -> (i32)  : i32 {
          %mul3A_986 = arith.constant 16 : i32
          %mul3A_987 = arith.muli %while3A_984, %mul3A_986 : i32
          %get3A = arith.index_cast %mul3A_987 : i32 to index
          %get3A_988 = tpu.vector_load %arg10[%get3A] {strides = array<i32>} : memref<3584xi32, #tpu.memory_space<vmem>>, vector<16xi32>,
          %mul3A_989 = arith.constant 16 : i32
          %mul3A_990 = arith.muli %while3A_984, %mul3A_989 : i32
          %swap3A = arith.index_cast %mul3A_990 : i32 to index
          %swap3A_991 = tpu.vector_load %arg9[%swap3A] {strides = array<i32>} : memref<3584xi32, #tpu.memory_space<vmem>>, vector<16xi32>,
          tpu.vector_store %arg9[%swap3A], %get3A_988 {strides = array<i32>} : memref<3584xi32, #tpu.memory_space<vmem>>, vector<16xi32>,
          %while3A_992 = arith.constant 0 : i32
          scf.yield %while3A_992 : i32
        }
        %while3A_982 = arith.constant 1 : i32
        %while3A_983 = scf.for %while3A_984 = %while3A_979 to %while3A_975 step %while3A_982 iter_args(%while3A_985 = %while3A_981) -> (i32)  : i32 {
          %mul3A_986 = arith.constant 16 : i32
          %mul3A_987 = arith.muli %while3A_984, %mul3A_986 : i32
          %get3A = arith.index_cast %mul3A_987 : i32 to index
          %get3A_988 = tpu.vector_load %arg10[%get3A] {strides = array<i32>} : memref<3584xi32, #tpu.memory_space<vmem>>, vector<16xi32>,
          %mul3A_989 = arith.constant 16 : i32
          %mul3A_990 = arith.muli %while3A_984, %mul3A_989 : i32
          %swap3A = arith.index_cast %mul3A_990 : i32 to index
          %swap3A_991 = tpu.vector_load %arg9[%swap3A] {strides = array<i32>} : memref<3584xi32, #tpu.memory_space<vmem>>, vector<16xi32>,
          tpu.vector_store %arg9[%swap3A], %get3A_988 {strides = array<i32>} : memref<3584xi32, #tpu.memory_space<vmem>>, vector<16xi32>,
          %while3A_992 = arith.constant 0 : i32
          scf.yield %while3A_992 : i32
        }
        scf.yield %select_n3A, %select_n3A_953, %select_n3A_955 : i32, i32, i32
      }
      %scan3A_466 = arith.constant 25 : i32
      %shift_right_arithmetic3A = arith.shrsi %scan3A_465#2, %sub3A_185 : i32
      %add3A_467 = arith.addi %shift_right_arithmetic3A, %scan3A_175#0 : i32
      %scan3A_468 = arith.constant 0 : i32
      %scan3A_469 = arith.constant 0 : i32
      %scan3A_470 = arith.constant 0 : i32
      %scan3A_471 = arith.constant 224 : i32
      %scan3A_472 = arith.addi %scan3A_470, %scan3A_471 : i32
      %scan3A_473 = arith.constant 1 : i32
      %scan3A_474:2 = scf.for %scan3A_930 = %scan3A_470 to %scan3A_472 step %scan3A_473 iter_args(%scan3A_931 = %scan3A_468, %scan3A_932 = %scan3A_469) -> (i32, i32)  : i32 {
        %mul3A_933 = arith.constant 16 : i32
        %mul3A_934 = arith.muli %scan3A_930, %mul3A_933 : i32
        %get3A = arith.index_cast %mul3A_934 : i32 to index
        %get3A_935 = tpu.vector_load %arg8[%get3A] {strides = array<i32>} : memref<4096xi32, #tpu.memory_space<vmem>>, vector<16xi32>,
        %gt3A = vector.broadcast %add3A_467 : i32 to vector<16xi32>
        %gt3A_936 = arith.cmpi sgt, %get3A_935, %gt3A : vector<16xi32>
        %eq3A = vector.broadcast %add3A_467 : i32 to vector<16xi32>
        %eq3A_937 = arith.cmpi eq, %get3A_935, %eq3A : vector<16xi32>
        %convert_element_type3A = arith.extui %eq3A_937 : vector<16xi1> to vector<16xi32>
        %broadcast_in_dim3A = arith.constant true
        %broadcast_in_dim3A_938 = vector.broadcast %broadcast_in_dim3A : i1 to vector<16xi1>
        %masked_cumsum3A = tpu.scan <sum>, %convert_element_type3A masked %broadcast_in_dim3A_938 : vector<16xi32>, vector<16xi1> -> vector<16xi32>
        %add3A_939 = vector.broadcast %scan3A_932 : i32 to vector<16xi32>
        %add3A_940 = arith.addi %add3A_939, %masked_cumsum3A : vector<16xi32>
        %le3A = vector.broadcast %scan3A_465#1 : i32 to vector<16xi32>
        %le3A_941 = arith.cmpi sle, %add3A_940, %le3A : vector<16xi32>
        %and3A = arith.andi %eq3A_937, %le3A_941 : vector<16xi1>
        %or3A = arith.ori %gt3A_936, %and3A : vector<16xi1>
        %convert_element_type3A_942 = arith.extui %or3A : vector<16xi1> to vector<16xi32>
        %broadcast_in_dim3A_943 = arith.constant true
        %broadcast_in_dim3A_944 = vector.broadcast %broadcast_in_dim3A_943 : i1 to vector<16xi1>
        %masked_cumsum3A_945 = tpu.scan <sum>, %convert_element_type3A_942 masked %broadcast_in_dim3A_944 : vector<16xi32>, vector<16xi1> -> vector<16xi32>
        %add3A_946 = vector.broadcast %scan3A_931 : i32 to vector<16xi32>
        %add3A_947 = arith.addi %add3A_946, %masked_cumsum3A_945 : vector<16xi32>
        %sub3A_948 = arith.constant 1 : i32
        %sub3A_949 = vector.broadcast %sub3A_948 : i32 to vector<16xi32>
        %sub3A_950 = arith.subi %add3A_947, %sub3A_949 : vector<16xi32>
        %mul3A_951 = arith.constant 16 : i32
        %mul3A_952 = arith.muli %scan3A_930, %mul3A_951 : i32
        %add3A_953 = arith.addi %mul3A_13, %mul3A_952 : i32
        %add3A_954 = vector.broadcast %add3A_953 : i32 to vector<16xi32>
        %add3A_955 = arith.addi %add3A_954, %iota3A : vector<16xi32>
        tpu.vector_store_idx %arg11[%sub3A_950], %add3A_955 masked %or3A : memref<1024xi32, #tpu.memory_space<vmem>>[vector<16xi32>], vector<16xi32>, vector<16xi1>
        tpu.vector_store_idx %arg12[%sub3A_950], %get3A_935 masked %or3A : memref<1024xi32, #tpu.memory_space<vmem>>[vector<16xi32>], vector<16xi32>, vector<16xi1>
        %reduce_sum3A = arith.constant true
        %reduce_sum3A_956 = vector.broadcast %reduce_sum3A : i1 to vector<16xi1>
        %reduce_sum3A_957 = tpu.scan <sum>, %convert_element_type3A_942 masked %reduce_sum3A_956 : vector<16xi32>, vector<16xi1> -> vector<16xi32>
        %reduce_sum3A_958 = vector.extract %reduce_sum3A_957[15] : i32 from vector<16xi32>
        %add3A_959 = arith.addi %scan3A_931, %reduce_sum3A_958 : i32
        %reduce_sum3A_960 = arith.constant true
        %reduce_sum3A_961 = vector.broadcast %reduce_sum3A_960 : i1 to vector<16xi1>
        %reduce_sum3A_962 = tpu.scan <sum>, %convert_element_type3A masked %reduce_sum3A_961 : vector<16xi32>, vector<16xi1> -> vector<16xi32>
        %reduce_sum3A_963 = vector.extract %reduce_sum3A_962[15] : i32 from vector<16xi32>
        %add3A_964 = arith.addi %scan3A_932, %reduce_sum3A_963 : i32
        scf.yield %add3A_959, %add3A_964 : i32, i32
      }
      %scan3A_475 = arith.constant 224 : i32
      %dma_wait3A_476 = arith.constant 0 : i32
      %dma_wait3A_477 = arith.constant 0 : i32
      %dma_wait3A_478 = arith.constant 0 : i32
      %dma_wait3A_479 = tpu.memref_slice %arg13[%dma_wait3A_476, %dma_wait3A_477, %dma_wait3A_478] : memref<4x128x128xf32, #tpu.memory_space<vmem>> -> memref<1x128x128xf32, #tpu.memory_space<vmem>>
      %dma_wait3A_480 = tpu.memref_squeeze %dma_wait3A_479 : memref<1x128x128xf32, #tpu.memory_space<vmem>> -> memref<128x128xf32, #tpu.memory_space<vmem>>
      %dma_wait3A_481 = arith.constant 0 : i32
      %dma_wait3A_482 = tpu.memref_slice %arg5[%add3A_57, %dma_wait3A_481] : memref<262144x128xf32, #tpu.memory_space<hbm>> -> memref<128x128xf32, #tpu.memory_space<hbm>>
      %dma_wait3A_483 = arith.constant 0 : i32
      %dma_wait3A_484 = tpu.memref_slice %arg5[%add3A_57, %dma_wait3A_483] : memref<262144x128xf32, #tpu.memory_space<hbm>> -> memref<128x128xf32, #tpu.memory_space<hbm>>
      %dma_wait3A_485 = arith.constant 0 : i32
      %dma_wait3A_486 = arith.constant 0 : i32
      %dma_wait3A_487 = tpu.memref_slice %arg13[%dma_wait3A_476, %dma_wait3A_485, %dma_wait3A_486] : memref<4x128x128xf32, #tpu.memory_space<vmem>> -> memref<1x128x128xf32, #tpu.memory_space<vmem>>
      %dma_wait3A_488 = tpu.memref_squeeze %dma_wait3A_487 : memref<1x128x128xf32, #tpu.memory_space<vmem>> -> memref<128x128xf32, #tpu.memory_space<vmem>>
      tpu.wait_dma2 semaphore(%arg15 : memref<!tpu.dma_semaphore, #tpu.memory_space<semaphore_mem>>) src(%dma_wait3A_488 : memref<128x128xf32, #tpu.memory_space<vmem>>) dst(%dma_wait3A_484 : memref<128x128xf32, #tpu.memory_space<hbm>>)
      %dma_start3A_489 = arith.constant 0 : i32
      %dma_start3A_490 = arith.constant 0 : i32
      %dma_start3A_491 = arith.constant 0 : i32
      %dma_start3A_492 = tpu.memref_slice %arg13[%dma_start3A_489, %dma_start3A_490, %dma_start3A_491] : memref<4x128x128xf32, #tpu.memory_space<vmem>> -> memref<1x128x128xf32, #tpu.memory_space<vmem>>
      %dma_start3A_493 = tpu.memref_squeeze %dma_start3A_492 : memref<1x128x128xf32, #tpu.memory_space<vmem>> -> memref<128x128xf32, #tpu.memory_space<vmem>>
      %dma_start3A_494 = arith.constant 0 : i32
      %dma_start3A_495 = tpu.memref_slice %arg11[%dma_start3A_494] : memref<1024xi32, #tpu.memory_space<vmem>> -> memref<128xi32, #tpu.memory_space<vmem>>
      %dma_start3A_496 = arith.constant 0 : i32
      %dma_start3A_497 = arith.constant 0 : i32
      %dma_start3A_498 = tpu.memref_slice %arg3[%dma_start3A_496, %dma_start3A_497] : memref<1048576x128xf32, #tpu.memory_space<hbm>> -> memref<1048576x128xf32, #tpu.memory_space<hbm>>
      tpu.enqueue_indirect_dma source(%dma_start3A_498 : memref<1048576x128xf32, #tpu.memory_space<hbm>>) target(%dma_start3A_493 : memref<128x128xf32, #tpu.memory_space<vmem>>) offsets(%dma_start3A_495 : memref<128xi32, #tpu.memory_space<vmem>>) semaphore(%arg14 : memref<!tpu.dma_semaphore, #tpu.memory_space<semaphore_mem>>)
      %dma_wait3A_499 = arith.constant 3 : i32
      %dma_wait3A_500 = arith.constant 0 : i32
      %dma_wait3A_501 = arith.constant 0 : i32
      %dma_wait3A_502 = tpu.memref_slice %arg13[%dma_wait3A_499, %dma_wait3A_500, %dma_wait3A_501] : memref<4x128x128xf32, #tpu.memory_space<vmem>> -> memref<1x128x128xf32, #tpu.memory_space<vmem>>
      %dma_wait3A_503 = tpu.memref_squeeze %dma_wait3A_502 : memref<1x128x128xf32, #tpu.memory_space<vmem>> -> memref<128x128xf32, #tpu.memory_space<vmem>>
      %dma_wait3A_504 = arith.constant 0 : i32
      %dma_wait3A_505 = tpu.memref_slice %arg4[%add3A_47, %dma_wait3A_504] : memref<1048576x128xf32, #tpu.memory_space<hbm>> -> memref<128x128xf32, #tpu.memory_space<hbm>>
      %dma_wait3A_506 = arith.constant 0 : i32
      %dma_wait3A_507 = arith.constant 0 : i32
      %dma_wait3A_508 = tpu.memref_slice %arg13[%dma_wait3A_499, %dma_wait3A_506, %dma_wait3A_507] : memref<4x128x128xf32, #tpu.memory_space<vmem>> -> memref<1x128x128xf32, #tpu.memory_space<vmem>>
      %dma_wait3A_509 = tpu.memref_squeeze %dma_wait3A_508 : memref<1x128x128xf32, #tpu.memory_space<vmem>> -> memref<128x128xf32, #tpu.memory_space<vmem>>
      %dma_wait3A_510 = arith.constant 0 : i32
      %dma_wait3A_511 = tpu.memref_slice %arg4[%add3A_47, %dma_wait3A_510] : memref<1048576x128xf32, #tpu.memory_space<hbm>> -> memref<128x128xf32, #tpu.memory_space<hbm>>
      tpu.wait_dma2 semaphore(%arg14 : memref<!tpu.dma_semaphore, #tpu.memory_space<semaphore_mem>>) src(%dma_wait3A_511 : memref<128x128xf32, #tpu.memory_space<hbm>>) dst(%dma_wait3A_509 : memref<128x128xf32, #tpu.memory_space<vmem>>)
      %dma_start3A_512 = arith.constant 3 : i32
      %dma_start3A_513 = arith.constant 0 : i32
      %dma_start3A_514 = arith.constant 0 : i32
      %dma_start3A_515 = tpu.memref_slice %arg13[%dma_start3A_512, %dma_start3A_513, %dma_start3A_514] : memref<4x128x128xf32, #tpu.memory_space<vmem>> -> memref<1x128x128xf32, #tpu.memory_space<vmem>>
      %dma_start3A_516 = tpu.memref_squeeze %dma_start3A_515 : memref<1x128x128xf32, #tpu.memory_space<vmem>> -> memref<128x128xf32, #tpu.memory_space<vmem>>
      %dma_start3A_517 = arith.constant 0 : i32
      %dma_start3A_518 = tpu.memref_slice %arg6[%add3A_63, %dma_start3A_517] : memref<262144x128xf32, #tpu.memory_space<hbm>> -> memref<128x128xf32, #tpu.memory_space<hbm>>
      %dma_start3A_519 = arith.constant 0 : i32
      %dma_start3A_520 = tpu.memref_slice %arg6[%add3A_63, %dma_start3A_519] : memref<262144x128xf32, #tpu.memory_space<hbm>> -> memref<128x128xf32, #tpu.memory_space<hbm>>
      %dma_start3A_521 = arith.constant 0 : i32
      %dma_start3A_522 = arith.constant 0 : i32
      %dma_start3A_523 = tpu.memref_slice %arg13[%dma_start3A_512, %dma_start3A_521, %dma_start3A_522] : memref<4x128x128xf32, #tpu.memory_space<vmem>> -> memref<1x128x128xf32, #tpu.memory_space<vmem>>
      %dma_start3A_524 = tpu.memref_squeeze %dma_start3A_523 : memref<1x128x128xf32, #tpu.memory_space<vmem>> -> memref<128x128xf32, #tpu.memory_space<vmem>>
      tpu.enqueue_dma source(%dma_start3A_524 : memref<128x128xf32, #tpu.memory_space<vmem>>) target(%dma_start3A_520 : memref<128x128xf32, #tpu.memory_space<hbm>>) target_semaphore(%arg15 : memref<!tpu.dma_semaphore, #tpu.memory_space<semaphore_mem>>)
      %scan3A_525 = arith.constant 0 : i32
      %scan3A_526 = arith.constant 0 : i32
      %scan3A_527 = arith.constant 32 : i32
      %scan3A_528 = arith.addi %scan3A_526, %scan3A_527 : i32
      %scan3A_529 = arith.constant 1 : i32
      %scan3A_530 = scf.for %scan3A_930 = %scan3A_526 to %scan3A_528 step %scan3A_529 iter_args(%scan3A_931 = %scan3A_525) -> (i32)  : i32 {
        %mul3A_932 = arith.constant 16 : i32
        %mul3A_933 = arith.muli %scan3A_930, %mul3A_932 : i32
        %add3A_934 = arith.constant 3584 : i32
        %add3A_935 = arith.addi %add3A_934, %mul3A_933 : i32
        %get3A = arith.index_cast %add3A_935 : i32 to index
        %get3A_936 = tpu.vector_load %arg8[%get3A] {strides = array<i32>} : memref<4096xi32, #tpu.memory_space<vmem>>, vector<16xi32>,
        %add3A_937 = arith.constant 512 : i32
        %add3A_938 = arith.addi %add3A_937, %mul3A_933 : i32
        %swap3A = arith.index_cast %add3A_938 : i32 to index
        %swap3A_939 = tpu.vector_load %arg12[%swap3A] {strides = array<i32>} : memref<1024xi32, #tpu.memory_space<vmem>>, vector<16xi32>,
        tpu.vector_store %arg12[%swap3A], %get3A_936 {strides = array<i32>} : memref<1024xi32, #tpu.memory_space<vmem>>, vector<16xi32>,
        %scan3A_940 = arith.constant 0 : i32
        scf.yield %scan3A_940 : i32
      }
      %scan3A_531 = arith.constant 32 : i32
      %dma_wait3A_532 = arith.constant 1 : i32
      %dma_wait3A_533 = arith.constant 0 : i32
      %dma_wait3A_534 = arith.constant 0 : i32
      %dma_wait3A_535 = tpu.memref_slice %arg13[%dma_wait3A_532, %dma_wait3A_533, %dma_wait3A_534] : memref<4x128x128xf32, #tpu.memory_space<vmem>> -> memref<1x128x128xf32, #tpu.memory_space<vmem>>
      %dma_wait3A_536 = tpu.memref_squeeze %dma_wait3A_535 : memref<1x128x128xf32, #tpu.memory_space<vmem>> -> memref<128x128xf32, #tpu.memory_space<vmem>>
      %dma_wait3A_537 = arith.constant 0 : i32
      %dma_wait3A_538 = tpu.memref_slice %arg6[%add3A_59, %dma_wait3A_537] : memref<262144x128xf32, #tpu.memory_space<hbm>> -> memref<128x128xf32, #tpu.memory_space<hbm>>
      %dma_wait3A_539 = arith.constant 0 : i32
      %dma_wait3A_540 = tpu.memref_slice %arg6[%add3A_59, %dma_wait3A_539] : memref<262144x128xf32, #tpu.memory_space<hbm>> -> memref<128x128xf32, #tpu.memory_space<hbm>>
      %dma_wait3A_541 = arith.constant 0 : i32
      %dma_wait3A_542 = arith.constant 0 : i32
      %dma_wait3A_543 = tpu.memref_slice %arg13[%dma_wait3A_532, %dma_wait3A_541, %dma_wait3A_542] : memref<4x128x128xf32, #tpu.memory_space<vmem>> -> memref<1x128x128xf32, #tpu.memory_space<vmem>>
      %dma_wait3A_544 = tpu.memref_squeeze %dma_wait3A_543 : memref<1x128x128xf32, #tpu.memory_space<vmem>> -> memref<128x128xf32, #tpu.memory_space<vmem>>
      tpu.wait_dma2 semaphore(%arg15 : memref<!tpu.dma_semaphore, #tpu.memory_space<semaphore_mem>>) src(%dma_wait3A_544 : memref<128x128xf32, #tpu.memory_space<vmem>>) dst(%dma_wait3A_540 : memref<128x128xf32, #tpu.memory_space<hbm>>)
      %dma_start3A_545 = arith.constant 1 : i32
      %dma_start3A_546 = arith.constant 0 : i32
      %dma_start3A_547 = arith.constant 0 : i32
      %dma_start3A_548 = tpu.memref_slice %arg13[%dma_start3A_545, %dma_start3A_546, %dma_start3A_547] : memref<4x128x128xf32, #tpu.memory_space<vmem>> -> memref<1x128x128xf32, #tpu.memory_space<vmem>>
      %dma_start3A_549 = tpu.memref_squeeze %dma_start3A_548 : memref<1x128x128xf32, #tpu.memory_space<vmem>> -> memref<128x128xf32, #tpu.memory_space<vmem>>
      %dma_start3A_550 = arith.constant 0 : i32
      %dma_start3A_551 = tpu.memref_slice %arg11[%dma_start3A_550] : memref<1024xi32, #tpu.memory_space<vmem>> -> memref<128xi32, #tpu.memory_space<vmem>>
      %dma_start3A_552 = arith.constant 0 : i32
      %dma_start3A_553 = arith.constant 0 : i32
      %dma_start3A_554 = tpu.memref_slice %arg4[%dma_start3A_552, %dma_start3A_553] : memref<1048576x128xf32, #tpu.memory_space<hbm>> -> memref<1048576x128xf32, #tpu.memory_space<hbm>>
      tpu.enqueue_indirect_dma source(%dma_start3A_554 : memref<1048576x128xf32, #tpu.memory_space<hbm>>) target(%dma_start3A_549 : memref<128x128xf32, #tpu.memory_space<vmem>>) offsets(%dma_start3A_551 : memref<128xi32, #tpu.memory_space<vmem>>) semaphore(%arg14 : memref<!tpu.dma_semaphore, #tpu.memory_space<semaphore_mem>>)
      %dma_wait3A_555 = arith.constant 0 : i32
      %dma_wait3A_556 = arith.constant 0 : i32
      %dma_wait3A_557 = arith.constant 0 : i32
      %dma_wait3A_558 = tpu.memref_slice %arg13[%dma_wait3A_555, %dma_wait3A_556, %dma_wait3A_557] : memref<4x128x128xf32, #tpu.memory_space<vmem>> -> memref<1x128x128xf32, #tpu.memory_space<vmem>>
      %dma_wait3A_559 = tpu.memref_squeeze %dma_wait3A_558 : memref<1x128x128xf32, #tpu.memory_space<vmem>> -> memref<128x128xf32, #tpu.memory_space<vmem>>
      %dma_wait3A_560 = arith.constant 0 : i32
      %dma_wait3A_561 = tpu.memref_slice %arg11[%dma_wait3A_560] : memref<1024xi32, #tpu.memory_space<vmem>> -> memref<128xi32, #tpu.memory_space<vmem>>
      %dma_wait3A_562 = arith.constant 0 : i32
      %dma_wait3A_563 = arith.constant 0 : i32
      %dma_wait3A_564 = tpu.memref_slice %arg3[%dma_wait3A_562, %dma_wait3A_563] : memref<1048576x128xf32, #tpu.memory_space<hbm>> -> memref<1048576x128xf32, #tpu.memory_space<hbm>>
      tpu.wait_indirect_dma semaphore(%arg14 : memref<!tpu.dma_semaphore, #tpu.memory_space<semaphore_mem>>) src(%dma_wait3A_564 : memref<1048576x128xf32, #tpu.memory_space<hbm>>) dst(%dma_wait3A_559 : memref<128x128xf32, #tpu.memory_space<vmem>>)
      %dma_start3A_565 = arith.constant 0 : i32
      %dma_start3A_566 = arith.constant 0 : i32
      %dma_start3A_567 = arith.constant 0 : i32
      %dma_start3A_568 = tpu.memref_slice %arg13[%dma_start3A_565, %dma_start3A_566, %dma_start3A_567] : memref<4x128x128xf32, #tpu.memory_space<vmem>> -> memref<1x128x128xf32, #tpu.memory_space<vmem>>
      %dma_start3A_569 = tpu.memref_squeeze %dma_start3A_568 : memref<1x128x128xf32, #tpu.memory_space<vmem>> -> memref<128x128xf32, #tpu.memory_space<vmem>>
      %dma_start3A_570 = arith.constant 0 : i32
      %dma_start3A_571 = tpu.memref_slice %arg5[%add3A_65, %dma_start3A_570] : memref<262144x128xf32, #tpu.memory_space<hbm>> -> memref<128x128xf32, #tpu.memory_space<hbm>>
      %dma_start3A_572 = arith.constant 0 : i32
      %dma_start3A_573 = tpu.memref_slice %arg5[%add3A_65, %dma_start3A_572] : memref<262144x128xf32, #tpu.memory_space<hbm>> -> memref<128x128xf32, #tpu.memory_space<hbm>>
      %dma_start3A_574 = arith.constant 0 : i32
      %dma_start3A_575 = arith.constant 0 : i32
      %dma_start3A_576 = tpu.memref_slice %arg13[%dma_start3A_565, %dma_start3A_574, %dma_start3A_575] : memref<4x128x128xf32, #tpu.memory_space<vmem>> -> memref<1x128x128xf32, #tpu.memory_space<vmem>>
      %dma_start3A_577 = tpu.memref_squeeze %dma_start3A_576 : memref<1x128x128xf32, #tpu.memory_space<vmem>> -> memref<128x128xf32, #tpu.memory_space<vmem>>
      tpu.enqueue_dma source(%dma_start3A_577 : memref<128x128xf32, #tpu.memory_space<vmem>>) target(%dma_start3A_573 : memref<128x128xf32, #tpu.memory_space<hbm>>) target_semaphore(%arg15 : memref<!tpu.dma_semaphore, #tpu.memory_space<semaphore_mem>>)
      "tpu.region"() ({
        %run_scoped3A = tpu.sem_alloc : memref<!tpu.dma_semaphore, #tpu.memory_space<semaphore_mem>>
        %dma_start3A_930 = arith.constant 0 : i32
        %dma_start3A_931 = tpu.memref_slice %arg12[%dma_start3A_930] : memref<1024xi32, #tpu.memory_space<vmem>> -> memref<1024xi32, #tpu.memory_space<vmem>>
        %dma_start3A_932 = arith.constant 0 : i32
        %dma_start3A_933 = tpu.memref_slice %arg7[%add3A_11, %dma_start3A_932] : memref<256x1024xi32, #tpu.memory_space<hbm>> -> memref<1x1024xi32, #tpu.memory_space<hbm>>
        %dma_start3A_934 = tpu.memref_squeeze %dma_start3A_933 : memref<1x1024xi32, #tpu.memory_space<hbm>> -> memref<1024xi32, #tpu.memory_space<hbm>>
        %dma_start3A_935 = arith.constant 0 : i32
        %dma_start3A_936 = tpu.memref_slice %arg7[%add3A_11, %dma_start3A_935] : memref<256x1024xi32, #tpu.memory_space<hbm>> -> memref<1x1024xi32, #tpu.memory_space<hbm>>
        %dma_start3A_937 = tpu.memref_squeeze %dma_start3A_936 : memref<1x1024xi32, #tpu.memory_space<hbm>> -> memref<1024xi32, #tpu.memory_space<hbm>>
        %dma_start3A_938 = arith.constant 0 : i32
        %dma_start3A_939 = tpu.memref_slice %arg12[%dma_start3A_938] : memref<1024xi32, #tpu.memory_space<vmem>> -> memref<1024xi32, #tpu.memory_space<vmem>>
        tpu.enqueue_dma source(%dma_start3A_939 : memref<1024xi32, #tpu.memory_space<vmem>>) target(%dma_start3A_937 : memref<1024xi32, #tpu.memory_space<hbm>>) target_semaphore(%run_scoped3A : memref<!tpu.dma_semaphore, #tpu.memory_space<semaphore_mem>>)
        %dma_wait3A_940 = arith.constant 0 : i32
        %dma_wait3A_941 = tpu.memref_slice %arg12[%dma_wait3A_940] : memref<1024xi32, #tpu.memory_space<vmem>> -> memref<1024xi32, #tpu.memory_space<vmem>>
        %dma_wait3A_942 = arith.constant 0 : i32
        %dma_wait3A_943 = tpu.memref_slice %arg7[%add3A_11, %dma_wait3A_942] : memref<256x1024xi32, #tpu.memory_space<hbm>> -> memref<1x1024xi32, #tpu.memory_space<hbm>>
        %dma_wait3A_944 = tpu.memref_squeeze %dma_wait3A_943 : memref<1x1024xi32, #tpu.memory_space<hbm>> -> memref<1024xi32, #tpu.memory_space<hbm>>
        %dma_wait3A_945 = arith.constant 0 : i32
        %dma_wait3A_946 = tpu.memref_slice %arg7[%add3A_11, %dma_wait3A_945] : memref<256x1024xi32, #tpu.memory_space<hbm>> -> memref<1x1024xi32, #tpu.memory_space<hbm>>
        %dma_wait3A_947 = tpu.memref_squeeze %dma_wait3A_946 : memref<1x1024xi32, #tpu.memory_space<hbm>> -> memref<1024xi32, #tpu.memory_space<hbm>>
        %dma_wait3A_948 = arith.constant 0 : i32
        %dma_wait3A_949 = tpu.memref_slice %arg12[%dma_wait3A_948] : memref<1024xi32, #tpu.memory_space<vmem>> -> memref<1024xi32, #tpu.memory_space<vmem>>
        tpu.wait_dma2 semaphore(%run_scoped3A : memref<!tpu.dma_semaphore, #tpu.memory_space<semaphore_mem>>) src(%dma_wait3A_949 : memref<1024xi32, #tpu.memory_space<vmem>>) dst(%dma_wait3A_947 : memref<1024xi32, #tpu.memory_space<hbm>>)
        tpu.yield
      }) : () -> ()
      %dma_wait3A_578 = arith.constant 2 : i32
      %dma_wait3A_579 = arith.constant 0 : i32
      %dma_wait3A_580 = arith.constant 0 : i32
      %dma_wait3A_581 = tpu.memref_slice %arg13[%dma_wait3A_578, %dma_wait3A_579, %dma_wait3A_580] : memref<4x128x128xf32, #tpu.memory_space<vmem>> -> memref<1x128x128xf32, #tpu.memory_space<vmem>>
      %dma_wait3A_582 = tpu.memref_squeeze %dma_wait3A_581 : memref<1x128x128xf32, #tpu.memory_space<vmem>> -> memref<128x128xf32, #tpu.memory_space<vmem>>
      %dma_wait3A_583 = arith.constant 0 : i32
      %dma_wait3A_584 = tpu.memref_slice %arg5[%add3A_61, %dma_wait3A_583] : memref<262144x128xf32, #tpu.memory_space<hbm>> -> memref<128x128xf32, #tpu.memory_space<hbm>>
      %dma_wait3A_585 = arith.constant 0 : i32
      %dma_wait3A_586 = tpu.memref_slice %arg5[%add3A_61, %dma_wait3A_585] : memref<262144x128xf32, #tpu.memory_space<hbm>> -> memref<128x128xf32, #tpu.memory_space<hbm>>
      %dma_wait3A_587 = arith.constant 0 : i32
      %dma_wait3A_588 = arith.constant 0 : i32
      %dma_wait3A_589 = tpu.memref_slice %arg13[%dma_wait3A_578, %dma_wait3A_587, %dma_wait3A_588] : memref<4x128x128xf32, #tpu.memory_space<vmem>> -> memref<1x128x128xf32, #tpu.memory_space<vmem>>
      %dma_wait3A_590 = tpu.memref_squeeze %dma_wait3A_589 : memref<1x128x128xf32, #tpu.memory_space<vmem>> -> memref<128x128xf32, #tpu.memory_space<vmem>>
      tpu.wait_dma2 semaphore(%arg15 : memref<!tpu.dma_semaphore, #tpu.memory_space<semaphore_mem>>) src(%dma_wait3A_590 : memref<128x128xf32, #tpu.memory_space<vmem>>) dst(%dma_wait3A_586 : memref<128x128xf32, #tpu.memory_space<hbm>>)
      %dma_start3A_591 = arith.constant 2 : i32
      %dma_start3A_592 = arith.constant 0 : i32
      %dma_start3A_593 = arith.constant 0 : i32
      %dma_start3A_594 = tpu.memref_slice %arg13[%dma_start3A_591, %dma_start3A_592, %dma_start3A_593] : memref<4x128x128xf32, #tpu.memory_space<vmem>> -> memref<1x128x128xf32, #tpu.memory_space<vmem>>
      %dma_start3A_595 = tpu.memref_squeeze %dma_start3A_594 : memref<1x128x128xf32, #tpu.memory_space<vmem>> -> memref<128x128xf32, #tpu.memory_space<vmem>>
      %dma_start3A_596 = arith.constant 128 : i32
      %dma_start3A_597 = tpu.memref_slice %arg11[%dma_start3A_596] : memref<1024xi32, #tpu.memory_space<vmem>> -> memref<128xi32, #tpu.memory_space<vmem>>
      %dma_start3A_598 = arith.constant 0 : i32
      %dma_start3A_599 = arith.constant 0 : i32
      %dma_start3A_600 = tpu.memref_slice %arg3[%dma_start3A_598, %dma_start3A_599] : memref<1048576x128xf32, #tpu.memory_space<hbm>> -> memref<1048576x128xf32, #tpu.memory_space<hbm>>
      tpu.enqueue_indirect_dma source(%dma_start3A_600 : memref<1048576x128xf32, #tpu.memory_space<hbm>>) target(%dma_start3A_595 : memref<128x128xf32, #tpu.memory_space<vmem>>) offsets(%dma_start3A_597 : memref<128xi32, #tpu.memory_space<vmem>>) semaphore(%arg14 : memref<!tpu.dma_semaphore, #tpu.memory_space<semaphore_mem>>)
      %dma_wait3A_601 = arith.constant 1 : i32
      %dma_wait3A_602 = arith.constant 0 : i32
      %dma_wait3A_603 = arith.constant 0 : i32
      %dma_wait3A_604 = tpu.memref_slice %arg13[%dma_wait3A_601, %dma_wait3A_602, %dma_wait3A_603] : memref<4x128x128xf32, #tpu.memory_space<vmem>> -> memref<1x128x128xf32, #tpu.memory_space<vmem>>
      %dma_wait3A_605 = tpu.memref_squeeze %dma_wait3A_604 : memref<1x128x128xf32, #tpu.memory_space<vmem>> -> memref<128x128xf32, #tpu.memory_space<vmem>>
      %dma_wait3A_606 = arith.constant 0 : i32
      %dma_wait3A_607 = tpu.memref_slice %arg11[%dma_wait3A_606] : memref<1024xi32, #tpu.memory_space<vmem>> -> memref<128xi32, #tpu.memory_space<vmem>>
      %dma_wait3A_608 = arith.constant 0 : i32
      %dma_wait3A_609 = arith.constant 0 : i32
      %dma_wait3A_610 = tpu.memref_slice %arg4[%dma_wait3A_608, %dma_wait3A_609] : memref<1048576x128xf32, #tpu.memory_space<hbm>> -> memref<1048576x128xf32, #tpu.memory_space<hbm>>
      tpu.wait_indirect_dma semaphore(%arg14 : memref<!tpu.dma_semaphore, #tpu.memory_space<semaphore_mem>>) src(%dma_wait3A_610 : memref<1048576x128xf32, #tpu.memory_space<hbm>>) dst(%dma_wait3A_605 : memref<128x128xf32, #tpu.memory_space<vmem>>)
      %dma_start3A_611 = arith.constant 1 : i32
      %dma_start3A_612 = arith.constant 0 : i32
      %dma_start3A_613 = arith.constant 0 : i32
      %dma_start3A_614 = tpu.memref_slice %arg13[%dma_start3A_611, %dma_start3A_612, %dma_start3A_613] : memref<4x128x128xf32, #tpu.memory_space<vmem>> -> memref<1x128x128xf32, #tpu.memory_space<vmem>>
      %dma_start3A_615 = tpu.memref_squeeze %dma_start3A_614 : memref<1x128x128xf32, #tpu.memory_space<vmem>> -> memref<128x128xf32, #tpu.memory_space<vmem>>
      %dma_start3A_616 = arith.constant 0 : i32
      %dma_start3A_617 = tpu.memref_slice %arg6[%add3A_67, %dma_start3A_616] : memref<262144x128xf32, #tpu.memory_space<hbm>> -> memref<128x128xf32, #tpu.memory_space<hbm>>
      %dma_start3A_618 = arith.constant 0 : i32
      %dma_start3A_619 = tpu.memref_slice %arg6[%add3A_67, %dma_start3A_618] : memref<262144x128xf32, #tpu.memory_space<hbm>> -> memref<128x128xf32, #tpu.memory_space<hbm>>
      %dma_start3A_620 = arith.constant 0 : i32
      %dma_start3A_621 = arith.constant 0 : i32
      %dma_start3A_622 = tpu.memref_slice %arg13[%dma_start3A_611, %dma_start3A_620, %dma_start3A_621] : memref<4x128x128xf32, #tpu.memory_space<vmem>> -> memref<1x128x128xf32, #tpu.memory_space<vmem>>
      %dma_start3A_623 = tpu.memref_squeeze %dma_start3A_622 : memref<1x128x128xf32, #tpu.memory_space<vmem>> -> memref<128x128xf32, #tpu.memory_space<vmem>>
      tpu.enqueue_dma source(%dma_start3A_623 : memref<128x128xf32, #tpu.memory_space<vmem>>) target(%dma_start3A_619 : memref<128x128xf32, #tpu.memory_space<hbm>>) target_semaphore(%arg15 : memref<!tpu.dma_semaphore, #tpu.memory_space<semaphore_mem>>)
      %dma_wait3A_624 = arith.constant 3 : i32
      %dma_wait3A_625 = arith.constant 0 : i32
      %dma_wait3A_626 = arith.constant 0 : i32
      %dma_wait3A_627 = tpu.memref_slice %arg13[%dma_wait3A_624, %dma_wait3A_625, %dma_wait3A_626] : memref<4x128x128xf32, #tpu.memory_space<vmem>> -> memref<1x128x128xf32, #tpu.memory_space<vmem>>
      %dma_wait3A_628 = tpu.memref_squeeze %dma_wait3A_627 : memref<1x128x128xf32, #tpu.memory_space<vmem>> -> memref<128x128xf32, #tpu.memory_space<vmem>>
      %dma_wait3A_629 = arith.constant 0 : i32
      %dma_wait3A_630 = tpu.memref_slice %arg6[%add3A_63, %dma_wait3A_629] : memref<262144x128xf32, #tpu.memory_space<hbm>> -> memref<128x128xf32, #tpu.memory_space<hbm>>
      %dma_wait3A_631 = arith.constant 0 : i32
      %dma_wait3A_632 = tpu.memref_slice %arg6[%add3A_63, %dma_wait3A_631] : memref<262144x128xf32, #tpu.memory_space<hbm>> -> memref<128x128xf32, #tpu.memory_space<hbm>>
      %dma_wait3A_633 = arith.constant 0 : i32
      %dma_wait3A_634 = arith.constant 0 : i32
      %dma_wait3A_635 = tpu.memref_slice %arg13[%dma_wait3A_624, %dma_wait3A_633, %dma_wait3A_634] : memref<4x128x128xf32, #tpu.memory_space<vmem>> -> memref<1x128x128xf32, #tpu.memory_space<vmem>>
      %dma_wait3A_636 = tpu.memref_squeeze %dma_wait3A_635 : memref<1x128x128xf32, #tpu.memory_space<vmem>> -> memref<128x128xf32, #tpu.memory_space<vmem>>
      tpu.wait_dma2 semaphore(%arg15 : memref<!tpu.dma_semaphore, #tpu.memory_space<semaphore_mem>>) src(%dma_wait3A_636 : memref<128x128xf32, #tpu.memory_space<vmem>>) dst(%dma_wait3A_632 : memref<128x128xf32, #tpu.memory_space<hbm>>)
      %dma_start3A_637 = arith.constant 3 : i32
      %dma_start3A_638 = arith.constant 0 : i32
      %dma_start3A_639 = arith.constant 0 : i32
      %dma_start3A_640 = tpu.memref_slice %arg13[%dma_start3A_637, %dma_start3A_638, %dma_start3A_639] : memref<4x128x128xf32, #tpu.memory_space<vmem>> -> memref<1x128x128xf32, #tpu.memory_space<vmem>>
      %dma_start3A_641 = tpu.memref_squeeze %dma_start3A_640 : memref<1x128x128xf32, #tpu.memory_space<vmem>> -> memref<128x128xf32, #tpu.memory_space<vmem>>
      %dma_start3A_642 = arith.constant 128 : i32
      %dma_start3A_643 = tpu.memref_slice %arg11[%dma_start3A_642] : memref<1024xi32, #tpu.memory_space<vmem>> -> memref<128xi32, #tpu.memory_space<vmem>>
      %dma_start3A_644 = arith.constant 0 : i32
      %dma_start3A_645 = arith.constant 0 : i32
      %dma_start3A_646 = tpu.memref_slice %arg4[%dma_start3A_644, %dma_start3A_645] : memref<1048576x128xf32, #tpu.memory_space<hbm>> -> memref<1048576x128xf32, #tpu.memory_space<hbm>>
      tpu.enqueue_indirect_dma source(%dma_start3A_646 : memref<1048576x128xf32, #tpu.memory_space<hbm>>) target(%dma_start3A_641 : memref<128x128xf32, #tpu.memory_space<vmem>>) offsets(%dma_start3A_643 : memref<128xi32, #tpu.memory_space<vmem>>) semaphore(%arg14 : memref<!tpu.dma_semaphore, #tpu.memory_space<semaphore_mem>>)
      %dma_wait3A_647 = arith.constant 2 : i32
      %dma_wait3A_648 = arith.constant 0 : i32
      %dma_wait3A_649 = arith.constant 0 : i32
      %dma_wait3A_650 = tpu.memref_slice %arg13[%dma_wait3A_647, %dma_wait3A_648, %dma_wait3A_649] : memref<4x128x128xf32, #tpu.memory_space<vmem>> -> memref<1x128x128xf32, #tpu.memory_space<vmem>>
      %dma_wait3A_651 = tpu.memref_squeeze %dma_wait3A_650 : memref<1x128x128xf32, #tpu.memory_space<vmem>> -> memref<128x128xf32, #tpu.memory_space<vmem>>
      %dma_wait3A_652 = arith.constant 128 : i32
      %dma_wait3A_653 = tpu.memref_slice %arg11[%dma_wait3A_652] : memref<1024xi32, #tpu.memory_space<vmem>> -> memref<128xi32, #tpu.memory_space<vmem>>
      %dma_wait3A_654 = arith.constant 0 : i32
      %dma_wait3A_655 = arith.constant 0 : i32
      %dma_wait3A_656 = tpu.memref_slice %arg3[%dma_wait3A_654, %dma_wait3A_655] : memref<1048576x128xf32, #tpu.memory_space<hbm>> -> memref<1048576x128xf32, #tpu.memory_space<hbm>>
      tpu.wait_indirect_dma semaphore(%arg14 : memref<!tpu.dma_semaphore, #tpu.memory_space<semaphore_mem>>) src(%dma_wait3A_656 : memref<1048576x128xf32, #tpu.memory_space<hbm>>) dst(%dma_wait3A_651 : memref<128x128xf32, #tpu.memory_space<vmem>>)
      %dma_start3A_657 = arith.constant 2 : i32
      %dma_start3A_658 = arith.constant 0 : i32
      %dma_start3A_659 = arith.constant 0 : i32
      %dma_start3A_660 = tpu.memref_slice %arg13[%dma_start3A_657, %dma_start3A_658, %dma_start3A_659] : memref<4x128x128xf32, #tpu.memory_space<vmem>> -> memref<1x128x128xf32, #tpu.memory_space<vmem>>
      %dma_start3A_661 = tpu.memref_squeeze %dma_start3A_660 : memref<1x128x128xf32, #tpu.memory_space<vmem>> -> memref<128x128xf32, #tpu.memory_space<vmem>>
      %dma_start3A_662 = arith.constant 0 : i32
      %dma_start3A_663 = tpu.memref_slice %arg5[%add3A_69, %dma_start3A_662] : memref<262144x128xf32, #tpu.memory_space<hbm>> -> memref<128x128xf32, #tpu.memory_space<hbm>>
      %dma_start3A_664 = arith.constant 0 : i32
      %dma_start3A_665 = tpu.memref_slice %arg5[%add3A_69, %dma_start3A_664] : memref<262144x128xf32, #tpu.memory_space<hbm>> -> memref<128x128xf32, #tpu.memory_space<hbm>>
      %dma_start3A_666 = arith.constant 0 : i32
      %dma_start3A_667 = arith.constant 0 : i32
      %dma_start3A_668 = tpu.memref_slice %arg13[%dma_start3A_657, %dma_start3A_666, %dma_start3A_667] : memref<4x128x128xf32, #tpu.memory_space<vmem>> -> memref<1x128x128xf32, #tpu.memory_space<vmem>>
      %dma_start3A_669 = tpu.memref_squeeze %dma_start3A_668 : memref<1x128x128xf32, #tpu.memory_space<vmem>> -> memref<128x128xf32, #tpu.memory_space<vmem>>
      tpu.enqueue_dma source(%dma_start3A_669 : memref<128x128xf32, #tpu.memory_space<vmem>>) target(%dma_start3A_665 : memref<128x128xf32, #tpu.memory_space<hbm>>) target_semaphore(%arg15 : memref<!tpu.dma_semaphore, #tpu.memory_space<semaphore_mem>>)
      %dma_wait3A_670 = arith.constant 0 : i32
      %dma_wait3A_671 = arith.constant 0 : i32
      %dma_wait3A_672 = arith.constant 0 : i32
      %dma_wait3A_673 = tpu.memref_slice %arg13[%dma_wait3A_670, %dma_wait3A_671, %dma_wait3A_672] : memref<4x128x128xf32, #tpu.memory_space<vmem>> -> memref<1x128x128xf32, #tpu.memory_space<vmem>>
      %dma_wait3A_674 = tpu.memref_squeeze %dma_wait3A_673 : memref<1x128x128xf32, #tpu.memory_space<vmem>> -> memref<128x128xf32, #tpu.memory_space<vmem>>
      %dma_wait3A_675 = arith.constant 0 : i32
      %dma_wait3A_676 = tpu.memref_slice %arg5[%add3A_65, %dma_wait3A_675] : memref<262144x128xf32, #tpu.memory_space<hbm>> -> memref<128x128xf32, #tpu.memory_space<hbm>>
      %dma_wait3A_677 = arith.constant 0 : i32
      %dma_wait3A_678 = tpu.memref_slice %arg5[%add3A_65, %dma_wait3A_677] : memref<262144x128xf32, #tpu.memory_space<hbm>> -> memref<128x128xf32, #tpu.memory_space<hbm>>
      %dma_wait3A_679 = arith.constant 0 : i32
      %dma_wait3A_680 = arith.constant 0 : i32
      %dma_wait3A_681 = tpu.memref_slice %arg13[%dma_wait3A_670, %dma_wait3A_679, %dma_wait3A_680] : memref<4x128x128xf32, #tpu.memory_space<vmem>> -> memref<1x128x128xf32, #tpu.memory_space<vmem>>
      %dma_wait3A_682 = tpu.memref_squeeze %dma_wait3A_681 : memref<1x128x128xf32, #tpu.memory_space<vmem>> -> memref<128x128xf32, #tpu.memory_space<vmem>>
      tpu.wait_dma2 semaphore(%arg15 : memref<!tpu.dma_semaphore, #tpu.memory_space<semaphore_mem>>) src(%dma_wait3A_682 : memref<128x128xf32, #tpu.memory_space<vmem>>) dst(%dma_wait3A_678 : memref<128x128xf32, #tpu.memory_space<hbm>>)
      %dma_start3A_683 = arith.constant 0 : i32
      %dma_start3A_684 = arith.constant 0 : i32
      %dma_start3A_685 = arith.constant 0 : i32
      %dma_start3A_686 = tpu.memref_slice %arg13[%dma_start3A_683, %dma_start3A_684, %dma_start3A_685] : memref<4x128x128xf32, #tpu.memory_space<vmem>> -> memref<1x128x128xf32, #tpu.memory_space<vmem>>
      %dma_start3A_687 = tpu.memref_squeeze %dma_start3A_686 : memref<1x128x128xf32, #tpu.memory_space<vmem>> -> memref<128x128xf32, #tpu.memory_space<vmem>>
      %dma_start3A_688 = arith.constant 256 : i32
      %dma_start3A_689 = tpu.memref_slice %arg11[%dma_start3A_688] : memref<1024xi32, #tpu.memory_space<vmem>> -> memref<128xi32, #tpu.memory_space<vmem>>
      %dma_start3A_690 = arith.constant 0 : i32
      %dma_start3A_691 = arith.constant 0 : i32
      %dma_start3A_692 = tpu.memref_slice %arg3[%dma_start3A_690, %dma_start3A_691] : memref<1048576x128xf32, #tpu.memory_space<hbm>> -> memref<1048576x128xf32, #tpu.memory_space<hbm>>
      tpu.enqueue_indirect_dma source(%dma_start3A_692 : memref<1048576x128xf32, #tpu.memory_space<hbm>>) target(%dma_start3A_687 : memref<128x128xf32, #tpu.memory_space<vmem>>) offsets(%dma_start3A_689 : memref<128xi32, #tpu.memory_space<vmem>>) semaphore(%arg14 : memref<!tpu.dma_semaphore, #tpu.memory_space<semaphore_mem>>)
      %dma_wait3A_693 = arith.constant 3 : i32
      %dma_wait3A_694 = arith.constant 0 : i32
      %dma_wait3A_695 = arith.constant 0 : i32
      %dma_wait3A_696 = tpu.memref_slice %arg13[%dma_wait3A_693, %dma_wait3A_694, %dma_wait3A_695] : memref<4x128x128xf32, #tpu.memory_space<vmem>> -> memref<1x128x128xf32, #tpu.memory_space<vmem>>
      %dma_wait3A_697 = tpu.memref_squeeze %dma_wait3A_696 : memref<1x128x128xf32, #tpu.memory_space<vmem>> -> memref<128x128xf32, #tpu.memory_space<vmem>>
      %dma_wait3A_698 = arith.constant 128 : i32
      %dma_wait3A_699 = tpu.memref_slice %arg11[%dma_wait3A_698] : memref<1024xi32, #tpu.memory_space<vmem>> -> memref<128xi32, #tpu.memory_space<vmem>>
      %dma_wait3A_700 = arith.constant 0 : i32
      %dma_wait3A_701 = arith.constant 0 : i32
      %dma_wait3A_702 = tpu.memref_slice %arg4[%dma_wait3A_700, %dma_wait3A_701] : memref<1048576x128xf32, #tpu.memory_space<hbm>> -> memref<1048576x128xf32, #tpu.memory_space<hbm>>
      tpu.wait_indirect_dma semaphore(%arg14 : memref<!tpu.dma_semaphore, #tpu.memory_space<semaphore_mem>>) src(%dma_wait3A_702 : memref<1048576x128xf32, #tpu.memory_space<hbm>>) dst(%dma_wait3A_697 : memref<128x128xf32, #tpu.memory_space<vmem>>)
      %dma_start3A_703 = arith.constant 3 : i32
      %dma_start3A_704 = arith.constant 0 : i32
      %dma_start3A_705 = arith.constant 0 : i32
      %dma_start3A_706 = tpu.memref_slice %arg13[%dma_start3A_703, %dma_start3A_704, %dma_start3A_705] : memref<4x128x128xf32, #tpu.memory_space<vmem>> -> memref<1x128x128xf32, #tpu.memory_space<vmem>>
      %dma_start3A_707 = tpu.memref_squeeze %dma_start3A_706 : memref<1x128x128xf32, #tpu.memory_space<vmem>> -> memref<128x128xf32, #tpu.memory_space<vmem>>
      %dma_start3A_708 = arith.constant 0 : i32
      %dma_start3A_709 = tpu.memref_slice %arg6[%add3A_71, %dma_start3A_708] : memref<262144x128xf32, #tpu.memory_space<hbm>> -> memref<128x128xf32, #tpu.memory_space<hbm>>
      %dma_start3A_710 = arith.constant 0 : i32
      %dma_start3A_711 = tpu.memref_slice %arg6[%add3A_71, %dma_start3A_710] : memref<262144x128xf32, #tpu.memory_space<hbm>> -> memref<128x128xf32, #tpu.memory_space<hbm>>
      %dma_start3A_712 = arith.constant 0 : i32
      %dma_start3A_713 = arith.constant 0 : i32
      %dma_start3A_714 = tpu.memref_slice %arg13[%dma_start3A_703, %dma_start3A_712, %dma_start3A_713] : memref<4x128x128xf32, #tpu.memory_space<vmem>> -> memref<1x128x128xf32, #tpu.memory_space<vmem>>
      %dma_start3A_715 = tpu.memref_squeeze %dma_start3A_714 : memref<1x128x128xf32, #tpu.memory_space<vmem>> -> memref<128x128xf32, #tpu.memory_space<vmem>>
      tpu.enqueue_dma source(%dma_start3A_715 : memref<128x128xf32, #tpu.memory_space<vmem>>) target(%dma_start3A_711 : memref<128x128xf32, #tpu.memory_space<hbm>>) target_semaphore(%arg15 : memref<!tpu.dma_semaphore, #tpu.memory_space<semaphore_mem>>)
      %dma_wait3A_716 = arith.constant 1 : i32
      %dma_wait3A_717 = arith.constant 0 : i32
      %dma_wait3A_718 = arith.constant 0 : i32
      %dma_wait3A_719 = tpu.memref_slice %arg13[%dma_wait3A_716, %dma_wait3A_717, %dma_wait3A_718] : memref<4x128x128xf32, #tpu.memory_space<vmem>> -> memref<1x128x128xf32, #tpu.memory_space<vmem>>
      %dma_wait3A_720 = tpu.memref_squeeze %dma_wait3A_719 : memref<1x128x128xf32, #tpu.memory_space<vmem>> -> memref<128x128xf32, #tpu.memory_space<vmem>>
      %dma_wait3A_721 = arith.constant 0 : i32
      %dma_wait3A_722 = tpu.memref_slice %arg6[%add3A_67, %dma_wait3A_721] : memref<262144x128xf32, #tpu.memory_space<hbm>> -> memref<128x128xf32, #tpu.memory_space<hbm>>
      %dma_wait3A_723 = arith.constant 0 : i32
      %dma_wait3A_724 = tpu.memref_slice %arg6[%add3A_67, %dma_wait3A_723] : memref<262144x128xf32, #tpu.memory_space<hbm>> -> memref<128x128xf32, #tpu.memory_space<hbm>>
      %dma_wait3A_725 = arith.constant 0 : i32
      %dma_wait3A_726 = arith.constant 0 : i32
      %dma_wait3A_727 = tpu.memref_slice %arg13[%dma_wait3A_716, %dma_wait3A_725, %dma_wait3A_726] : memref<4x128x128xf32, #tpu.memory_space<vmem>> -> memref<1x128x128xf32, #tpu.memory_space<vmem>>
      %dma_wait3A_728 = tpu.memref_squeeze %dma_wait3A_727 : memref<1x128x128xf32, #tpu.memory_space<vmem>> -> memref<128x128xf32, #tpu.memory_space<vmem>>
      tpu.wait_dma2 semaphore(%arg15 : memref<!tpu.dma_semaphore, #tpu.memory_space<semaphore_mem>>) src(%dma_wait3A_728 : memref<128x128xf32, #tpu.memory_space<vmem>>) dst(%dma_wait3A_724 : memref<128x128xf32, #tpu.memory_space<hbm>>)
      %dma_start3A_729 = arith.constant 1 : i32
      %dma_start3A_730 = arith.constant 0 : i32
      %dma_start3A_731 = arith.constant 0 : i32
      %dma_start3A_732 = tpu.memref_slice %arg13[%dma_start3A_729, %dma_start3A_730, %dma_start3A_731] : memref<4x128x128xf32, #tpu.memory_space<vmem>> -> memref<1x128x128xf32, #tpu.memory_space<vmem>>
      %dma_start3A_733 = tpu.memref_squeeze %dma_start3A_732 : memref<1x128x128xf32, #tpu.memory_space<vmem>> -> memref<128x128xf32, #tpu.memory_space<vmem>>
      %dma_start3A_734 = arith.constant 256 : i32
      %dma_start3A_735 = tpu.memref_slice %arg11[%dma_start3A_734] : memref<1024xi32, #tpu.memory_space<vmem>> -> memref<128xi32, #tpu.memory_space<vmem>>
      %dma_start3A_736 = arith.constant 0 : i32
      %dma_start3A_737 = arith.constant 0 : i32
      %dma_start3A_738 = tpu.memref_slice %arg4[%dma_start3A_736, %dma_start3A_737] : memref<1048576x128xf32, #tpu.memory_space<hbm>> -> memref<1048576x128xf32, #tpu.memory_space<hbm>>
      tpu.enqueue_indirect_dma source(%dma_start3A_738 : memref<1048576x128xf32, #tpu.memory_space<hbm>>) target(%dma_start3A_733 : memref<128x128xf32, #tpu.memory_space<vmem>>) offsets(%dma_start3A_735 : memref<128xi32, #tpu.memory_space<vmem>>) semaphore(%arg14 : memref<!tpu.dma_semaphore, #tpu.memory_space<semaphore_mem>>)
      %dma_wait3A_739 = arith.constant 0 : i32
      %dma_wait3A_740 = arith.constant 0 : i32
      %dma_wait3A_741 = arith.constant 0 : i32
      %dma_wait3A_742 = tpu.memref_slice %arg13[%dma_wait3A_739, %dma_wait3A_740, %dma_wait3A_741] : memref<4x128x128xf32, #tpu.memory_space<vmem>> -> memref<1x128x128xf32, #tpu.memory_space<vmem>>
      %dma_wait3A_743 = tpu.memref_squeeze %dma_wait3A_742 : memref<1x128x128xf32, #tpu.memory_space<vmem>> -> memref<128x128xf32, #tpu.memory_space<vmem>>
      %dma_wait3A_744 = arith.constant 256 : i32
      %dma_wait3A_745 = tpu.memref_slice %arg11[%dma_wait3A_744] : memref<1024xi32, #tpu.memory_space<vmem>> -> memref<128xi32, #tpu.memory_space<vmem>>
      %dma_wait3A_746 = arith.constant 0 : i32
      %dma_wait3A_747 = arith.constant 0 : i32
      %dma_wait3A_748 = tpu.memref_slice %arg3[%dma_wait3A_746, %dma_wait3A_747] : memref<1048576x128xf32, #tpu.memory_space<hbm>> -> memref<1048576x128xf32, #tpu.memory_space<hbm>>
      tpu.wait_indirect_dma semaphore(%arg14 : memref<!tpu.dma_semaphore, #tpu.memory_space<semaphore_mem>>) src(%dma_wait3A_748 : memref<1048576x128xf32, #tpu.memory_space<hbm>>) dst(%dma_wait3A_743 : memref<128x128xf32, #tpu.memory_space<vmem>>)
      %dma_start3A_749 = arith.constant 0 : i32
      %dma_start3A_750 = arith.constant 0 : i32
      %dma_start3A_751 = arith.constant 0 : i32
      %dma_start3A_752 = tpu.memref_slice %arg13[%dma_start3A_749, %dma_start3A_750, %dma_start3A_751] : memref<4x128x128xf32, #tpu.memory_space<vmem>> -> memref<1x128x128xf32, #tpu.memory_space<vmem>>
      %dma_start3A_753 = tpu.memref_squeeze %dma_start3A_752 : memref<1x128x128xf32, #tpu.memory_space<vmem>> -> memref<128x128xf32, #tpu.memory_space<vmem>>
      %dma_start3A_754 = arith.constant 0 : i32
      %dma_start3A_755 = tpu.memref_slice %arg5[%add3A_73, %dma_start3A_754] : memref<262144x128xf32, #tpu.memory_space<hbm>> -> memref<128x128xf32, #tpu.memory_space<hbm>>
      %dma_start3A_756 = arith.constant 0 : i32
      %dma_start3A_757 = tpu.memref_slice %arg5[%add3A_73, %dma_start3A_756] : memref<262144x128xf32, #tpu.memory_space<hbm>> -> memref<128x128xf32, #tpu.memory_space<hbm>>
      %dma_start3A_758 = arith.constant 0 : i32
      %dma_start3A_759 = arith.constant 0 : i32
      %dma_start3A_760 = tpu.memref_slice %arg13[%dma_start3A_749, %dma_start3A_758, %dma_start3A_759] : memref<4x128x128xf32, #tpu.memory_space<vmem>> -> memref<1x128x128xf32, #tpu.memory_space<vmem>>
      %dma_start3A_761 = tpu.memref_squeeze %dma_start3A_760 : memref<1x128x128xf32, #tpu.memory_space<vmem>> -> memref<128x128xf32, #tpu.memory_space<vmem>>
      tpu.enqueue_dma source(%dma_start3A_761 : memref<128x128xf32, #tpu.memory_space<vmem>>) target(%dma_start3A_757 : memref<128x128xf32, #tpu.memory_space<hbm>>) target_semaphore(%arg15 : memref<!tpu.dma_semaphore, #tpu.memory_space<semaphore_mem>>)
      %dma_wait3A_762 = arith.constant 2 : i32
      %dma_wait3A_763 = arith.constant 0 : i32
      %dma_wait3A_764 = arith.constant 0 : i32
      %dma_wait3A_765 = tpu.memref_slice %arg13[%dma_wait3A_762, %dma_wait3A_763, %dma_wait3A_764] : memref<4x128x128xf32, #tpu.memory_space<vmem>> -> memref<1x128x128xf32, #tpu.memory_space<vmem>>
      %dma_wait3A_766 = tpu.memref_squeeze %dma_wait3A_765 : memref<1x128x128xf32, #tpu.memory_space<vmem>> -> memref<128x128xf32, #tpu.memory_space<vmem>>
      %dma_wait3A_767 = arith.constant 0 : i32
      %dma_wait3A_768 = tpu.memref_slice %arg5[%add3A_69, %dma_wait3A_767] : memref<262144x128xf32, #tpu.memory_space<hbm>> -> memref<128x128xf32, #tpu.memory_space<hbm>>
      %dma_wait3A_769 = arith.constant 0 : i32
      %dma_wait3A_770 = tpu.memref_slice %arg5[%add3A_69, %dma_wait3A_769] : memref<262144x128xf32, #tpu.memory_space<hbm>> -> memref<128x128xf32, #tpu.memory_space<hbm>>
      %dma_wait3A_771 = arith.constant 0 : i32
      %dma_wait3A_772 = arith.constant 0 : i32
      %dma_wait3A_773 = tpu.memref_slice %arg13[%dma_wait3A_762, %dma_wait3A_771, %dma_wait3A_772] : memref<4x128x128xf32, #tpu.memory_space<vmem>> -> memref<1x128x128xf32, #tpu.memory_space<vmem>>
      %dma_wait3A_774 = tpu.memref_squeeze %dma_wait3A_773 : memref<1x128x128xf32, #tpu.memory_space<vmem>> -> memref<128x128xf32, #tpu.memory_space<vmem>>
      tpu.wait_dma2 semaphore(%arg15 : memref<!tpu.dma_semaphore, #tpu.memory_space<semaphore_mem>>) src(%dma_wait3A_774 : memref<128x128xf32, #tpu.memory_space<vmem>>) dst(%dma_wait3A_770 : memref<128x128xf32, #tpu.memory_space<hbm>>)
      %dma_start3A_775 = arith.constant 2 : i32
      %dma_start3A_776 = arith.constant 0 : i32
      %dma_start3A_777 = arith.constant 0 : i32
      %dma_start3A_778 = tpu.memref_slice %arg13[%dma_start3A_775, %dma_start3A_776, %dma_start3A_777] : memref<4x128x128xf32, #tpu.memory_space<vmem>> -> memref<1x128x128xf32, #tpu.memory_space<vmem>>
      %dma_start3A_779 = tpu.memref_squeeze %dma_start3A_778 : memref<1x128x128xf32, #tpu.memory_space<vmem>> -> memref<128x128xf32, #tpu.memory_space<vmem>>
      %dma_start3A_780 = arith.constant 384 : i32
      %dma_start3A_781 = tpu.memref_slice %arg11[%dma_start3A_780] : memref<1024xi32, #tpu.memory_space<vmem>> -> memref<128xi32, #tpu.memory_space<vmem>>
      %dma_start3A_782 = arith.constant 0 : i32
      %dma_start3A_783 = arith.constant 0 : i32
      %dma_start3A_784 = tpu.memref_slice %arg3[%dma_start3A_782, %dma_start3A_783] : memref<1048576x128xf32, #tpu.memory_space<hbm>> -> memref<1048576x128xf32, #tpu.memory_space<hbm>>
      tpu.enqueue_indirect_dma source(%dma_start3A_784 : memref<1048576x128xf32, #tpu.memory_space<hbm>>) target(%dma_start3A_779 : memref<128x128xf32, #tpu.memory_space<vmem>>) offsets(%dma_start3A_781 : memref<128xi32, #tpu.memory_space<vmem>>) semaphore(%arg14 : memref<!tpu.dma_semaphore, #tpu.memory_space<semaphore_mem>>)
      %dma_wait3A_785 = arith.constant 1 : i32
      %dma_wait3A_786 = arith.constant 0 : i32
      %dma_wait3A_787 = arith.constant 0 : i32
      %dma_wait3A_788 = tpu.memref_slice %arg13[%dma_wait3A_785, %dma_wait3A_786, %dma_wait3A_787] : memref<4x128x128xf32, #tpu.memory_space<vmem>> -> memref<1x128x128xf32, #tpu.memory_space<vmem>>
      %dma_wait3A_789 = tpu.memref_squeeze %dma_wait3A_788 : memref<1x128x128xf32, #tpu.memory_space<vmem>> -> memref<128x128xf32, #tpu.memory_space<vmem>>
      %dma_wait3A_790 = arith.constant 256 : i32
      %dma_wait3A_791 = tpu.memref_slice %arg11[%dma_wait3A_790] : memref<1024xi32, #tpu.memory_space<vmem>> -> memref<128xi32, #tpu.memory_space<vmem>>
      %dma_wait3A_792 = arith.constant 0 : i32
      %dma_wait3A_793 = arith.constant 0 : i32
      %dma_wait3A_794 = tpu.memref_slice %arg4[%dma_wait3A_792, %dma_wait3A_793] : memref<1048576x128xf32, #tpu.memory_space<hbm>> -> memref<1048576x128xf32, #tpu.memory_space<hbm>>
      tpu.wait_indirect_dma semaphore(%arg14 : memref<!tpu.dma_semaphore, #tpu.memory_space<semaphore_mem>>) src(%dma_wait3A_794 : memref<1048576x128xf32, #tpu.memory_space<hbm>>) dst(%dma_wait3A_789 : memref<128x128xf32, #tpu.memory_space<vmem>>)
      %dma_start3A_795 = arith.constant 1 : i32
      %dma_start3A_796 = arith.constant 0 : i32
      %dma_start3A_797 = arith.constant 0 : i32
      %dma_start3A_798 = tpu.memref_slice %arg13[%dma_start3A_795, %dma_start3A_796, %dma_start3A_797] : memref<4x128x128xf32, #tpu.memory_space<vmem>> -> memref<1x128x128xf32, #tpu.memory_space<vmem>>
      %dma_start3A_799 = tpu.memref_squeeze %dma_start3A_798 : memref<1x128x128xf32, #tpu.memory_space<vmem>> -> memref<128x128xf32, #tpu.memory_space<vmem>>
      %dma_start3A_800 = arith.constant 0 : i32
      %dma_start3A_801 = tpu.memref_slice %arg6[%add3A_75, %dma_start3A_800] : memref<262144x128xf32, #tpu.memory_space<hbm>> -> memref<128x128xf32, #tpu.memory_space<hbm>>
      %dma_start3A_802 = arith.constant 0 : i32
      %dma_start3A_803 = tpu.memref_slice %arg6[%add3A_75, %dma_start3A_802] : memref<262144x128xf32, #tpu.memory_space<hbm>> -> memref<128x128xf32, #tpu.memory_space<hbm>>
      %dma_start3A_804 = arith.constant 0 : i32
      %dma_start3A_805 = arith.constant 0 : i32
      %dma_start3A_806 = tpu.memref_slice %arg13[%dma_start3A_795, %dma_start3A_804, %dma_start3A_805] : memref<4x128x128xf32, #tpu.memory_space<vmem>> -> memref<1x128x128xf32, #tpu.memory_space<vmem>>
      %dma_start3A_807 = tpu.memref_squeeze %dma_start3A_806 : memref<1x128x128xf32, #tpu.memory_space<vmem>> -> memref<128x128xf32, #tpu.memory_space<vmem>>
      tpu.enqueue_dma source(%dma_start3A_807 : memref<128x128xf32, #tpu.memory_space<vmem>>) target(%dma_start3A_803 : memref<128x128xf32, #tpu.memory_space<hbm>>) target_semaphore(%arg15 : memref<!tpu.dma_semaphore, #tpu.memory_space<semaphore_mem>>)
      %dma_wait3A_808 = arith.constant 3 : i32
      %dma_wait3A_809 = arith.constant 0 : i32
      %dma_wait3A_810 = arith.constant 0 : i32
      %dma_wait3A_811 = tpu.memref_slice %arg13[%dma_wait3A_808, %dma_wait3A_809, %dma_wait3A_810] : memref<4x128x128xf32, #tpu.memory_space<vmem>> -> memref<1x128x128xf32, #tpu.memory_space<vmem>>
      %dma_wait3A_812 = tpu.memref_squeeze %dma_wait3A_811 : memref<1x128x128xf32, #tpu.memory_space<vmem>> -> memref<128x128xf32, #tpu.memory_space<vmem>>
      %dma_wait3A_813 = arith.constant 0 : i32
      %dma_wait3A_814 = tpu.memref_slice %arg6[%add3A_71, %dma_wait3A_813] : memref<262144x128xf32, #tpu.memory_space<hbm>> -> memref<128x128xf32, #tpu.memory_space<hbm>>
      %dma_wait3A_815 = arith.constant 0 : i32
      %dma_wait3A_816 = tpu.memref_slice %arg6[%add3A_71, %dma_wait3A_815] : memref<262144x128xf32, #tpu.memory_space<hbm>> -> memref<128x128xf32, #tpu.memory_space<hbm>>
      %dma_wait3A_817 = arith.constant 0 : i32
      %dma_wait3A_818 = arith.constant 0 : i32
      %dma_wait3A_819 = tpu.memref_slice %arg13[%dma_wait3A_808, %dma_wait3A_817, %dma_wait3A_818] : memref<4x128x128xf32, #tpu.memory_space<vmem>> -> memref<1x128x128xf32, #tpu.memory_space<vmem>>
      %dma_wait3A_820 = tpu.memref_squeeze %dma_wait3A_819 : memref<1x128x128xf32, #tpu.memory_space<vmem>> -> memref<128x128xf32, #tpu.memory_space<vmem>>
      tpu.wait_dma2 semaphore(%arg15 : memref<!tpu.dma_semaphore, #tpu.memory_space<semaphore_mem>>) src(%dma_wait3A_820 : memref<128x128xf32, #tpu.memory_space<vmem>>) dst(%dma_wait3A_816 : memref<128x128xf32, #tpu.memory_space<hbm>>)
      %dma_start3A_821 = arith.constant 3 : i32
      %dma_start3A_822 = arith.constant 0 : i32
      %dma_start3A_823 = arith.constant 0 : i32
      %dma_start3A_824 = tpu.memref_slice %arg13[%dma_start3A_821, %dma_start3A_822, %dma_start3A_823] : memref<4x128x128xf32, #tpu.memory_space<vmem>> -> memref<1x128x128xf32, #tpu.memory_space<vmem>>
      %dma_start3A_825 = tpu.memref_squeeze %dma_start3A_824 : memref<1x128x128xf32, #tpu.memory_space<vmem>> -> memref<128x128xf32, #tpu.memory_space<vmem>>
      %dma_start3A_826 = arith.constant 384 : i32
      %dma_start3A_827 = tpu.memref_slice %arg11[%dma_start3A_826] : memref<1024xi32, #tpu.memory_space<vmem>> -> memref<128xi32, #tpu.memory_space<vmem>>
      %dma_start3A_828 = arith.constant 0 : i32
      %dma_start3A_829 = arith.constant 0 : i32
      %dma_start3A_830 = tpu.memref_slice %arg4[%dma_start3A_828, %dma_start3A_829] : memref<1048576x128xf32, #tpu.memory_space<hbm>> -> memref<1048576x128xf32, #tpu.memory_space<hbm>>
      tpu.enqueue_indirect_dma source(%dma_start3A_830 : memref<1048576x128xf32, #tpu.memory_space<hbm>>) target(%dma_start3A_825 : memref<128x128xf32, #tpu.memory_space<vmem>>) offsets(%dma_start3A_827 : memref<128xi32, #tpu.memory_space<vmem>>) semaphore(%arg14 : memref<!tpu.dma_semaphore, #tpu.memory_space<semaphore_mem>>)
      %dma_wait3A_831 = arith.constant 2 : i32
      %dma_wait3A_832 = arith.constant 0 : i32
      %dma_wait3A_833 = arith.constant 0 : i32
      %dma_wait3A_834 = tpu.memref_slice %arg13[%dma_wait3A_831, %dma_wait3A_832, %dma_wait3A_833] : memref<4x128x128xf32, #tpu.memory_space<vmem>> -> memref<1x128x128xf32, #tpu.memory_space<vmem>>
      %dma_wait3A_835 = tpu.memref_squeeze %dma_wait3A_834 : memref<1x128x128xf32, #tpu.memory_space<vmem>> -> memref<128x128xf32, #tpu.memory_space<vmem>>
      %dma_wait3A_836 = arith.constant 384 : i32
      %dma_wait3A_837 = tpu.memref_slice %arg11[%dma_wait3A_836] : memref<1024xi32, #tpu.memory_space<vmem>> -> memref<128xi32, #tpu.memory_space<vmem>>
      %dma_wait3A_838 = arith.constant 0 : i32
      %dma_wait3A_839 = arith.constant 0 : i32
      %dma_wait3A_840 = tpu.memref_slice %arg3[%dma_wait3A_838, %dma_wait3A_839] : memref<1048576x128xf32, #tpu.memory_space<hbm>> -> memref<1048576x128xf32, #tpu.memory_space<hbm>>
      tpu.wait_indirect_dma semaphore(%arg14 : memref<!tpu.dma_semaphore, #tpu.memory_space<semaphore_mem>>) src(%dma_wait3A_840 : memref<1048576x128xf32, #tpu.memory_space<hbm>>) dst(%dma_wait3A_835 : memref<128x128xf32, #tpu.memory_space<vmem>>)
      %dma_start3A_841 = arith.constant 2 : i32
      %dma_start3A_842 = arith.constant 0 : i32
      %dma_start3A_843 = arith.constant 0 : i32
      %dma_start3A_844 = tpu.memref_slice %arg13[%dma_start3A_841, %dma_start3A_842, %dma_start3A_843] : memref<4x128x128xf32, #tpu.memory_space<vmem>> -> memref<1x128x128xf32, #tpu.memory_space<vmem>>
      %dma_start3A_845 = tpu.memref_squeeze %dma_start3A_844 : memref<1x128x128xf32, #tpu.memory_space<vmem>> -> memref<128x128xf32, #tpu.memory_space<vmem>>
      %dma_start3A_846 = arith.constant 0 : i32
      %dma_start3A_847 = tpu.memref_slice %arg5[%add3A_77, %dma_start3A_846] : memref<262144x128xf32, #tpu.memory_space<hbm>> -> memref<128x128xf32, #tpu.memory_space<hbm>>
      %dma_start3A_848 = arith.constant 0 : i32
      %dma_start3A_849 = tpu.memref_slice %arg5[%add3A_77, %dma_start3A_848] : memref<262144x128xf32, #tpu.memory_space<hbm>> -> memref<128x128xf32, #tpu.memory_space<hbm>>
      %dma_start3A_850 = arith.constant 0 : i32
      %dma_start3A_851 = arith.constant 0 : i32
      %dma_start3A_852 = tpu.memref_slice %arg13[%dma_start3A_841, %dma_start3A_850, %dma_start3A_851] : memref<4x128x128xf32, #tpu.memory_space<vmem>> -> memref<1x128x128xf32, #tpu.memory_space<vmem>>
      %dma_start3A_853 = tpu.memref_squeeze %dma_start3A_852 : memref<1x128x128xf32, #tpu.memory_space<vmem>> -> memref<128x128xf32, #tpu.memory_space<vmem>>
      tpu.enqueue_dma source(%dma_start3A_853 : memref<128x128xf32, #tpu.memory_space<vmem>>) target(%dma_start3A_849 : memref<128x128xf32, #tpu.memory_space<hbm>>) target_semaphore(%arg15 : memref<!tpu.dma_semaphore, #tpu.memory_space<semaphore_mem>>)
      %dma_wait3A_854 = arith.constant 3 : i32
      %dma_wait3A_855 = arith.constant 0 : i32
      %dma_wait3A_856 = arith.constant 0 : i32
      %dma_wait3A_857 = tpu.memref_slice %arg13[%dma_wait3A_854, %dma_wait3A_855, %dma_wait3A_856] : memref<4x128x128xf32, #tpu.memory_space<vmem>> -> memref<1x128x128xf32, #tpu.memory_space<vmem>>
      %dma_wait3A_858 = tpu.memref_squeeze %dma_wait3A_857 : memref<1x128x128xf32, #tpu.memory_space<vmem>> -> memref<128x128xf32, #tpu.memory_space<vmem>>
      %dma_wait3A_859 = arith.constant 384 : i32
      %dma_wait3A_860 = tpu.memref_slice %arg11[%dma_wait3A_859] : memref<1024xi32, #tpu.memory_space<vmem>> -> memref<128xi32, #tpu.memory_space<vmem>>
      %dma_wait3A_861 = arith.constant 0 : i32
      %dma_wait3A_862 = arith.constant 0 : i32
      %dma_wait3A_863 = tpu.memref_slice %arg4[%dma_wait3A_861, %dma_wait3A_862] : memref<1048576x128xf32, #tpu.memory_space<hbm>> -> memref<1048576x128xf32, #tpu.memory_space<hbm>>
      tpu.wait_indirect_dma semaphore(%arg14 : memref<!tpu.dma_semaphore, #tpu.memory_space<semaphore_mem>>) src(%dma_wait3A_863 : memref<1048576x128xf32, #tpu.memory_space<hbm>>) dst(%dma_wait3A_858 : memref<128x128xf32, #tpu.memory_space<vmem>>)
      %dma_start3A_864 = arith.constant 3 : i32
      %dma_start3A_865 = arith.constant 0 : i32
      %dma_start3A_866 = arith.constant 0 : i32
      %dma_start3A_867 = tpu.memref_slice %arg13[%dma_start3A_864, %dma_start3A_865, %dma_start3A_866] : memref<4x128x128xf32, #tpu.memory_space<vmem>> -> memref<1x128x128xf32, #tpu.memory_space<vmem>>
      %dma_start3A_868 = tpu.memref_squeeze %dma_start3A_867 : memref<1x128x128xf32, #tpu.memory_space<vmem>> -> memref<128x128xf32, #tpu.memory_space<vmem>>
      %dma_start3A_869 = arith.constant 0 : i32
      %dma_start3A_870 = tpu.memref_slice %arg6[%add3A_79, %dma_start3A_869] : memref<262144x128xf32, #tpu.memory_space<hbm>> -> memref<128x128xf32, #tpu.memory_space<hbm>>
      %dma_start3A_871 = arith.constant 0 : i32
      %dma_start3A_872 = tpu.memref_slice %arg6[%add3A_79, %dma_start3A_871] : memref<262144x128xf32, #tpu.memory_space<hbm>> -> memref<128x128xf32, #tpu.memory_space<hbm>>
      %dma_start3A_873 = arith.constant 0 : i32
      %dma_start3A_874 = arith.constant 0 : i32
      %dma_start3A_875 = tpu.memref_slice %arg13[%dma_start3A_864, %dma_start3A_873, %dma_start3A_874] : memref<4x128x128xf32, #tpu.memory_space<vmem>> -> memref<1x128x128xf32, #tpu.memory_space<vmem>>
      %dma_start3A_876 = tpu.memref_squeeze %dma_start3A_875 : memref<1x128x128xf32, #tpu.memory_space<vmem>> -> memref<128x128xf32, #tpu.memory_space<vmem>>
      tpu.enqueue_dma source(%dma_start3A_876 : memref<128x128xf32, #tpu.memory_space<vmem>>) target(%dma_start3A_872 : memref<128x128xf32, #tpu.memory_space<hbm>>) target_semaphore(%arg15 : memref<!tpu.dma_semaphore, #tpu.memory_space<semaphore_mem>>)
      %dma_wait3A_877 = arith.constant 0 : i32
      %dma_wait3A_878 = arith.constant 0 : i32
      %dma_wait3A_879 = arith.constant 0 : i32
      %dma_wait3A_880 = tpu.memref_slice %arg13[%dma_wait3A_877, %dma_wait3A_878, %dma_wait3A_879] : memref<4x128x128xf32, #tpu.memory_space<vmem>> -> memref<1x128x128xf32, #tpu.memory_space<vmem>>
      %dma_wait3A_881 = tpu.memref_squeeze %dma_wait3A_880 : memref<1x128x128xf32, #tpu.memory_space<vmem>> -> memref<128x128xf32, #tpu.memory_space<vmem>>
      %dma_wait3A_882 = arith.constant 0 : i32
      %dma_wait3A_883 = tpu.memref_slice %arg5[%add3A_73, %dma_wait3A_882] : memref<262144x128xf32, #tpu.memory_space<hbm>> -> memref<128x128xf32, #tpu.memory_space<hbm>>
      %dma_wait3A_884 = arith.constant 0 : i32
      %dma_wait3A_885 = tpu.memref_slice %arg5[%add3A_73, %dma_wait3A_884] : memref<262144x128xf32, #tpu.memory_space<hbm>> -> memref<128x128xf32, #tpu.memory_space<hbm>>
      %dma_wait3A_886 = arith.constant 0 : i32
      %dma_wait3A_887 = arith.constant 0 : i32
      %dma_wait3A_888 = tpu.memref_slice %arg13[%dma_wait3A_877, %dma_wait3A_886, %dma_wait3A_887] : memref<4x128x128xf32, #tpu.memory_space<vmem>> -> memref<1x128x128xf32, #tpu.memory_space<vmem>>
      %dma_wait3A_889 = tpu.memref_squeeze %dma_wait3A_888 : memref<1x128x128xf32, #tpu.memory_space<vmem>> -> memref<128x128xf32, #tpu.memory_space<vmem>>
      tpu.wait_dma2 semaphore(%arg15 : memref<!tpu.dma_semaphore, #tpu.memory_space<semaphore_mem>>) src(%dma_wait3A_889 : memref<128x128xf32, #tpu.memory_space<vmem>>) dst(%dma_wait3A_885 : memref<128x128xf32, #tpu.memory_space<hbm>>)
      %dma_wait3A_890 = arith.constant 1 : i32
      %dma_wait3A_891 = arith.constant 0 : i32
      %dma_wait3A_892 = arith.constant 0 : i32
      %dma_wait3A_893 = tpu.memref_slice %arg13[%dma_wait3A_890, %dma_wait3A_891, %dma_wait3A_892] : memref<4x128x128xf32, #tpu.memory_space<vmem>> -> memref<1x128x128xf32, #tpu.memory_space<vmem>>
      %dma_wait3A_894 = tpu.memref_squeeze %dma_wait3A_893 : memref<1x128x128xf32, #tpu.memory_space<vmem>> -> memref<128x128xf32, #tpu.memory_space<vmem>>
      %dma_wait3A_895 = arith.constant 0 : i32
      %dma_wait3A_896 = tpu.memref_slice %arg6[%add3A_75, %dma_wait3A_895] : memref<262144x128xf32, #tpu.memory_space<hbm>> -> memref<128x128xf32, #tpu.memory_space<hbm>>
      %dma_wait3A_897 = arith.constant 0 : i32
      %dma_wait3A_898 = tpu.memref_slice %arg6[%add3A_75, %dma_wait3A_897] : memref<262144x128xf32, #tpu.memory_space<hbm>> -> memref<128x128xf32, #tpu.memory_space<hbm>>
      %dma_wait3A_899 = arith.constant 0 : i32
      %dma_wait3A_900 = arith.constant 0 : i32
      %dma_wait3A_901 = tpu.memref_slice %arg13[%dma_wait3A_890, %dma_wait3A_899, %dma_wait3A_900] : memref<4x128x128xf32, #tpu.memory_space<vmem>> -> memref<1x128x128xf32, #tpu.memory_space<vmem>>
      %dma_wait3A_902 = tpu.memref_squeeze %dma_wait3A_901 : memref<1x128x128xf32, #tpu.memory_space<vmem>> -> memref<128x128xf32, #tpu.memory_space<vmem>>
      tpu.wait_dma2 semaphore(%arg15 : memref<!tpu.dma_semaphore, #tpu.memory_space<semaphore_mem>>) src(%dma_wait3A_902 : memref<128x128xf32, #tpu.memory_space<vmem>>) dst(%dma_wait3A_898 : memref<128x128xf32, #tpu.memory_space<hbm>>)
      %dma_wait3A_903 = arith.constant 2 : i32
      %dma_wait3A_904 = arith.constant 0 : i32
      %dma_wait3A_905 = arith.constant 0 : i32
      %dma_wait3A_906 = tpu.memref_slice %arg13[%dma_wait3A_903, %dma_wait3A_904, %dma_wait3A_905] : memref<4x128x128xf32, #tpu.memory_space<vmem>> -> memref<1x128x128xf32, #tpu.memory_space<vmem>>
      %dma_wait3A_907 = tpu.memref_squeeze %dma_wait3A_906 : memref<1x128x128xf32, #tpu.memory_space<vmem>> -> memref<128x128xf32, #tpu.memory_space<vmem>>
      %dma_wait3A_908 = arith.constant 0 : i32
      %dma_wait3A_909 = tpu.memref_slice %arg5[%add3A_77, %dma_wait3A_908] : memref<262144x128xf32, #tpu.memory_space<hbm>> -> memref<128x128xf32, #tpu.memory_space<hbm>>
      %dma_wait3A_910 = arith.constant 0 : i32
      %dma_wait3A_911 = tpu.memref_slice %arg5[%add3A_77, %dma_wait3A_910] : memref<262144x128xf32, #tpu.memory_space<hbm>> -> memref<128x128xf32, #tpu.memory_space<hbm>>
      %dma_wait3A_912 = arith.constant 0 : i32
      %dma_wait3A_913 = arith.constant 0 : i32
      %dma_wait3A_914 = tpu.memref_slice %arg13[%dma_wait3A_903, %dma_wait3A_912, %dma_wait3A_913] : memref<4x128x128xf32, #tpu.memory_space<vmem>> -> memref<1x128x128xf32, #tpu.memory_space<vmem>>
      %dma_wait3A_915 = tpu.memref_squeeze %dma_wait3A_914 : memref<1x128x128xf32, #tpu.memory_space<vmem>> -> memref<128x128xf32, #tpu.memory_space<vmem>>
      tpu.wait_dma2 semaphore(%arg15 : memref<!tpu.dma_semaphore, #tpu.memory_space<semaphore_mem>>) src(%dma_wait3A_915 : memref<128x128xf32, #tpu.memory_space<vmem>>) dst(%dma_wait3A_911 : memref<128x128xf32, #tpu.memory_space<hbm>>)
      %dma_wait3A_916 = arith.constant 3 : i32
      %dma_wait3A_917 = arith.constant 0 : i32
      %dma_wait3A_918 = arith.constant 0 : i32
      %dma_wait3A_919 = tpu.memref_slice %arg13[%dma_wait3A_916, %dma_wait3A_917, %dma_wait3A_918] : memref<4x128x128xf32, #tpu.memory_space<vmem>> -> memref<1x128x128xf32, #tpu.memory_space<vmem>>
      %dma_wait3A_920 = tpu.memref_squeeze %dma_wait3A_919 : memref<1x128x128xf32, #tpu.memory_space<vmem>> -> memref<128x128xf32, #tpu.memory_space<vmem>>
      %dma_wait3A_921 = arith.constant 0 : i32
      %dma_wait3A_922 = tpu.memref_slice %arg6[%add3A_79, %dma_wait3A_921] : memref<262144x128xf32, #tpu.memory_space<hbm>> -> memref<128x128xf32, #tpu.memory_space<hbm>>
      %dma_wait3A_923 = arith.constant 0 : i32
      %dma_wait3A_924 = tpu.memref_slice %arg6[%add3A_79, %dma_wait3A_923] : memref<262144x128xf32, #tpu.memory_space<hbm>> -> memref<128x128xf32, #tpu.memory_space<hbm>>
      %dma_wait3A_925 = arith.constant 0 : i32
      %dma_wait3A_926 = arith.constant 0 : i32
      %dma_wait3A_927 = tpu.memref_slice %arg13[%dma_wait3A_916, %dma_wait3A_925, %dma_wait3A_926] : memref<4x128x128xf32, #tpu.memory_space<vmem>> -> memref<1x128x128xf32, #tpu.memory_space<vmem>>
      %dma_wait3A_928 = tpu.memref_squeeze %dma_wait3A_927 : memref<1x128x128xf32, #tpu.memory_space<vmem>> -> memref<128x128xf32, #tpu.memory_space<vmem>>
      tpu.wait_dma2 semaphore(%arg15 : memref<!tpu.dma_semaphore, #tpu.memory_space<semaphore_mem>>) src(%dma_wait3A_928 : memref<128x128xf32, #tpu.memory_space<vmem>>) dst(%dma_wait3A_924 : memref<128x128xf32, #tpu.memory_space<hbm>>)
      %scan3A_929 = arith.constant 0 : i32
      scf.yield %scan3A_929 : i32
    }
    %scan3A_6 = arith.constant 8 : i32
    return
  }
}

module attributes {stable_mosaic.version = 14 : i64} {
  func.func @_sum_body(%arg0: i32, %arg1: memref<32x8x4096xf32, #tpu.memory_space<vmem>>, %arg2: memref<32x4096xi32, #tpu.memory_space<vmem>>) attributes {dimension_semantics = [#tpu.dimension_semantics<arbitrary>], iteration_bounds = array<i64: 8>, scalar_prefetch = 0 : i64, scratch_operands = 0 : i64, tpu.core_type = #tpu.core_type<tc>, window_params = [{transform_indices = @transform_0, window_bounds = array<i64: 32, 8, 4096>}, {transform_indices = @transform_1, window_bounds = array<i64: 32, 4096>}]} {
    %get3A = arith.constant 0 : index
    %get3A_0 = arith.constant 0 : index
    %get3A_1 = arith.constant 0 : index
    %get3A_2 = vector.load %arg1[%get3A, %get3A_0, %get3A_1] : memref<32x8x4096xf32, #tpu.memory_space<vmem>>, vector<32x8x4096xf32>
    %reduce_sum3A = arith.constant dense<0.000000e+00> : vector<32x4096xf32>
    %reduce_sum3A_3 = vector.multi_reduction <add>, %get3A_2, %reduce_sum3A [1] : vector<32x8x4096xf32> to vector<32x4096xf32>
    %bitcast_convert_type3A = tpu.bitcast %reduce_sum3A_3 : vector<32x4096xf32> -> vector<32x4096xi32>
    %swap3A = arith.constant 0 : index
    %swap3A_4 = arith.constant 0 : index
    %swap3A_5 = vector.load %arg2[%swap3A, %swap3A_4] : memref<32x4096xi32, #tpu.memory_space<vmem>>, vector<32x4096xi32>
    tpu.vector_store %arg2[%swap3A, %swap3A_4], %bitcast_convert_type3A {strides = array<i32>} : memref<32x4096xi32, #tpu.memory_space<vmem>>, vector<32x4096xi32>,
    return
  }
  func.func @transform_0(%arg0: i32) -> (i32, i32, i32) {
    %c0_i32 = arith.constant 0 : i32
    %c0_i32_0 = arith.constant 0 : i32
    %c0_i32_1 = arith.constant 0 : i32
    return %arg0, %c0_i32, %c0_i32_0 : i32, i32, i32
  }
  func.func @transform_1(%arg0: i32) -> (i32, i32) {
    %c0_i32 = arith.constant 0 : i32
    %c0_i32_0 = arith.constant 0 : i32
    return %arg0, %c0_i32 : i32, i32
  }
}

</mosaic_0001>

<sc_bundles>
// kernel: kernel.4.cloned.1.call-start
scs
__scs_entry_jumppad:
0x0: {  	(pc) =	sbr.rel $0x88, $3  }
0x1: {  	(tag) =	ssettag $0x0;
	lr =	simm.s32 $0x1  }
0x2: {  	[smem:$0x3F9E] =	sst lr;
	_ =	strace $0xD0000000  }
0x3: {  	_ = 	snop  }
0x4: {  	_ = 	snop  }
0x5: {  	_ = 	snop  }
0x6: {  	_ = 	snop  }
0x7: {  	_ = 	snop  }
__scs_overlays_trampoline_lowered:
0x8: {  	[smem:$0x3FAD] =	sst s0  }
0x9: {  	[smem:$0x3FAE] =	sst s1  }
0xa: {  	[smem:$0x3FAF] =	sst s2  }
0xb: {  	[smem:$0x3FB0] =	sst s3  }
0xc: {  	[smem:$0x3FB1] =	sst s4  }
0xd: {  	[smem:$0x3FB2] =	sst s5  }
0xe: {  	[smem:$0x3FB3] =	sst s6  }
0xf: {  	[smem:$0x3FB4] =	sst s7  }
0x10: {  	[smem:$0x3FB5] =	sst s8  }
0x11: {  	[smem:$0x3FB6] =	sst s9;
	s0 =	simm.s32 @!p0 $0x0  }
0x12: {  	s1 =	sld [smem:$0x3F9C];
	s0 =	simm.s32 @p0 $0x1  }
0x13: {  	[smem:$0x3FB7] =	sst s0;
	s0 =	simm.s32 @!p1 $0x0  }
0x14: {  	s2 =	sld [smem:$0x3F9B];
	s0 =	simm.s32 @p1 $0x1  }
0x15: {  	[smem:$0x3FB8] =	sst s0;
	s0 =	simm.s32 @!p2 $0x0  }
0x16: {  	s3 =	sld [smem:$0x3FDB];
	s0 =	simm.s32 @p2 $0x1  }
0x17: {  	s4 =	simm.s32 $0x1BF5;
	[smem:$0x3FBA] =	sst s0  }
0x18: {  	s0 =	sld [smem:$0x3F9D];
	_ =	swait.ge [sflag:s4], $0x0  }
0x19: {  	s7 =	sld [smem:$0x3F9E]  }
0x1a: {  	s8 =	sadd.s32 $0xFFFFE003, lr  }
0x1b: {  	s9 =	sadd.s32 $0xFFFFFEF7, lr;
	s5 =	simm.s32 $0xFFFFFFFF;
	p2 =	slt.u32 s8, $0xFFFFF086  }
0x1c: {  	p1 =	slt.u32 s9, $0xF7A;
	s5 =	simm.s32 @!p2 $0x0  }
0x1d: {  	s5 =	simm.s32 @p1 $0x1;
	p0 =	seq.s32 s7, s2  }
0x1e: {  	s7 =	smul.u32 @!p0 $0xF7A, s2;
	p2 =	seq.s32 @!p0 s5, $0x0  }
0x1f: {  	s9 =	smul.u32 $0xF7A, s1;
	s8 =	simm.s32 @!p0 $0x1BF5;
	p2 =	por !p2, p0  }
0x20: {  	[sflag:s8] =	ssyncset.s32 @!p0 $0xFFFFF086;
	s6 =	sadd.s32 @!p0 s3, s7;
	s7 =	simm.s32 @!p0 $0x108  }
0x21: {  	s3 =	sadd.s32 s3, s9;
	s6 =	sadd.s32 @!p0 $0x88, s6;
	s7 =	simm.s32 @p2 $0x1082  }
0x22: {  	[simem:s7], [sflag:s8] =	dma.local @!p0 [hbm:s6], $0xF7A  }
0x23: {  	s9 =	sor.u32 $0xD0000000, s2;
	s6 =	simm.s32 $0x108;
	_ =	swait.ge @!p0 [sflag:s8], $0x0  }
0x24: {  	s3 =	sadd.s32 $0x88, s3;
	s6 =	simm.s32 @!p1 $0x1082;
	[sflag:s4] =	ssyncset.s32 $0xFFFFF086  }
0x25: {  	[simem:s6], [sflag:s4] =	dma.local [hbm:s3], $0xF7A  }
0x26: {  	[smem:$0x3F9E] =	sst s1;
	(tag) =	ssettag s2;
	_ =	strace s9  }
0x27: {  	s1 =	sld [smem:$0x3FAE]  }
0x28: {  	s2 =	sld [smem:$0x3FAF]  }
0x29: {  	s4 =	sld [smem:$0x3FB1]  }
0x2a: {  	p0 =	seq.s32 s5, $0x0;
	s5 =	sld [smem:$0x3FB2]  }
0x2b: {  	s6 =	sld [smem:$0x3FB3]  }
0x2c: {  	s7 =	sld [smem:$0x3FB4]  }
0x2d: {  	s3 =	simm.s32 $0x108;
	s8 =	sld [smem:$0x3FB5]  }
0x2e: {  	s3 =	simm.s32 @!p0 $0x1082;
	s9 =	sld [smem:$0x3FB6]  }
0x2f: {  	lr =	sadd.s32 s0, s3;
	s0 =	sld [smem:$0x3FAD]  }
0x30: {  	s3 =	sld [smem:$0x3FB0]  }
0x31: {  	[smem:$0x3FB9] =	sst s10  }
0x32: {  	s10 =	sld [smem:$0x3FB7];
	_ =	sdelay $0x3  }
0x33: {  	p0 =	seq.s32 s10, $0x1;
	s10 =	sld [smem:$0x3FB9];
	_ =	sdelay $0x3  }
0x34: {  	[smem:$0x3FB9] =	sst s10  }
0x35: {  	s10 =	sld [smem:$0x3FB8];
	_ =	sdelay $0x3  }
0x36: {  	p1 =	seq.s32 s10, $0x1;
	s10 =	sld [smem:$0x3FB9];
	_ =	sdelay $0x3  }
0x37: {  	[smem:$0x3FB9] =	sst s10  }
0x38: {  	s10 =	sld [smem:$0x3FBA]  }
0x39: {  	_ = 	snop;
	(pc) =	sbr.ind lr, $3  }
0x3a: {  	_ = 	snop  }
0x3b: {  	_ = 	snop  }
0x3c: {  	p2 =	seq.s32 s10, $0x1;
	s10 =	sld [smem:$0x3FB9]  }
0x3d: {  	_ =	shalt  }
0x3e: {  	_ =	shalt  }
0x3f: {  	_ =	shalt  }
0x40: {  	_ =	shalt  }
0x41: {  	_ =	shalt  }
0x42: {  	_ =	shalt  }
0x43: {  	_ =	shalt  }
0x44: {  	_ =	shalt  }
0x45: {  	_ =	shalt  }
0x46: {  	_ =	shalt  }
0x47: {  	_ =	shalt  }
0x48: {  	_ =	shalt  }
0x49: {  	_ =	shalt  }
0x4a: {  	_ =	shalt  }
0x4b: {  	_ =	shalt  }
0x4c: {  	_ =	shalt  }
0x4d: {  	_ =	shalt  }
0x4e: {  	_ =	shalt  }
0x4f: {  	_ =	shalt  }
0x50: {  	_ =	shalt  }
0x51: {  	_ =	shalt  }
0x52: {  	_ =	shalt  }
0x53: {  	_ =	shalt  }
0x54: {  	_ =	shalt  }
0x55: {  	_ =	shalt  }
0x56: {  	_ =	shalt  }
0x57: {  	_ =	shalt  }
0x58: {  	_ =	shalt  }
0x59: {  	_ =	shalt  }
0x5a: {  	_ =	shalt  }
0x5b: {  	_ =	shalt  }
0x5c: {  	_ =	shalt  }
0x5d: {  	_ =	shalt  }
0x5e: {  	_ =	shalt  }
0x5f: {  	_ =	shalt  }
0x60: {  	_ =	shalt  }
0x61: {  	_ =	shalt  }
0x62: {  	_ =	shalt  }
0x63: {  	_ =	shalt  }
0x64: {  	_ =	shalt  }
0x65: {  	_ =	shalt  }
0x66: {  	_ =	shalt  }
0x67: {  	_ =	shalt  }
0x68: {  	_ =	shalt  }
0x69: {  	_ =	shalt  }
0x6a: {  	_ =	shalt  }
0x6b: {  	_ =	shalt  }
0x6c: {  	_ =	shalt  }
0x6d: {  	_ =	shalt  }
0x6e: {  	_ =	shalt  }
0x6f: {  	_ =	shalt  }
0x70: {  	_ =	shalt  }
0x71: {  	_ =	shalt  }
0x72: {  	_ =	shalt  }
0x73: {  	_ =	shalt  }
0x74: {  	_ =	shalt  }
0x75: {  	_ =	shalt  }
0x76: {  	_ =	shalt  }
0x77: {  	_ =	shalt  }
0x78: {  	_ =	shalt  }
0x79: {  	_ =	shalt  }
0x7a: {  	_ =	shalt  }
0x7b: {  	_ =	shalt  }
0x7c: {  	_ =	shalt  }
0x7d: {  	_ =	shalt  }
0x7e: {  	_ =	shalt  }
0x7f: {  	_ =	shalt  }
0x80: {  	_ =	shalt  }
0x81: {  	_ =	shalt  }
0x82: {  	_ =	shalt  }
0x83: {  	_ =	shalt  }
0x84: {  	_ =	shalt  }
0x85: {  	_ =	shalt  }
0x86: {  	_ =	shalt  }
0x87: {  	_ =	shalt  }
.Lfunc_end0:
.L_simem_size_0:
called_computation_lowered:
.L_overlay_start_0:
0x88: {  	s2 =	sld [smem:$0x3FD9]  }
0x89: {  	s3 =	sld [smem:$0x3FFE];
	_ =	sdelay $0x1  }
0x8a: {  	s1 =	srdreg.scid  }
0x8b: {  	s0 =	sand.u32 $0x1, s1  }
0x8c: {  	s14 =	sshll.u32 s0, $0xA;
	s2 =	sadd.s32 s3, s2  }
0x8d: {  	s2 =	sadd.s32 s2, s14  }
0x8e: {  	[smem:$0x3FC5] =	sst s2  }
0x8f: {  	_ = 	snop  }
0x90: {  	s2 =	sld [smem:$0x3FD0];
	_ =	sdelay $0x1  }
0x91: {  	s15 =	sld [smem:$0x3FC8]  }
0x92: {  	s5 =	simm.s32 $0xA;
	s6 =	simm.s32 $0x10;
	s4 =	sld [smem:$0x3FC7]  }
0x93: {  	[smem:s6], [sflag:s5] =	dma.local [hbm:s2], $0x1  }
0x94: {  	_ =	swait.eq [sflag:s5], $0x1  }
0x95: {  	[sflag:s5] =	ssyncset.done $0x0  }
0x96: {  	s16 =	sld [smem:$0x10];
	[sflag:s5] =	ssyncadd.s32 $0xFFFFFFFF  }
0x97: {  	s17 =	sld [smem:$0x11];
	(tm) =	ssettm $0x1  }
0x98: {  	s18 =	sld [smem:$0x3FFB];
	_ =	sdelay $0x3  }
0x99: {  	_ =	strace s18  }
0x9a: {  	s6 =	sld [smem:$0x3FFC];
	_ =	sdelay $0x3  }
0x9b: {  	_ =	strace s6  }
0x9c: {  	s6 =	sld [smem:$0x3FFD];
	_ =	sdelay $0x3  }
0x9d: {  	_ =	strace s6  }
0x9e: {  	_ =	strace $0x8FFFFFFF  }
0x9f: {  	s19 =	sld [smem:$0x3FDB];
	_ =	sdelay $0x1  }
0xa0: {  	s7 =	simm.s32 $_scs_section_size  }
0xa1: {  	s8 =	simm.s32 $_size__tile_overlayer_lowered;
	s9 =	simm.s32 $_tile_overlayer_lowered  }
0xa2: {  	s22 =	simm.s32 $0x1BFF;
	s21 =	sshll.u32 s9, $0x1;
	s6 =	sadd.s32 s7, s19  }
0xa3: {  	s10 =	simm.s32 $0x0;
	s20 =	sshll.u32 s8, $0x1;
	s8 =	sadd.s32 s21, s6  }
0xa4: {  	[timem:s10], [sflag:s22] =	dma.local [hbm:s8], s20  }
0xa5: {  	_ =	swait.ge [sflag:s22], s20  }
0xa6: {  	s7 =	ssub.s32 $0x0, s20;
	[sflag:s22] =	ssyncset.done $0x0  }
0xa7: {  	[sflag:s22] =	ssyncadd.s32 s7;
	_ =	sdelay $0x1  }
0xa8: {  	s23 =	simm.s32 $0x1B8B  }
0xa9: {  	_ =	swait.ge [sflag:s23], $0x1  }
0xaa: {  	[sflag:s23] =	ssyncset.done $0x0  }
0xab: {  	s25 =	simm.s32 $0x1B8E;
	s24 =	sld [smem:$0x3FFE];
	[sflag:s23] =	ssyncadd.s32 $0xFFFFFFFF  }
0xac: {  	s26 =	simm.s32 $execute0_lowered;
	[smem:$0x3FD2] =	sst s25  }
0xad: {  	s8 =	sshll.u32 s26, $0x1;
	_ =	strace $0x80000046;
	[dreg:$0x1] =	wrdreg $0xFFFFFFFF  }
0xae: {  	s28 =	simm.s32 $_size_execute0_lowered;
	s6 =	sadd.s32 s6, s8;
	[dreg:$0x0] =	wrdreg $0x0  }
0xaf: {  	s8 =	sshll.u32 s28, $0x1;
	[dreg:$0x2] =	wrdreg s6  }
0xb0: {  	[dreg:$0x3] =	wrdreg s8  }
0xb1: {  	[dreg:$0x4] =	wrdreg $0xC0  }
0xb2: {  	_ =	task [dreg:s10], $0x5FFFF  }
0xb3: {  	[dreg:$0x1] =	wrdreg $0xFFFFFFFF  }
0xb4: {  	[dreg:$0x0] =	wrdreg $0x60  }
0xb5: {  	[dreg:$0x2] =	wrdreg s24  }
0xb6: {  	[dreg:$0x3] =	wrdreg s15  }
0xb7: {  	[dreg:$0x4] =	wrdreg s4  }
0xb8: {  	[dreg:$0x5] =	wrdreg s16  }
0xb9: {  	[dreg:$0x6] =	wrdreg s17  }
0xba: {  	[dreg:$0x7] =	wrdreg $0x9  }
0xbb: {  	_ =	task.clear_ibuf [dreg:s10], $0x8FFFF;
	_ =	strace $0x90000046  }
0xbc: {  	s29 =	simm.s32 $0x9;
	_ =	strace $0x80000048  }
0xbd: {  	_ =	swait.ge [sflag:s29], $0x1  }
0xbe: {  	[sflag:s29] =	ssyncadd.s32 $0xFFFFFFFF  }
0xbf: {  	_ =	strace $0x90000048  }
0xc0: {  	_ =	sfence  }
0xc1: {  	s30 =	sld [smem:$0x0];
	_ =	sdelay $0x2  }
0xc2: {  	s31 =	sshll.u32 s1, $0xD;
	s1 =	sshrl.u32 s1, $0x2  }
0xc3: {  	s3 =	sand.u32 $0x4000, s31;
	s1 =	sadd.s32 s1, s30  }
0xc4: {  	s0 =	sor.u32 s3, s0;
	s1 =	sshll.u32 s1, $0x11  }
0xc5: {  	s0 =	sor.u32 s1, s0  }
0xc6: {  	s0 =	sadd.s32 $0x8F2B, s0  }
0xc7: {  	[sflag:s0] =	ssyncadd.remote.s32 $0x1  }
0xc8: {  	_ =	sfence.sel $0xFFFF  }
0xc9: {  	[dreg:$0x0] =	wrdreg $0xFFFFFFFF;
	(pc) =	sbr.abs _section_cstart, $3  }
0xca: {  	[dreg:$0x1] =	wrdreg $0xFFFFFFFF  }
0xcb: {  	_ =	task.clear_ibuf [dreg:s10], $0x2FFFF;
	_ =	strace $0x9FFFFFFF  }
0xcc: {  	(tm) =	ssettm $0x7FFFFFFF  }
0xcd: {  	_ =	shalt  }
tec
execute0_lowered:
.L_overlay_start_1:
0x0: {  	(tag) =	ssettag $0x1  }
0x1: {  	s0 =	rddreg [dreg:$0x0]  }
0x2: {  	s30 =	rddreg [dreg:$0x1]  }
0x3: {  	s4 =	rddreg [dreg:$0x2]  }
0x4: {  	s3 =	rddreg [dreg:$0x3]  }
0x5: {  	s10 =	rddreg [dreg:$0x4];
	s5 =	simm.s32 $0x0;
	s1 =	srdreg.scid  }
0x6: {  	s8 =	stileid.u32;
	s14 =	simm.s32 $0x80;
	s11 =	simm.s32 $0x3400  }
0x7: {  	s21 =	simm.s32 $0x7400;
	s19 =	simm.s32 $0x1;
	s15 =	simm.s32 $0xB400  }
0x8: {  	s20 =	simm.s32 $0xF400;
	s22 =	simm.s32 $0x2;
	s23 =	simm.s32 $0x40000000  }
0x9: {  	s24 =	simm.s32 $0x1E00;
	[smem:$0x7FF] =	sst s5;
	s2 =	sadd.s32 $0xA00, s0  }
0xa: {  	s1 =	sand.u32 $0x1, s1;
	s6 =	sshll.u32 s8, $0x4;
	s0 =	sadd.s32 $0x20A00, s0  }
0xb: {  	s31 =	sshll.u32 s8, $0x10;
	s8 =	simm.s32 $0x3;
	_ =	strace $0x80000047  }
0xc: {  	[dreg:$0x6] =	wrdreg s2;
	s25 =	ssub.s32 $0x2, s1;
	s7 =	sshll.u32 s1, $0x3  }
0xd: {  	[dreg:$0x7] =	wrdreg s0;
	s1 =	sshll.u32 s1, $0xF;
	s6 =	sor.u32 s7, s6  }
0xe: {  	s26 =	sshrl.u32 s25, $0x1;
	s28 =	sshll.u32 s6, $0xC;
	[dreg:$0x8] =	wrdreg s6  }
0xf: {  	s0 =	ssub.s32 s25, s26;
	s29 =	sshll.u32 s6, $0xA;
	[dreg:$0x9] =	wrdreg s28  }
0x10: {  	s7 =	simm.s32 $0x400;
	[dreg:$0xa] =	wrdreg s29;
	s0 =	smax.u32 s0, $0x1  }
0x11: {  	s25 =	simm.s32 $0x2C00;
	[dreg:$0xb] =	wrdreg s0;
	s0 =	sor.u32 s1, s31  }
0x12: {  	v0 =	vlaneseq.u32;
	v1 =	vimm.s32 $0x0;
	vm0 =	vmxor vm0, vm0;
	s26 =	simm.s32 $0x3000;
	s1 =	simm.s32 $0x0;
	[dreg:$0xc] =	wrdreg s0  }
.LBB2_1:
0x13: {  	[dreg:$0xd] =	wrdreg s1  }
0x14: {  	s13 =	rddreg [dreg:$0xc];
	s6 =	simm.s32 $0x0  }
.LBB2_2:
0x15: {  	s0 =	rddreg [dreg:$0x9]  }
0x16: {  	s1 =	sshll.u32 s6, $0x7;
	s16 =	rddreg [dreg:$0x8]  }
0x17: {  	s2 =	rddreg [dreg:$0x6];
	s0 =	sadd.s32 s0, s1  }
0x18: {  	[dreg:$0xe] =	wrdreg s1;
	s0 =	sshrl.u32 s0, $0x3  }
0x19: {  	s1 =	sor.u32 s16, s6;
	s0 =	sadd.s32 s2, s0;
	s2 =	simm.s32 $0x0  }
0x1a: {  	[tilespmem:s2], [sflag:$0x3] =	stream.strided.gather [hbm4b:s0+s14], $0x1000, s7, s14, $0x38;
	[tilespmem:$0x13400] =	vst v63  }
0x1b: {  	s9 =	sshll.u32 s1, $0x10;
	_ =	swait.ge [sflag:s8], $0x1000  }
0x1c: {  	s17 =	sor.u32 $0xE000, s9;
	[sflag:s8] =	ssyncset.done $0x0  }
0x1d: {  	s18 =	sadd.s32 s30, s17;
	[sflag:s8] =	ssyncadd.s32 $0xFFFFF000  }
0x1e: {  	[tilespmem:s11], [sflag:$0x1] =	stream.linear.gather [hbm4b:s18+s2], $0x4000, $0x38;
	[tilespmem:$0x13400] =	vst v63  }
0x1f: {  	s0 =	sadd.s32 s4, s17  }
0x20: {  	[tilespmem:s21], [sflag:$0x1] =	stream.linear.gather [hbm4b:s0+s2], $0x4000, $0x38;
	[tilespmem:$0x13400] =	vst v63  }
0x21: {  	s12 =	sshll.u32 s1, $0xE;
	_ =	swait.ge [sflag:s19], $0x4000  }
0x22: {  	s28 =	sor.u32 $0x2000, s12;
	[sflag:s19] =	ssyncset.done $0x0  }
0x23: {  	s29 =	sadd.s32 s3, s28;
	s8 =	sor.u32 $0xE800, s9;
	[sflag:s19] =	ssyncadd.s32 $0xFFFFC000  }
0x24: {  	[hbm4b:s29+s2] =	stream.linear.scatter [tilespmem:s11], [sflag:$0x2], $0x4000, $0x38;
	[tilespmem:$0x13400] =	vst v63  }
0x25: {  	s16 =	sadd.s32 s30, s8  }
0x26: {  	[tilespmem:s15], [sflag:$0x1] =	stream.linear.gather [hbm4b:s16+s2], $0x4000, $0x38;
	[tilespmem:$0x13400] =	vst v63  }
0x27: {  	_ =	swait.ge [sflag:s19], $0x4000  }
0x28: {  	s31 =	simm.s32 $0x7400;
	[sflag:s19] =	ssyncset.done $0x0  }
0x29: {  	s17 =	simm.s32 $0x0;
	s0 =	sadd.s32 s10, s28;
	[sflag:s19] =	ssyncadd.s32 $0xFFFFC000  }
0x2a: {  	[hbm4b:s0+s2] =	stream.linear.scatter [tilespmem:s31], [sflag:$0x2], $0x4000, $0x38;
	[tilespmem:$0x13400] =	vst v63  }
0x2b: {  	v2 =	vld [tilespmem:s17+$0x0];
	_ =	sdelay $0x4  }
0x2c: {  	v2 =	vxor.u32 $0x80000000, v2  }
0x2d: {  	(xrf0) =	vmin.scan.msk.u32 $0xffff, v2  }
0x2e: {  	s18 =	simm.s32 $0x10  }
0x2f: {  	v3 =	vld [tilespmem:s18+$0x0]  }
0x30: {  	s28 =	simm.s32 $0x20  }
0x31: {  	v61 =	vld [tilespmem:s28+$0x0];
	_ =	sdelay $0x1  }
0x32: {  	v4, _, _ =	vpop (xrf0);
	(xrf0) =	vmax.scan.msk.u32 $0xffff, v2  }
0x33: {  	v2 =	vxor.u32 $0x80000000, v3  }
0x34: {  	(xrf0) =	vmin.scan.msk.u32 $0xffff, v2  }
0x35: {  	(xrf0) =	vmax.scan.msk.u32 $0xffff, v2;
	v2 =	vxor.u32 $0x80000000, v61  }
0x36: {  	(xrf0) =	vmin.scan.msk.u32 $0xffff, v2  }
0x37: {  	(v2sf) =	vpush v4, $0xF;
	(xrf0) =	vmax.scan.msk.u32 $0xffff, v2  }
0x38: {  	v2, _, _ =	vpop (xrf0)  }
0x39: {  	(v2sf) =	vpush v2, $0xF  }
0x3a: {  	v62, _, _ =	vpop (xrf0)  }
0x3b: {  	(v2sf) =	vpush v62, $0xF;
	v2, _, _ =	vpop (xrf0)  }
0x3c: {  	s29 =	simm.s32 $0x30;
	(v2sf) =	vpush v2, $0xF;
	v2, _, _ =	vpop (xrf0)  }
0x3d: {  	v3 =	vld [tilespmem:s29+$0x0];
	(v2sf) =	vpush v2, $0xF;
	v63, _, _ =	vpop (xrf0)  }
0x3e: {  	(v2sf) =	vpush v63, $0xF;
	_ =	sdelay $0x3  }
0x3f: {  	s31 =	simm.s32 $0x40;
	v3 =	vxor.u32 $0x80000000, v3  }
0x40: {  	(xrf0) =	vmin.scan.msk.u32 $0xffff, v3;
	v2 =	vld [tilespmem:s31+$0x0]  }
0x41: {  	(xrf0) =	vmax.scan.msk.u32 $0xffff, v3  }
0x42: {  	s1 =	simm.s32 $0x80000000;
	s21 =	simm.s32 $0x3400  }
0x43: {  	s0 =	simm.s32 $0x7FFFFFFF;
	s2 =	simm.s32 $0x140;
	s7 =	spop (v2sf)  }
.LBB2_3:
0x44: {  	s10 =	smov.u32 s1;
	s11 =	smov.u32 s0;
	s1 =	sshra.s32 s2, $0x2  }
0x45: {  	v5 =	vxor.u32 $0x80000000, v2;
	s0 =	sxor.u32 $0x80000000, s7;
	p0 =	sne.s32 s2, $0x37C0;
	s7 =	spop (v2sf)  }
.Ltmp0:
0x46: {  	s2 =	sadd.s32 $0x40, s2;
	v2 =	vld [tilespmem:s1+$0x0];
	(xrf0) =	vmin.scan.msk.u32 $0xffff, v5;
	v4, _, _ =	vpop (xrf0);
	s1 =	sxor.u32 $0x80000000, s7;
	(pc) =	sbr.rel @p0 .LBB2_3-.Ltmp0, $3  }
0x47: {  	p1 =	slt.s32 s11, s0;
	(xrf0) =	vmax.scan.msk.u32 $0xffff, v5;
	(v2sf) =	vpush v4, $0xF;
	v3, _, _ =	vpop (xrf0);
	p2 =	sgt.s32 s10, s1  }
0x48: {  	s0 =	smov.u32 @p1 s11;
	(v2sf) =	vpush v3, $0xF;
	s1 =	smov.u32 @p2 s10;
	_ =	sdelay $0x1  }
0x49: {  	s7 =	spop (v2sf)  }
0x4a: {  	v2 =	vxor.u32 $0x80000000, v2  }
0x4b: {  	(xrf0) =	vmin.scan.msk.u32 $0xffff, v2  }
0x4c: {  	(xrf0) =	vmax.scan.msk.u32 $0xffff, v2  }
0x4d: {  	v2, _, _ =	vpop (xrf0)  }
0x4e: {  	(v2sf) =	vpush v2, $0xF;
	v2, _, _ =	vpop (xrf0)  }
0x4f: {  	(v2sf) =	vpush v2, $0xF;
	_ =	sdelay $0x1  }
0x50: {  	v2, _, _ =	vpop (xrf0)  }
0x51: {  	(v2sf) =	vpush v2, $0xF;
	v2, _, _ =	vpop (xrf0)  }
0x52: {  	(v2sf) =	vpush v2, $0xF;
	_ =	sdelay $0x2  }
0x53: {  	s2 =	spop (v2sf);
	s7 =	sxor.u32 $0x80000000, s7  }
0x54: {  	s10 =	spop (v2sf);
	s2 =	sxor.u32 $0x80000000, s2;
	p0 =	slt.s32 s0, s7  }
0x55: {  	s7 =	smov.u32 @p0 s0;
	s11 =	spop (v2sf);
	p0 =	sgt.s32 s1, s2  }
0x56: {  	s2 =	smov.u32 @p0 s1;
	s1 =	sxor.u32 $0x80000000, s10;
	s0 =	sxor.u32 $0x80000000, s11  }
0x57: {  	p0 =	slt.s32 s7, s1;
	p1 =	sgt.s32 s2, s0;
	s16 =	spop (v2sf)  }
0x58: {  	s1 =	smov.u32 @p0 s7;
	s7 =	sxor.u32 $0x80000000, s16;
	s17 =	spop (v2sf)  }
0x59: {  	s0 =	smov.u32 @p1 s2;
	s2 =	sxor.u32 $0x80000000, s17;
	p0 =	slt.s32 s1, s7  }
0x5a: {  	p1 =	sgt.s32 s0, s2;
	s7 =	smov.u32 @p0 s1;
	s18 =	spop (v2sf)  }
0x5b: {  	s2 =	smov.u32 @p1 s0;
	s0 =	sxor.u32 $0x80000000, s18;
	s28 =	spop (v2sf)  }
0x5c: {  	s18 =	sadd.s32 s4, s8;
	s1 =	sxor.u32 $0x80000000, s28;
	s28 =	simm.s32 $0x0  }
0x5d: {  	[tilespmem:s20], [sflag:$0x1] =	stream.linear.gather [hbm4b:s18+s28], $0x4000, $0x38;
	[tilespmem:$0x13400] =	vst v63  }
0x5e: {  	p0 =	slt.s32 s7, s0;
	p1 =	sgt.s32 s2, s1;
	s29 =	spop (v2sf)  }
0x5f: {  	s0 =	smov.u32 @p0 s7;
	s11 =	spop (v2sf);
	s31 =	sxor.u32 $0x80000000, s29  }
0x60: {  	s1 =	smov.u32 @p1 s2;
	s2 =	sxor.u32 $0x80000000, s11;
	p0 =	slt.s32 s0, s31  }
0x61: {  	_ =	swait.ge [sflag:s19], $0x4000;
	p1 =	sgt.s32 s1, s2;
	s31 =	smov.u32 @p0 s0  }
0x62: {  	[sflag:s19] =	ssyncset.done $0x0;
	s0 =	sor.u32 $0x2800, s12;
	s2 =	smov.u32 @p1 s1  }
0x63: {  	[sflag:s19] =	ssyncadd.s32 $0xFFFFC000;
	s29 =	sadd.s32 s3, s0;
	s16 =	ssub.s32 s2, s31  }
0x64: {  	[hbm4b:s29+s28] =	stream.linear.scatter [tilespmem:s15], [sflag:$0x2], $0x4000, $0x38;
	[tilespmem:$0x13400] =	vst v63  }
0x65: {  	s7 =	simm.s32 $0x1D;
	p0 =	sgt.s32 s16, $0x1  }
0x66: {  	s7 =	simm.s32 @!p0 $0x1E;
	p0 =	sgt.s32 s16, $0x3  }
0x67: {  	s7 =	simm.s32 @p0 $0x1C;
	p0 =	sgt.s32 s16, $0x7  }
0x68: {  	s7 =	simm.s32 @p0 $0x1B;
	p0 =	sgt.s32 s16, $0xF  }
0x69: {  	s7 =	simm.s32 @p0 $0x1A;
	p0 =	sgt.s32 s16, $0x1F  }
0x6a: {  	s7 =	simm.s32 @p0 $0x19;
	p0 =	sgt.s32 s16, $0x3F  }
0x6b: {  	s7 =	simm.s32 @p0 $0x18;
	p0 =	sgt.s32 s16, $0x7F  }
0x6c: {  	s7 =	simm.s32 @p0 $0x17;
	p0 =	sgt.s32 s16, $0xFF  }
0x6d: {  	s7 =	simm.s32 @p0 $0x16;
	p0 =	sgt.s32 s16, $0x1FF  }
0x6e: {  	s7 =	simm.s32 @p0 $0x15;
	p0 =	sgt.s32 s16, $0x3FF  }
0x6f: {  	s7 =	simm.s32 @p0 $0x14;
	p0 =	sgt.s32 s16, $0x7FF  }
0x70: {  	s7 =	simm.s32 @p0 $0x13;
	p0 =	sgt.s32 s16, $0xFFF  }
0x71: {  	s7 =	simm.s32 @p0 $0x12;
	p0 =	sgt.s32 s16, $0x1FFF  }
0x72: {  	s7 =	simm.s32 @p0 $0x11;
	p0 =	sgt.s32 s16, $0x3FFF  }
0x73: {  	s7 =	simm.s32 @p0 $0x10;
	p0 =	sgt.s32 s16, $0x7FFF  }
0x74: {  	s7 =	simm.s32 @p0 $0xF;
	p0 =	sgt.s32 s16, $0xFFFF  }
0x75: {  	s7 =	simm.s32 @p0 $0xE;
	p0 =	sgt.s32 s16, $0x1FFFF  }
0x76: {  	s7 =	simm.s32 @p0 $0xD;
	p0 =	sgt.s32 s16, $0x3FFFF  }
0x77: {  	s7 =	simm.s32 @p0 $0xC;
	p0 =	sgt.s32 s16, $0x7FFFF  }
0x78: {  	s7 =	simm.s32 @p0 $0xB;
	p0 =	sgt.s32 s16, $0xFFFFF  }
0x79: {  	s7 =	simm.s32 @p0 $0xA;
	p0 =	sgt.s32 s16, $0x1FFFFF  }
0x7a: {  	s7 =	simm.s32 @p0 $0x9;
	p0 =	sgt.s32 s16, $0x3FFFFF  }
0x7b: {  	s7 =	simm.s32 @p0 $0x8;
	p0 =	sgt.s32 s16, $0x7FFFFF  }
0x7c: {  	s7 =	simm.s32 @p0 $0x7;
	p0 =	sgt.s32 s16, $0xFFFFFF  }
0x7d: {  	s7 =	simm.s32 @p0 $0x6;
	p0 =	sgt.s32 s16, $0x1FFFFFF  }
0x7e: {  	s7 =	simm.s32 @p0 $0x5;
	p0 =	sgt.s32 s16, $0x3FFFFFF  }
0x7f: {  	s7 =	simm.s32 @p0 $0x4;
	p0 =	sgt.s32 s16, $0x7FFFFFF  }
0x80: {  	s7 =	simm.s32 @p0 $0x3;
	p0 =	sgt.s32 s16, $0xFFFFFFF  }
0x81: {  	s7 =	simm.s32 @p0 $0x2;
	p0 =	sgt.s32 s16, $0x1FFFFFFF  }
0x82: {  	s1 =	simm.s32 $0x0;
	s7 =	simm.s32 @p0 $0x1;
	p0 =	sgt.s32 s16, $0x3FFFFFFF  }
0x83: {  	v4 =	vld [tilespmem:s1+$0x0];
	s7 =	simm.s32 @p0 $0x0  }
0x84: {  	s17 =	smov.u32 s4;
	s18 =	smov.u32 s3;
	v2 =	vmov s31;
	s2 =	simm.s32 $0x40;
	v3 =	vmov s7  }
.LBB2_5:
0x85: {  	p0 =	sne.s32 s2, $0x37C0  }
.Ltmp1:
0x86: {  	_ = 	snop;
	(pc) =	sbr.rel @p0 .LBB2_5-.Ltmp1, $4  }
0x87: {  	_ = 	snop  }
0x88: {  	s8 =	sshra.s32 s2, $0x2;
	s2 =	sadd.s32 $0x40, s2;
	v5 =	vsub.s32 v4, v2  }
0x89: {  	v4 =	vld [tilespmem:s8+$0x0];
	v5 =	vshll.u32 v5, v3  }
0x8a: {  	[tilespmem:s1+$0x1000] =	vst v5;
	s1 =	smov.u32 s8  }
0x8b: {  	_ =	sdelay $0x2  }
0x8c: {  	v2 =	vsub.s32 v4, v2  }
0x8d: {  	v2 =	vshll.u32 v2, v3  }
0x8e: {  	[tilespmem:s1+$0x1000] =	vst v2  }
0x8f: {  	_ =	swait.ge [sflag:s22], $0x4000  }
0x90: {  	s15 =	sor.u32 $0xF000, s9;
	[sflag:s22] =	ssyncset.done $0x0  }
0x91: {  	s8 =	simm.s32 $0x0;
	s29 =	sadd.s32 s30, s15;
	[sflag:s22] =	ssyncadd.s32 $0xFFFFC000  }
0x92: {  	[tilespmem:s21], [sflag:$0x1] =	stream.linear.gather [hbm4b:s29+s8], $0x4000, $0x38;
	[tilespmem:$0x13400] =	vst v63  }
0x93: {  	_ =	swait.ge [sflag:s19], $0x4000  }
.Ltmp2:
0x94: {  	[sflag:s19] =	ssyncset.done $0x0;
	(pc) =	sbr.rel .LBB2_7-.Ltmp2, $4  }
0x95: {  	s4 =	smov.u32 s30;
	[sflag:s19] =	ssyncadd.s32 $0xFFFFC000  }
0x96: {  	p0 =	por $0x1, $0x1;
	s11 =	simm.s32 $0xE00;
	s30 =	rddreg [dreg:$0x4]  }
0x97: {  	s10 =	simm.s32 $0x200;
	s28 =	simm.s32 $0x0;
	s0 =	sadd.s32 s30, s0  }
0x98: {  	[hbm4b:s0+s8] =	stream.linear.scatter [tilespmem:s20], [sflag:$0x2], $0x4000, $0x38;
	[tilespmem:$0x13400] =	vst v63  }
.LBB2_30:
.Ltmp3:
0x99: {  	(pc) =	sbr.rel @!p4 .LBB2_31-.Ltmp3, $4  }
0x9a: {  	_ = 	snop  }
0x9b: {  	s0 =	sshrl.u32 s23, s28  }
0x9c: {  	s30 =	simm.s32 @p3 $0x0;
	s28 =	simm.s32 $0x1;
	s0 =	simm.s32 @!p3 $0x0  }
0x9d: {  	p0 =	por $0x0, $0x0;
	s10 =	ssub.s32 s10, s30;
	s8 =	sor.u32 s8, s0  }
.LBB2_7:
0x9e: {  	s0 =	sadd.s32 $0xF, s11  }
0x9f: {  	s29 =	sshra.s32 s0, $0x4  }
0xa0: {  	p2 =	slt.s32 s29, $0x1  }
.Ltmp4:
0xa1: {  	_ = 	snop;
	(pc) =	sbr.rel @p2 .LBB2_20-.Ltmp4, $3  }
0xa2: {  	_ =	sdelay $0x1  }
0xa3: {  	s16 =	ssub.s32 $0x1E, s28  }
0xa4: {  	p4 =	por p0, p0;
	v2 =	vmov s11;
	s30 =	simm.s32 $0x0;
	v3 =	vmov s16;
	p1 =	sne.s32 s29, $0x1  }
0xa5: {  	s16 =	simm.s32 $0x1000  }
0xa6: {  	v4 =	vld [tilespmem:s16+$0x0]  }
.Ltmp5:
0xa7: {  	_ = 	snop;
	(pc) =	sbr.rel @!p1 .LBB2_9-.Ltmp5, $4  }
0xa8: {  	s0 =	simm.s32 @!p4 $0x0  }
0xa9: {  	s30 =	simm.s32 $0x0;
	s1 =	simm.s32 $0x1010;
	p3 =	por $0x0, $0x0  }
0xaa: {  	p5 =	por $0x0, $0x0;
	p6 =	por $0x0, $0x0;
	s0 =	simm.s32 @p4 $0x1  }
0xab: {  	p4 =	por $0x0, $0x0;
	[smem:$0x7FD] =	sst s0;
	s0 =	sadd.s32 $0xFFFFFFFF, s29;
	v4 =	vshrl.u32 v4, v3  }
0xac: {  	v5 =	vld [tilespmem:s1+$0x0];
	p0 =	sne.s32 s0, $0x1  }
.Ltmp6:
0xad: {  	v6 =	vor.u32 s30, v0;
	v4 =	vand.u32 $0x1, v4;
	(pc) =	sbr.rel @!p0 .LBB2_11-.Ltmp6, $4  }
0xae: {  	vm1 =	vlt.s32 v6, v2;
	vm2 =	veq.s32 v4, $0x1  }
0xaf: {  	vm1 =	vmand vm1, vm2  }
0xb0: {  	s0 =	sadd.s32 $0xFFFFFFFF, s0;
	v4 =	vsel vm1, $0x1, v1  }
0xb1: {  	s1 =	simm.s32 $0x1020;
	s16 =	simm.s32 $0x10;
	p3 =	por $0x1, $0x1;
	(xrf0) =	vadd.scan.msk.s32 $0xffff, v4;
	v4 =	vshrl.u32 v5, v3  }
0xb2: {  	_ =	sdelay $0x1  }
0xb3: {  	v6 =	vor.u32 s16, v0;
	_ =	sdelay $0x2  }
0xb4: {  	vm1 =	vlt.s32 v6, v2;
	v6, _, _ =	vpop (xrf0)  }
0xb5: {  	(v2sf) =	vpush v6, $0xF;
	_ =	sdelay $0x6  }
0xb6: {  	v5 =	vld [tilespmem:s1+$0x0];
	p0 =	sne.s32 s0, $0x1  }
.Ltmp7:
0xb7: {  	v4 =	vand.u32 $0x1, v4;
	(pc) =	sbr.rel @!p0 .LBB2_13-.Ltmp7, $4  }
0xb8: {  	vm2 =	veq.s32 v4, $0x1  }
0xb9: {  	vm1 =	vmand vm1, vm2  }
0xba: {  	s0 =	sadd.s32 $0xFFFFFFFF, s0;
	v4 =	vsel vm1, $0x1, v1  }
0xbb: {  	s1 =	simm.s32 $0x1030;
	s16 =	simm.s32 $0x20;
	p4 =	por $0x1, $0x1;
	(xrf0) =	vadd.scan.msk.s32 $0xffff, v4;
	v4 =	vshrl.u32 v5, v3  }
0xbc: {  	_ =	sdelay $0x1  }
0xbd: {  	v6 =	vor.u32 s16, v0;
	_ =	sdelay $0x2  }
0xbe: {  	vm1 =	vlt.s32 v6, v2;
	v6, _, _ =	vpop (xrf0)  }
0xbf: {  	(v2sf) =	vpush v6, $0xF;
	_ =	sdelay $0x3  }
0xc0: {  	v5 =	vld [tilespmem:s1+$0x0];
	p0 =	sne.s32 s0, $0x1  }
.Ltmp8:
0xc1: {  	v4 =	vand.u32 $0x1, v4;
	(pc) =	sbr.rel @!p0 .LBB2_15-.Ltmp8, $4  }
0xc2: {  	vm2 =	veq.s32 v4, $0x1  }
0xc3: {  	vm1 =	vmand vm1, vm2  }
0xc4: {  	s0 =	sadd.s32 $0xFFFFFFFF, s0;
	v4 =	vsel vm1, $0x1, v1  }
0xc5: {  	s1 =	simm.s32 $0x1040;
	s16 =	simm.s32 $0x30;
	p5 =	por $0x1, $0x1;
	(xrf0) =	vadd.scan.msk.s32 $0xffff, v4;
	v4 =	vshrl.u32 v5, v3  }
0xc6: {  	_ =	sdelay $0x1  }
0xc7: {  	v6 =	vor.u32 s16, v0;
	_ =	sdelay $0x2  }
0xc8: {  	vm1 =	vlt.s32 v6, v2;
	v6, _, _ =	vpop (xrf0)  }
0xc9: {  	(v2sf) =	vpush v6, $0xF;
	_ =	sdelay $0x3  }
0xca: {  	v5 =	vld [tilespmem:s1+$0x0];
	v4 =	vand.u32 $0x1, v4;
	p0 =	sne.s32 s0, $0x1  }
.Ltmp9:
0xcb: {  	vm2 =	veq.s32 v4, $0x1;
	(pc) =	sbr.rel @!p0 .LBB2_17-.Ltmp9, $4  }
0xcc: {  	vm1 =	vmand vm1, vm2  }
0xcd: {  	v4 =	vsel vm1, $0x1, v1  }
0xce: {  	s1 =	sadd.s32 $0xFFFFFFFF, s0;
	s2 =	simm.s32 $0x1050;
	(xrf0) =	vadd.scan.msk.s32 $0xffff, v4  }
0xcf: {  	s16 =	simm.s32 $0x40;
	p6 =	por $0x1, $0x1;
	s0 =	simm.s32 $0x0;
	v4 =	vshrl.u32 v5, v3  }
.LBB2_18:
0xd0: {  	v5 =	vld [tilespmem:s2+$0x0];
	p0 =	sne.s32 s1, $0x1;
	s1 =	sadd.s32 $0xFFFFFFFF, s1;
	v6 =	vor.u32 s16, v0;
	v4 =	vand.u32 $0x1, v4  }
.Ltmp10:
0xd1: {  	vm1 =	vlt.s32 v6, v2;
	vm2 =	veq.s32 v4, $0x1;
	(pc) =	sbr.rel @p0 .LBB2_18-.Ltmp10, $4  }
0xd2: {  	vm1 =	vmand vm1, vm2;
	s3 =	spop (v2sf)  }
0xd3: {  	v4 =	vsel vm1, $0x1, v1;
	s0 =	sadd.s32 s0, s3  }
0xd4: {  	(xrf0) =	vadd.scan.msk.s32 $0xffff, v4;
	v6, _, _ =	vpop (xrf0)  }
0xd5: {  	s2 =	sadd.s32 $0x10, s2;
	s16 =	sadd.s32 $0x10, s16;
	v4 =	vshrl.u32 v5, v3;
	(v2sf) =	vpush v6, $0xF  }
.LBB2_19:
0xd6: {  	v5 =	vor.u32 s16, v0;
	v4 =	vand.u32 $0x1, v4  }
0xd7: {  	vm1 =	vlt.s32 v5, v2;
	vm2 =	veq.s32 v4, $0x1  }
0xd8: {  	vm1 =	vmand vm1, vm2  }
0xd9: {  	v4 =	vsel vm1, $0x1, v1  }
0xda: {  	(xrf0) =	vadd.scan.msk.s32 $0xffff, v4;
	_ =	sdelay $0x3  }
0xdb: {  	v4, _, _ =	vpop @p3 (xrf0)  }
0xdc: {  	(v2sf) =	vpush @p3 v4, $0xF  }
0xdd: {  	v4, _, _ =	vpop (xrf0)  }
0xde: {  	(v2sf) =	vpush v4, $0xF;
	_ =	sdelay $0x6  }
0xdf: {  	s1 =	spop @p6 (v2sf)  }
0xe0: {  	s0 =	sadd.s32 @p6 s0, s1;
	s1 =	simm.s32 $0x0  }
0xe1: {  	s1 =	smov.u32 @p6 s0;
	s0 =	spop @p5 (v2sf)  }
0xe2: {  	s0 =	sadd.s32 @p5 s1, s0;
	s1 =	simm.s32 $0x0  }
0xe3: {  	s1 =	smov.u32 @p5 s0;
	s0 =	spop @p4 (v2sf)  }
0xe4: {  	s0 =	sadd.s32 @p4 s1, s0;
	s1 =	simm.s32 $0x0  }
0xe5: {  	s16 =	sld [smem:$0x7FD];
	s1 =	smov.u32 @p4 s0;
	s0 =	spop @p3 (v2sf)  }
0xe6: {  	s0 =	sadd.s32 @p3 s1, s0  }
0xe7: {  	s30 =	smov.u32 @p3 s0;
	s3 =	spop (v2sf)  }
0xe8: {  	p4 =	seq.s32 s16, $0x1;
	s30 =	sadd.s32 s30, s3  }
.LBB2_20:
.Ltmp11:
0xe9: {  	(pc) =	sbr.rel @p2 .LBB2_27-.Ltmp11, $2  }
0xea: {  	_ =	sdelay $0x2  }
0xeb: {  	p3 =	sge.s32 s30, s10  }
0xec: {  	vm1 =	vmmov vm0  }
0xed: {  	vm1 =	vmneg @p3 vm1  }
0xee: {  	vm1 =	vmneg vm1  }
.Ltmp12:
0xef: {  	v4 =	vsel vm1, $0x1, v1;
	(pc) =	sbr.rel @!p1 .LBB2_22-.Ltmp12, $3  }
0xf0: {  	v4 =	vbroadcast v4, $0x0;
	_ =	sdelay $0x1  }
0xf1: {  	s0 =	simm.s32 $0x1000;
	v4 =	vand.u32 $0x1, v4  }
0xf2: {  	s16 =	simm.s32 $0x0;
	p2 =	por $0x0, $0x0;
	vm1 =	veq.s32 v4, $0x1;
	v4 =	vld [tilespmem:s0+$0x0];
	s0 =	sadd.s32 $0xFFFFFFFF, s29  }
0xf3: {  	_ =	sdelay $0x3  }
0xf4: {  	v5 =	vshrl.u32 v4, v3  }
0xf5: {  	v5 =	vand.u32 $0x1, v5  }
0xf6: {  	v6 =	vor.u32 s16, v0;
	vm2 =	veq.s32 v5, $0x1  }
0xf7: {  	vm3 =	vlt.s32 v6, v2;
	vm2 =	vmxor vm1, vm2  }
0xf8: {  	vm2 =	vmand vm3, vm2  }
0xf9: {  	v5 =	vsel vm2, $0x1, v1  }
0xfa: {  	(xrf0) =	vadd.scan.msk.s32 $0xffff, v5;
	_ =	sdelay $0x2  }
0xfb: {  	v5 =	vmov s16  }
0xfc: {  	v5 =	vadd.s32 $0xFFFFFFFF, v5  }
0xfd: {  	v5 =	vbroadcast v5, $0x0  }
0xfe: {  	v6, _, _ =	vpop (xrf0)  }
0xff: {  	v5 =	vadd.s32 v6, v5;
	(v2sf) =	vpush v6, $0xF  }
0x100: {  	p0 =	sne.s32 s0, $0x1  }
.Ltmp13:
0x101: {  	_ = 	snop;
	(pc) =	sbr.rel @!p0 .LBB2_24-.Ltmp13, $3  }
0x102: {  	_ =	sdelay $0x1  }
0x103: {  	s1 =	simm.s32 $0x1010;
	s2 =	sadd.s32 $0xFFFFFFFF, s0;
	[tilespmem:v5+s24+$0x0] =	vst.idx.msk vm2, v4  }
0x104: {  	p2 =	por $0x1, $0x1;
	s0 =	simm.s32 $0x0;
	s29 =	simm.s32 $0x0;
	v4 =	vld [tilespmem:s1+$0x0]  }
.LBB2_25:
0x105: {  	p1 =	sne.s32 s2, $0x1;
	_ =	sdelay $0x3  }
0x106: {  	v5 =	vshrl.u32 v4, v3  }
0x107: {  	s0 =	sadd.s32 $0x10, s0;
	v5 =	vand.u32 $0x1, v5  }
0x108: {  	v6 =	vor.u32 s0, v0;
	vm2 =	veq.s32 v5, $0x1  }
0x109: {  	vm3 =	vlt.s32 v6, v2;
	vm2 =	vmxor vm1, vm2  }
0x10a: {  	vm2 =	vmand vm3, vm2;
	s3 =	spop (v2sf)  }
0x10b: {  	v5 =	vsel vm2, $0x1, v1;
	s29 =	sadd.s32 s29, s3  }
0x10c: {  	v6 =	vmov s29;
	(xrf0) =	vadd.scan.msk.s32 $0xffff, v5  }
0x10d: {  	v5 =	vadd.s32 $0xFFFFFFFF, v6  }
0x10e: {  	v5 =	vbroadcast v5, $0x0;
	_ =	sdelay $0x3  }
0x10f: {  	v6, _, _ =	vpop (xrf0)  }
0x110: {  	v5 =	vadd.s32 v6, v5;
	(v2sf) =	vpush v6, $0xF;
	_ =	sdelay $0x1  }
.Ltmp14:
0x111: {  	(pc) =	sbr.rel @p1 .LBB2_25-.Ltmp14, $3  }
0x112: {  	_ =	sdelay $0x1  }
0x113: {  	s1 =	sadd.s32 $0x10, s1;
	[tilespmem:v5+s24+$0x0] =	vst.idx.msk vm2, v4  }
0x114: {  	s2 =	sadd.s32 $0xFFFFFFFF, s2;
	v4 =	vld [tilespmem:s1+$0x0]  }
.LBB2_26:
0x115: {  	_ =	sdelay $0x3  }
0x116: {  	s0 =	sadd.s32 @p2 $0x10, s0;
	s1 =	simm.s32 $0x0;
	v3 =	vshrl.u32 v4, v3  }
0x117: {  	s1 =	smov.u32 @p2 s0;
	v3 =	vand.u32 $0x1, v3  }
0x118: {  	v5 =	vor.u32 s1, v0;
	vm2 =	veq.s32 v3, $0x1  }
0x119: {  	vm3 =	vlt.s32 v5, v2;
	vm1 =	vmxor vm1, vm2  }
0x11a: {  	vm1 =	vmand vm3, vm1  }
0x11b: {  	v2 =	vsel vm1, $0x1, v1  }
0x11c: {  	(xrf0) =	vadd.scan.msk.s32 $0xffff, v2;
	_ =	sdelay $0x5  }
0x11d: {  	v2, _, _ =	vpop (xrf0)  }
0x11e: {  	(v2sf) =	vpush v2, $0xF;
	_ =	sdelay $0x2  }
0x11f: {  	s0 =	spop @p2 (v2sf)  }
0x120: {  	s0 =	sadd.s32 @p2 s29, s0  }
0x121: {  	s16 =	smov.u32 @p2 s0  }
0x122: {  	v3 =	vmov s16  }
0x123: {  	v3 =	vadd.s32 $0xFFFFFFFF, v3  }
0x124: {  	v3 =	vbroadcast v3, $0x0;
	_ =	sdelay $0x1  }
0x125: {  	v2 =	vadd.s32 v2, v3;
	_ =	sdelay $0x4  }
0x126: {  	[tilespmem:v2+s24+$0x0] =	vst.idx.msk vm1, v4;
	s29 =	spop (v2sf)  }
.LBB2_27:
0x127: {  	s11 =	ssub.s32 s11, s30  }
0x128: {  	s11 =	smov.u32 @p3 s30  }
0x129: {  	s0 =	sadd.s32 $0xF, s11  }
0x12a: {  	s1 =	sshra.s32 s0, $0x4  }
0x12b: {  	p0 =	slt.s32 s1, $0x1  }
.Ltmp15:
0x12c: {  	_ = 	snop;
	(pc) =	sbr.rel @p0 .LBB2_30-.Ltmp15, $1  }
0x12d: {  	_ =	sdelay $0x3  }
0x12e: {  	s0 =	simm.s32 $0x1E00  }
0x12f: {  	p0 =	sne.s32 s1, $0x1;
	v2 =	vld [tilespmem:s0+$0x0]  }
.Ltmp16:
0x130: {  	_ = 	snop;
	(pc) =	sbr.rel @!p0 .LBB2_30-.Ltmp16, $3  }
0x131: {  	_ =	sdelay $0x1  }
0x132: {  	s0 =	simm.s32 $0x1000  }
0x133: {  	s1 =	sadd.s32 $0xFFFFFFFF, s1;
	s2 =	simm.s32 $0x1E10;
	[tilespmem:s0+$0x0] =	vst v2  }
.LBB2_29:
0x134: {  	v2 =	vld [tilespmem:s2+$0x0];
	p0 =	sne.s32 s1, $0x1;
	s1 =	sadd.s32 $0xFFFFFFFF, s1  }
.Ltmp17:
0x135: {  	(pc) =	sbr.rel @p0 .LBB2_29-.Ltmp17, $3  }
0x136: {  	_ =	sdelay $0x1  }
0x137: {  	s0 =	sadd.s32 $0x10, s0  }
0x138: {  	s2 =	sadd.s32 $0x10, s2;
	[tilespmem:s0+$0x0] =	vst v2  }
.Ltmp18:
0x139: {  	_ = 	snop;
	(pc) =	sbr.rel .LBB2_30-.Ltmp18, $1  }
0x13a: {  	_ =	sdelay $0x3  }
.LBB2_9:
.Ltmp19:
0x13b: {  	(pc) =	sbr.rel .LBB2_19-.Ltmp19, $2  }
0x13c: {  	_ =	sdelay $0x2  }
0x13d: {  	s16 =	simm.s32 $0x0;
	s0 =	simm.s32 $0x0  }
.LBB2_22:
.Ltmp20:
0x13e: {  	(pc) =	sbr.rel .LBB2_26-.Ltmp20, $2  }
0x13f: {  	_ =	sdelay $0x2  }
0x140: {  	s0 =	simm.s32 $0x0;
	s29 =	simm.s32 $0x0  }
.LBB2_11:
.Ltmp21:
0x141: {  	(pc) =	sbr.rel .LBB2_19-.Ltmp21, $2  }
0x142: {  	_ =	sdelay $0x2  }
0x143: {  	s0 =	simm.s32 $0x0  }
.LBB2_24:
.Ltmp22:
0x144: {  	(pc) =	sbr.rel .LBB2_26-.Ltmp22, $2  }
0x145: {  	_ =	sdelay $0x2  }
0x146: {  	s0 =	simm.s32 $0x0;
	s29 =	simm.s32 $0x0  }
.LBB2_13:
.Ltmp23:
0x147: {  	(pc) =	sbr.rel .LBB2_19-.Ltmp23, $2  }
0x148: {  	_ =	sdelay $0x2  }
0x149: {  	s0 =	simm.s32 $0x0  }
.LBB2_15:
.Ltmp24:
0x14a: {  	(pc) =	sbr.rel .LBB2_19-.Ltmp24, $2  }
0x14b: {  	_ =	sdelay $0x3  }
0x14c: {  	s0 =	simm.s32 $0x0  }
.LBB2_17:
.Ltmp25:
0x14d: {  	(pc) =	sbr.rel .LBB2_19-.Ltmp25, $2  }
0x14e: {  	_ =	sdelay $0x2  }
0x14f: {  	s0 =	simm.s32 $0x0  }
.LBB2_31:
0x150: {  	s28 =	simm.s32 $0x2  }
0x151: {  	_ =	swait.ge [sflag:s28], $0x4000  }
0x152: {  	[sflag:s28] =	ssyncset.done $0x0  }
0x153: {  	s0 =	sadd.s32 s17, s15;
	s1 =	simm.s32 $0x7400;
	[sflag:s28] =	ssyncadd.s32 $0xFFFFC000  }
0x154: {  	[tilespmem:s1], [sflag:$0x1] =	stream.linear.gather [hbm4b:s0+s5], $0x4000, $0x38;
	[tilespmem:$0x13400] =	vst v63  }
.Ltmp26:
0x155: {  	_ = 	snop;
	(pc) =	sbr.rel .LBB2_32-.Ltmp26, $4  }
0x156: {  	_ =	swait.ge [sflag:s19], $0x4000  }
0x157: {  	s15 =	sor.u32 $0x3000, s12;
	[sflag:s19] =	ssyncset.done $0x0  }
0x158: {  	p0 =	por $0x0, $0x0;
	s30 =	sadd.s32 s18, s15;
	[sflag:s19] =	ssyncadd.s32 $0xFFFFC000  }
0x159: {  	[hbm4b:s30+s5] =	stream.linear.scatter [tilespmem:s21], [sflag:$0x2], $0x4000, $0x38;
	[tilespmem:$0x13400] =	vst v63  }
.LBB2_56:
.Ltmp27:
0x15a: {  	(pc) =	sbr.rel @p4 .LBB2_57-.Ltmp27, $4  }
0x15b: {  	_ = 	snop  }
0x15c: {  	s0 =	sshrl.u32 s23, s28  }
0x15d: {  	s30 =	simm.s32 @p3 $0x0;
	s28 =	simm.s32 $0x3;
	s0 =	simm.s32 @!p3 $0x0  }
0x15e: {  	p0 =	por $0x1, $0x1;
	s10 =	ssub.s32 s10, s30;
	s8 =	sor.u32 s8, s0  }
.LBB2_32:
0x15f: {  	s0 =	sadd.s32 $0xF, s11  }
0x160: {  	s0 =	sshra.s32 s0, $0x4  }
0x161: {  	p2 =	slt.s32 s0, $0x1  }
.Ltmp28:
0x162: {  	_ = 	snop;
	(pc) =	sbr.rel @p2 .LBB2_33-.Ltmp28, $3  }
0x163: {  	_ =	sdelay $0x1  }
0x164: {  	s1 =	ssub.s32 $0x1E, s28  }
0x165: {  	p4 =	por p0, p0;
	v2 =	vmov s11;
	v3 =	vmov s1;
	p1 =	sne.s32 s0, $0x1;
	s29 =	sadd.s32 $0xFFFFFFFF, s0  }
0x166: {  	s21 =	simm.s32 $0x1000  }
0x167: {  	v4 =	vld [tilespmem:s21+$0x0]  }
.Ltmp29:
0x168: {  	_ = 	snop;
	(pc) =	sbr.rel @!p1 .LBB2_35-.Ltmp29, $4  }
0x169: {  	_ = 	snop  }
0x16a: {  	s0 =	simm.s32 @!p4 $0x0;
	s30 =	simm.s32 $0x0;
	p3 =	por $0x0, $0x0  }
0x16b: {  	p5 =	por $0x0, $0x0;
	p6 =	por $0x0, $0x0;
	s0 =	simm.s32 @p4 $0x1  }
0x16c: {  	p4 =	por $0x0, $0x0;
	[smem:$0x7FC] =	sst s0;
	s0 =	simm.s32 $0x1010;
	v4 =	vshrl.u32 v4, v3  }
0x16d: {  	v5 =	vld [tilespmem:s0+$0x0];
	p0 =	sne.s32 s29, $0x1  }
.Ltmp30:
0x16e: {  	v6 =	vor.u32 s30, v0;
	v4 =	vand.u32 $0x1, v4;
	(pc) =	sbr.rel @!p0 .LBB2_37-.Ltmp30, $4  }
0x16f: {  	vm1 =	vlt.s32 v6, v2;
	vm2 =	veq.s32 v4, $0x1  }
0x170: {  	vm1 =	vmand vm1, vm2  }
0x171: {  	s0 =	sadd.s32 $0xFFFFFFFF, s29;
	v4 =	vsel vm1, $0x1, v1  }
0x172: {  	s1 =	simm.s32 $0x1020;
	s16 =	simm.s32 $0x10;
	p3 =	por $0x1, $0x1;
	(xrf0) =	vadd.scan.msk.s32 $0xffff, v4;
	v4 =	vshrl.u32 v5, v3  }
0x173: {  	_ =	sdelay $0x1  }
0x174: {  	v6 =	vor.u32 s16, v0;
	_ =	sdelay $0x2  }
0x175: {  	vm1 =	vlt.s32 v6, v2;
	v6, _, _ =	vpop (xrf0)  }
0x176: {  	(v2sf) =	vpush v6, $0xF;
	_ =	sdelay $0x6  }
0x177: {  	v5 =	vld [tilespmem:s1+$0x0];
	p0 =	sne.s32 s0, $0x1  }
.Ltmp31:
0x178: {  	v4 =	vand.u32 $0x1, v4;
	(pc) =	sbr.rel @!p0 .LBB2_39-.Ltmp31, $4  }
0x179: {  	vm2 =	veq.s32 v4, $0x1  }
0x17a: {  	vm1 =	vmand vm1, vm2  }
0x17b: {  	s0 =	sadd.s32 $0xFFFFFFFF, s0;
	v4 =	vsel vm1, $0x1, v1  }
0x17c: {  	s1 =	simm.s32 $0x1030;
	s16 =	simm.s32 $0x20;
	p4 =	por $0x1, $0x1;
	(xrf0) =	vadd.scan.msk.s32 $0xffff, v4;
	v4 =	vshrl.u32 v5, v3  }
0x17d: {  	_ =	sdelay $0x1  }
0x17e: {  	v6 =	vor.u32 s16, v0;
	_ =	sdelay $0x2  }
0x17f: {  	vm1 =	vlt.s32 v6, v2;
	v6, _, _ =	vpop (xrf0)  }
0x180: {  	(v2sf) =	vpush v6, $0xF;
	_ =	sdelay $0x3  }
0x181: {  	v5 =	vld [tilespmem:s1+$0x0];
	p0 =	sne.s32 s0, $0x1  }
.Ltmp32:
0x182: {  	v4 =	vand.u32 $0x1, v4;
	(pc) =	sbr.rel @!p0 .LBB2_41-.Ltmp32, $4  }
0x183: {  	vm2 =	veq.s32 v4, $0x1  }
0x184: {  	vm1 =	vmand vm1, vm2  }
0x185: {  	s0 =	sadd.s32 $0xFFFFFFFF, s0;
	v4 =	vsel vm1, $0x1, v1  }
0x186: {  	s1 =	simm.s32 $0x1040;
	s16 =	simm.s32 $0x30;
	p5 =	por $0x1, $0x1;
	(xrf0) =	vadd.scan.msk.s32 $0xffff, v4;
	v4 =	vshrl.u32 v5, v3  }
0x187: {  	_ =	sdelay $0x1  }
0x188: {  	v6 =	vor.u32 s16, v0;
	_ =	sdelay $0x2  }
0x189: {  	vm1 =	vlt.s32 v6, v2;
	v6, _, _ =	vpop (xrf0)  }
0x18a: {  	(v2sf) =	vpush v6, $0xF;
	_ =	sdelay $0x3  }
0x18b: {  	v5 =	vld [tilespmem:s1+$0x0];
	v4 =	vand.u32 $0x1, v4;
	p0 =	sne.s32 s0, $0x1  }
.Ltmp33:
0x18c: {  	vm2 =	veq.s32 v4, $0x1;
	(pc) =	sbr.rel @!p0 .LBB2_43-.Ltmp33, $4  }
0x18d: {  	vm1 =	vmand vm1, vm2  }
0x18e: {  	v4 =	vsel vm1, $0x1, v1  }
0x18f: {  	s1 =	sadd.s32 $0xFFFFFFFF, s0;
	s2 =	simm.s32 $0x1050;
	(xrf0) =	vadd.scan.msk.s32 $0xffff, v4  }
0x190: {  	s16 =	simm.s32 $0x40;
	p6 =	por $0x1, $0x1;
	s0 =	simm.s32 $0x0;
	v4 =	vshrl.u32 v5, v3  }
.LBB2_44:
0x191: {  	v5 =	vld [tilespmem:s2+$0x0];
	p0 =	sne.s32 s1, $0x1;
	s1 =	sadd.s32 $0xFFFFFFFF, s1;
	v6 =	vor.u32 s16, v0;
	v4 =	vand.u32 $0x1, v4  }
.Ltmp34:
0x192: {  	vm1 =	vlt.s32 v6, v2;
	vm2 =	veq.s32 v4, $0x1;
	(pc) =	sbr.rel @p0 .LBB2_44-.Ltmp34, $4  }
0x193: {  	vm1 =	vmand vm1, vm2;
	s3 =	spop (v2sf)  }
0x194: {  	v4 =	vsel vm1, $0x1, v1;
	s0 =	sadd.s32 s0, s3  }
0x195: {  	(xrf0) =	vadd.scan.msk.s32 $0xffff, v4;
	v6, _, _ =	vpop (xrf0)  }
0x196: {  	s2 =	sadd.s32 $0x10, s2;
	s16 =	sadd.s32 $0x10, s16;
	v4 =	vshrl.u32 v5, v3;
	(v2sf) =	vpush v6, $0xF  }
.LBB2_45:
0x197: {  	v5 =	vor.u32 s16, v0;
	v4 =	vand.u32 $0x1, v4  }
0x198: {  	vm1 =	vlt.s32 v5, v2;
	vm2 =	veq.s32 v4, $0x1  }
0x199: {  	vm1 =	vmand vm1, vm2  }
0x19a: {  	v4 =	vsel vm1, $0x1, v1  }
0x19b: {  	(xrf0) =	vadd.scan.msk.s32 $0xffff, v4;
	_ =	sdelay $0x3  }
0x19c: {  	v4, _, _ =	vpop @p3 (xrf0)  }
0x19d: {  	(v2sf) =	vpush @p3 v4, $0xF  }
0x19e: {  	v4, _, _ =	vpop (xrf0)  }
0x19f: {  	(v2sf) =	vpush v4, $0xF;
	_ =	sdelay $0x6  }
0x1a0: {  	s1 =	spop @p6 (v2sf)  }
0x1a1: {  	s0 =	sadd.s32 @p6 s0, s1;
	s1 =	simm.s32 $0x0  }
0x1a2: {  	s1 =	smov.u32 @p6 s0;
	s0 =	spop @p5 (v2sf)  }
0x1a3: {  	s0 =	sadd.s32 @p5 s1, s0;
	s1 =	simm.s32 $0x0  }
0x1a4: {  	s1 =	smov.u32 @p5 s0;
	s0 =	spop @p4 (v2sf)  }
.Ltmp35:
0x1a5: {  	s0 =	sadd.s32 @p4 s1, s0;
	s1 =	simm.s32 $0x0;
	(pc) =	sbr.rel .LBB2_46-.Ltmp35, $4  }
0x1a6: {  	s21 =	sld [smem:$0x7FC];
	s1 =	smov.u32 @p4 s0;
	s0 =	spop @p3 (v2sf)  }
0x1a7: {  	s0 =	sadd.s32 @p3 s1, s0  }
0x1a8: {  	s30 =	smov.u32 @p3 s0;
	s16 =	spop (v2sf)  }
0x1a9: {  	p4 =	seq.s32 s21, $0x1;
	s30 =	sadd.s32 s30, s16  }
.LBB2_33:
0x1aa: {  	s30 =	simm.s32 $0x0  }
.LBB2_46:
.Ltmp36:
0x1ab: {  	(pc) =	sbr.rel @p2 .LBB2_53-.Ltmp36, $2  }
0x1ac: {  	_ =	sdelay $0x2  }
0x1ad: {  	p3 =	sge.s32 s30, s10  }
0x1ae: {  	vm1 =	vmmov vm0  }
0x1af: {  	vm1 =	vmneg @p3 vm1  }
0x1b0: {  	vm1 =	vmneg vm1  }
.Ltmp37:
0x1b1: {  	v4 =	vsel vm1, $0x1, v1;
	(pc) =	sbr.rel @!p1 .LBB2_48-.Ltmp37, $3  }
0x1b2: {  	v4 =	vbroadcast v4, $0x0;
	_ =	sdelay $0x1  }
0x1b3: {  	s0 =	simm.s32 $0x1000;
	v4 =	vand.u32 $0x1, v4  }
0x1b4: {  	s16 =	simm.s32 $0x0;
	p2 =	por $0x0, $0x0;
	vm1 =	veq.s32 v4, $0x1;
	v4 =	vld [tilespmem:s0+$0x0]  }
0x1b5: {  	_ =	sdelay $0x3  }
0x1b6: {  	v5 =	vshrl.u32 v4, v3  }
0x1b7: {  	v5 =	vand.u32 $0x1, v5  }
0x1b8: {  	v6 =	vor.u32 s16, v0;
	vm2 =	veq.s32 v5, $0x1  }
0x1b9: {  	vm3 =	vlt.s32 v6, v2;
	vm2 =	vmxor vm1, vm2  }
0x1ba: {  	vm2 =	vmand vm3, vm2  }
0x1bb: {  	v5 =	vsel vm2, $0x1, v1  }
0x1bc: {  	(xrf0) =	vadd.scan.msk.s32 $0xffff, v5;
	_ =	sdelay $0x2  }
0x1bd: {  	v5 =	vmov s16  }
0x1be: {  	v5 =	vadd.s32 $0xFFFFFFFF, v5  }
0x1bf: {  	v5 =	vbroadcast v5, $0x0  }
0x1c0: {  	v6, _, _ =	vpop (xrf0)  }
0x1c1: {  	v5 =	vadd.s32 v6, v5;
	(v2sf) =	vpush v6, $0xF  }
0x1c2: {  	p0 =	sne.s32 s29, $0x1  }
.Ltmp38:
0x1c3: {  	_ = 	snop;
	(pc) =	sbr.rel @!p0 .LBB2_50-.Ltmp38, $3  }
0x1c4: {  	_ =	sdelay $0x1  }
0x1c5: {  	s1 =	simm.s32 $0x1010;
	s2 =	sadd.s32 $0xFFFFFFFF, s29;
	[tilespmem:v5+s24+$0x0] =	vst.idx.msk vm2, v4  }
0x1c6: {  	p2 =	por $0x1, $0x1;
	s0 =	simm.s32 $0x0;
	s29 =	simm.s32 $0x0;
	v4 =	vld [tilespmem:s1+$0x0]  }
.LBB2_51:
0x1c7: {  	p1 =	sne.s32 s2, $0x1;
	_ =	sdelay $0x3  }
0x1c8: {  	v5 =	vshrl.u32 v4, v3  }
0x1c9: {  	s0 =	sadd.s32 $0x10, s0;
	v5 =	vand.u32 $0x1, v5  }
0x1ca: {  	v6 =	vor.u32 s0, v0;
	vm2 =	veq.s32 v5, $0x1  }
0x1cb: {  	vm3 =	vlt.s32 v6, v2;
	vm2 =	vmxor vm1, vm2  }
0x1cc: {  	vm2 =	vmand vm3, vm2;
	s3 =	spop (v2sf)  }
0x1cd: {  	v5 =	vsel vm2, $0x1, v1;
	s29 =	sadd.s32 s29, s3  }
0x1ce: {  	v6 =	vmov s29;
	(xrf0) =	vadd.scan.msk.s32 $0xffff, v5  }
0x1cf: {  	v5 =	vadd.s32 $0xFFFFFFFF, v6  }
0x1d0: {  	v5 =	vbroadcast v5, $0x0;
	_ =	sdelay $0x3  }
0x1d1: {  	v6, _, _ =	vpop (xrf0)  }
0x1d2: {  	v5 =	vadd.s32 v6, v5;
	(v2sf) =	vpush v6, $0xF;
	_ =	sdelay $0x1  }
.Ltmp39:
0x1d3: {  	(pc) =	sbr.rel @p1 .LBB2_51-.Ltmp39, $3  }
0x1d4: {  	_ =	sdelay $0x1  }
0x1d5: {  	s1 =	sadd.s32 $0x10, s1;
	[tilespmem:v5+s24+$0x0] =	vst.idx.msk vm2, v4  }
0x1d6: {  	s2 =	sadd.s32 $0xFFFFFFFF, s2;
	v4 =	vld [tilespmem:s1+$0x0]  }
.LBB2_52:
0x1d7: {  	_ =	sdelay $0x3  }
0x1d8: {  	s0 =	sadd.s32 @p2 $0x10, s0;
	s1 =	simm.s32 $0x0;
	v3 =	vshrl.u32 v4, v3  }
0x1d9: {  	s1 =	smov.u32 @p2 s0;
	v3 =	vand.u32 $0x1, v3  }
0x1da: {  	v5 =	vor.u32 s1, v0;
	vm2 =	veq.s32 v3, $0x1  }
0x1db: {  	vm3 =	vlt.s32 v5, v2;
	vm1 =	vmxor vm1, vm2  }
0x1dc: {  	vm1 =	vmand vm3, vm1  }
0x1dd: {  	v2 =	vsel vm1, $0x1, v1  }
0x1de: {  	(xrf0) =	vadd.scan.msk.s32 $0xffff, v2;
	_ =	sdelay $0x5  }
0x1df: {  	v2, _, _ =	vpop (xrf0)  }
0x1e0: {  	(v2sf) =	vpush v2, $0xF;
	_ =	sdelay $0x2  }
0x1e1: {  	s0 =	spop @p2 (v2sf)  }
0x1e2: {  	s0 =	sadd.s32 @p2 s29, s0  }
0x1e3: {  	s16 =	smov.u32 @p2 s0  }
0x1e4: {  	v3 =	vmov s16  }
0x1e5: {  	v3 =	vadd.s32 $0xFFFFFFFF, v3  }
0x1e6: {  	v3 =	vbroadcast v3, $0x0;
	_ =	sdelay $0x1  }
0x1e7: {  	v2 =	vadd.s32 v2, v3;
	_ =	sdelay $0x4  }
0x1e8: {  	[tilespmem:v2+s24+$0x0] =	vst.idx.msk vm1, v4;
	s29 =	spop (v2sf)  }
.LBB2_53:
0x1e9: {  	s11 =	ssub.s32 s11, s30  }
0x1ea: {  	s11 =	smov.u32 @p3 s30  }
0x1eb: {  	s0 =	sadd.s32 $0xF, s11  }
0x1ec: {  	s1 =	sshra.s32 s0, $0x4  }
0x1ed: {  	p0 =	slt.s32 s1, $0x1  }
.Ltmp40:
0x1ee: {  	_ = 	snop;
	(pc) =	sbr.rel @p0 .LBB2_56-.Ltmp40, $1  }
0x1ef: {  	_ =	sdelay $0x3  }
0x1f0: {  	s0 =	simm.s32 $0x1E00  }
0x1f1: {  	p0 =	sne.s32 s1, $0x1;
	v2 =	vld [tilespmem:s0+$0x0]  }
.Ltmp41:
0x1f2: {  	_ = 	snop;
	(pc) =	sbr.rel @!p0 .LBB2_56-.Ltmp41, $3  }
0x1f3: {  	_ =	sdelay $0x1  }
0x1f4: {  	s0 =	simm.s32 $0x1000  }
0x1f5: {  	s1 =	sadd.s32 $0xFFFFFFFF, s1;
	s2 =	simm.s32 $0x1E10;
	[tilespmem:s0+$0x0] =	vst v2  }
.LBB2_55:
0x1f6: {  	v2 =	vld [tilespmem:s2+$0x0];
	p0 =	sne.s32 s1, $0x1;
	s1 =	sadd.s32 $0xFFFFFFFF, s1  }
.Ltmp42:
0x1f7: {  	(pc) =	sbr.rel @p0 .LBB2_55-.Ltmp42, $3  }
0x1f8: {  	_ =	sdelay $0x1  }
0x1f9: {  	s0 =	sadd.s32 $0x10, s0  }
0x1fa: {  	s2 =	sadd.s32 $0x10, s2;
	[tilespmem:s0+$0x0] =	vst v2  }
.Ltmp43:
0x1fb: {  	_ = 	snop;
	(pc) =	sbr.rel .LBB2_56-.Ltmp43, $1  }
0x1fc: {  	_ =	sdelay $0x3  }
.LBB2_35:
.Ltmp44:
0x1fd: {  	(pc) =	sbr.rel .LBB2_45-.Ltmp44, $2  }
0x1fe: {  	_ =	sdelay $0x2  }
0x1ff: {  	s16 =	simm.s32 $0x0;
	s0 =	simm.s32 $0x0  }
.LBB2_48:
.Ltmp45:
0x200: {  	(pc) =	sbr.rel .LBB2_52-.Ltmp45, $2  }
0x201: {  	_ =	sdelay $0x2  }
0x202: {  	s0 =	simm.s32 $0x0;
	s29 =	simm.s32 $0x0  }
.LBB2_37:
.Ltmp46:
0x203: {  	(pc) =	sbr.rel .LBB2_45-.Ltmp46, $2  }
0x204: {  	_ =	sdelay $0x2  }
0x205: {  	s0 =	simm.s32 $0x0  }
.LBB2_50:
.Ltmp47:
0x206: {  	(pc) =	sbr.rel .LBB2_52-.Ltmp47, $2  }
0x207: {  	_ =	sdelay $0x2  }
0x208: {  	s0 =	simm.s32 $0x0;
	s29 =	simm.s32 $0x0  }
.LBB2_39:
.Ltmp48:
0x209: {  	(pc) =	sbr.rel .LBB2_45-.Ltmp48, $2  }
0x20a: {  	_ =	sdelay $0x2  }
0x20b: {  	s0 =	simm.s32 $0x0  }
.LBB2_41:
.Ltmp49:
0x20c: {  	(pc) =	sbr.rel .LBB2_45-.Ltmp49, $2  }
0x20d: {  	_ =	sdelay $0x3  }
0x20e: {  	s0 =	simm.s32 $0x0  }
.LBB2_43:
.Ltmp50:
0x20f: {  	(pc) =	sbr.rel .LBB2_45-.Ltmp50, $2  }
0x210: {  	_ =	sdelay $0x2  }
0x211: {  	s0 =	simm.s32 $0x0  }
.LBB2_57:
0x212: {  	_ =	swait.ge [sflag:s22], $0x4000  }
0x213: {  	s9 =	sor.u32 $0xF800, s9;
	[sflag:s22] =	ssyncset.done $0x0  }
0x214: {  	s1 =	simm.s32 $0xB400;
	s0 =	sadd.s32 s4, s9;
	[sflag:s22] =	ssyncadd.s32 $0xFFFFC000  }
0x215: {  	[tilespmem:s1], [sflag:$0x1] =	stream.linear.gather [hbm4b:s0+s5], $0x4000, $0x38;
	[tilespmem:$0x13400] =	vst v63  }
0x216: {  	_ =	swait.ge [sflag:s19], $0x4000  }
.Ltmp51:
0x217: {  	[sflag:s19] =	ssyncset.done $0x0;
	(pc) =	sbr.rel .LBB2_58-.Ltmp51, $4  }
0x218: {  	s30 =	smov.u32 s4;
	[sflag:s19] =	ssyncadd.s32 $0xFFFFC000  }
0x219: {  	s21 =	simm.s32 $0x7400;
	p0 =	por $0x0, $0x0;
	s29 =	rddreg [dreg:$0x4]  }
0x21a: {  	s4 =	smov.u32 s17;
	s0 =	sadd.s32 s29, s15;
	s15 =	simm.s32 $0x4  }
0x21b: {  	[hbm4b:s0+s5] =	stream.linear.scatter [tilespmem:s21], [sflag:$0x2], $0x4000, $0x38;
	[tilespmem:$0x13400] =	vst v63  }
.LBB2_82:
.Ltmp52:
0x21c: {  	(pc) =	sbr.rel @p4 .LBB2_83-.Ltmp52, $4  }
0x21d: {  	_ = 	snop  }
0x21e: {  	s0 =	sshrl.u32 s23, s15  }
0x21f: {  	s29 =	simm.s32 @p3 $0x0;
	s15 =	simm.s32 $0x5;
	s0 =	simm.s32 @!p3 $0x0  }
0x220: {  	p0 =	por $0x1, $0x1;
	s10 =	ssub.s32 s10, s29;
	s8 =	sor.u32 s8, s0  }
.LBB2_58:
0x221: {  	s0 =	sadd.s32 $0xF, s11  }
0x222: {  	s0 =	sshra.s32 s0, $0x4  }
0x223: {  	p2 =	slt.s32 s0, $0x1  }
.Ltmp53:
0x224: {  	_ = 	snop;
	(pc) =	sbr.rel @p2 .LBB2_59-.Ltmp53, $3  }
0x225: {  	_ =	sdelay $0x1  }
0x226: {  	s1 =	ssub.s32 $0x1E, s15  }
0x227: {  	p4 =	por p0, p0;
	v2 =	vmov s11;
	v3 =	vmov s1;
	p1 =	sne.s32 s0, $0x1;
	s28 =	sadd.s32 $0xFFFFFFFF, s0  }
0x228: {  	s17 =	simm.s32 $0x1000  }
0x229: {  	v4 =	vld [tilespmem:s17+$0x0]  }
.Ltmp54:
0x22a: {  	_ = 	snop;
	(pc) =	sbr.rel @!p1 .LBB2_61-.Ltmp54, $4  }
0x22b: {  	_ = 	snop  }
0x22c: {  	s0 =	simm.s32 @!p4 $0x0;
	s29 =	simm.s32 $0x0;
	p3 =	por $0x0, $0x0  }
0x22d: {  	p5 =	por $0x0, $0x0;
	p6 =	por $0x0, $0x0;
	s0 =	simm.s32 @p4 $0x1  }
0x22e: {  	p4 =	por $0x0, $0x0;
	[smem:$0x7FB] =	sst s0;
	s0 =	simm.s32 $0x1010;
	v4 =	vshrl.u32 v4, v3  }
0x22f: {  	v5 =	vld [tilespmem:s0+$0x0];
	p0 =	sne.s32 s28, $0x1  }
.Ltmp55:
0x230: {  	v6 =	vor.u32 s29, v0;
	v4 =	vand.u32 $0x1, v4;
	(pc) =	sbr.rel @!p0 .LBB2_63-.Ltmp55, $4  }
0x231: {  	vm1 =	vlt.s32 v6, v2;
	vm2 =	veq.s32 v4, $0x1  }
0x232: {  	vm1 =	vmand vm1, vm2  }
0x233: {  	s0 =	sadd.s32 $0xFFFFFFFF, s28;
	v4 =	vsel vm1, $0x1, v1  }
0x234: {  	s1 =	simm.s32 $0x1020;
	s16 =	simm.s32 $0x10;
	p3 =	por $0x1, $0x1;
	(xrf0) =	vadd.scan.msk.s32 $0xffff, v4;
	v4 =	vshrl.u32 v5, v3  }
0x235: {  	_ =	sdelay $0x1  }
0x236: {  	v6 =	vor.u32 s16, v0;
	_ =	sdelay $0x2  }
0x237: {  	vm1 =	vlt.s32 v6, v2;
	v6, _, _ =	vpop (xrf0)  }
0x238: {  	(v2sf) =	vpush v6, $0xF;
	_ =	sdelay $0x6  }
0x239: {  	v5 =	vld [tilespmem:s1+$0x0];
	p0 =	sne.s32 s0, $0x1  }
.Ltmp56:
0x23a: {  	v4 =	vand.u32 $0x1, v4;
	(pc) =	sbr.rel @!p0 .LBB2_65-.Ltmp56, $4  }
0x23b: {  	vm2 =	veq.s32 v4, $0x1  }
0x23c: {  	vm1 =	vmand vm1, vm2  }
0x23d: {  	s0 =	sadd.s32 $0xFFFFFFFF, s0;
	v4 =	vsel vm1, $0x1, v1  }
0x23e: {  	s1 =	simm.s32 $0x1030;
	s16 =	simm.s32 $0x20;
	p4 =	por $0x1, $0x1;
	(xrf0) =	vadd.scan.msk.s32 $0xffff, v4;
	v4 =	vshrl.u32 v5, v3  }
0x23f: {  	_ =	sdelay $0x1  }
0x240: {  	v6 =	vor.u32 s16, v0;
	_ =	sdelay $0x2  }
0x241: {  	vm1 =	vlt.s32 v6, v2;
	v6, _, _ =	vpop (xrf0)  }
0x242: {  	(v2sf) =	vpush v6, $0xF;
	_ =	sdelay $0x3  }
0x243: {  	v5 =	vld [tilespmem:s1+$0x0];
	p0 =	sne.s32 s0, $0x1  }
.Ltmp57:
0x244: {  	v4 =	vand.u32 $0x1, v4;
	(pc) =	sbr.rel @!p0 .LBB2_67-.Ltmp57, $4  }
0x245: {  	vm2 =	veq.s32 v4, $0x1  }
0x246: {  	vm1 =	vmand vm1, vm2  }
0x247: {  	s0 =	sadd.s32 $0xFFFFFFFF, s0;
	v4 =	vsel vm1, $0x1, v1  }
0x248: {  	s1 =	simm.s32 $0x1040;
	s16 =	simm.s32 $0x30;
	p5 =	por $0x1, $0x1;
	(xrf0) =	vadd.scan.msk.s32 $0xffff, v4;
	v4 =	vshrl.u32 v5, v3  }
0x249: {  	_ =	sdelay $0x1  }
0x24a: {  	v6 =	vor.u32 s16, v0;
	_ =	sdelay $0x2  }
0x24b: {  	vm1 =	vlt.s32 v6, v2;
	v6, _, _ =	vpop (xrf0)  }
0x24c: {  	(v2sf) =	vpush v6, $0xF;
	_ =	sdelay $0x3  }
0x24d: {  	v5 =	vld [tilespmem:s1+$0x0];
	v4 =	vand.u32 $0x1, v4;
	p0 =	sne.s32 s0, $0x1  }
.Ltmp58:
0x24e: {  	vm2 =	veq.s32 v4, $0x1;
	(pc) =	sbr.rel @!p0 .LBB2_69-.Ltmp58, $4  }
0x24f: {  	vm1 =	vmand vm1, vm2  }
0x250: {  	v4 =	vsel vm1, $0x1, v1  }
0x251: {  	s1 =	sadd.s32 $0xFFFFFFFF, s0;
	s2 =	simm.s32 $0x1050;
	(xrf0) =	vadd.scan.msk.s32 $0xffff, v4  }
0x252: {  	s16 =	simm.s32 $0x40;
	p6 =	por $0x1, $0x1;
	s0 =	simm.s32 $0x0;
	v4 =	vshrl.u32 v5, v3  }
.LBB2_70:
0x253: {  	v5 =	vld [tilespmem:s2+$0x0];
	p0 =	sne.s32 s1, $0x1;
	s1 =	sadd.s32 $0xFFFFFFFF, s1;
	v6 =	vor.u32 s16, v0;
	v4 =	vand.u32 $0x1, v4  }
.Ltmp59:
0x254: {  	vm1 =	vlt.s32 v6, v2;
	vm2 =	veq.s32 v4, $0x1;
	(pc) =	sbr.rel @p0 .LBB2_70-.Ltmp59, $4  }
0x255: {  	vm1 =	vmand vm1, vm2;
	s3 =	spop (v2sf)  }
0x256: {  	v4 =	vsel vm1, $0x1, v1;
	s0 =	sadd.s32 s0, s3  }
0x257: {  	(xrf0) =	vadd.scan.msk.s32 $0xffff, v4;
	v6, _, _ =	vpop (xrf0)  }
0x258: {  	s2 =	sadd.s32 $0x10, s2;
	s16 =	sadd.s32 $0x10, s16;
	v4 =	vshrl.u32 v5, v3;
	(v2sf) =	vpush v6, $0xF  }
.LBB2_71:
0x259: {  	v5 =	vor.u32 s16, v0;
	v4 =	vand.u32 $0x1, v4  }
0x25a: {  	vm1 =	vlt.s32 v5, v2;
	vm2 =	veq.s32 v4, $0x1  }
0x25b: {  	vm1 =	vmand vm1, vm2  }
0x25c: {  	v4 =	vsel vm1, $0x1, v1  }
0x25d: {  	(xrf0) =	vadd.scan.msk.s32 $0xffff, v4;
	_ =	sdelay $0x3  }
0x25e: {  	v4, _, _ =	vpop @p3 (xrf0)  }
0x25f: {  	(v2sf) =	vpush @p3 v4, $0xF  }
0x260: {  	v4, _, _ =	vpop (xrf0)  }
0x261: {  	(v2sf) =	vpush v4, $0xF;
	_ =	sdelay $0x6  }
0x262: {  	s1 =	spop @p6 (v2sf)  }
0x263: {  	s0 =	sadd.s32 @p6 s0, s1;
	s1 =	simm.s32 $0x0  }
0x264: {  	s1 =	smov.u32 @p6 s0;
	s0 =	spop @p5 (v2sf)  }
0x265: {  	s0 =	sadd.s32 @p5 s1, s0;
	s1 =	simm.s32 $0x0  }
0x266: {  	s1 =	smov.u32 @p5 s0;
	s0 =	spop @p4 (v2sf)  }
.Ltmp60:
0x267: {  	s0 =	sadd.s32 @p4 s1, s0;
	s1 =	simm.s32 $0x0;
	(pc) =	sbr.rel .LBB2_72-.Ltmp60, $4  }
0x268: {  	s17 =	sld [smem:$0x7FB];
	s1 =	smov.u32 @p4 s0;
	s0 =	spop @p3 (v2sf)  }
0x269: {  	s0 =	sadd.s32 @p3 s1, s0  }
0x26a: {  	s29 =	smov.u32 @p3 s0;
	s16 =	spop (v2sf)  }
0x26b: {  	p4 =	seq.s32 s17, $0x1;
	s29 =	sadd.s32 s29, s16  }
.LBB2_59:
0x26c: {  	s29 =	simm.s32 $0x0  }
.LBB2_72:
.Ltmp61:
0x26d: {  	(pc) =	sbr.rel @p2 .LBB2_79-.Ltmp61, $2  }
0x26e: {  	_ =	sdelay $0x2  }
0x26f: {  	p3 =	sge.s32 s29, s10  }
0x270: {  	vm1 =	vmmov vm0  }
0x271: {  	vm1 =	vmneg @p3 vm1  }
0x272: {  	vm1 =	vmneg vm1  }
.Ltmp62:
0x273: {  	v4 =	vsel vm1, $0x1, v1;
	(pc) =	sbr.rel @!p1 .LBB2_74-.Ltmp62, $3  }
0x274: {  	v4 =	vbroadcast v4, $0x0;
	_ =	sdelay $0x1  }
0x275: {  	s0 =	simm.s32 $0x1000;
	v4 =	vand.u32 $0x1, v4  }
0x276: {  	s16 =	simm.s32 $0x0;
	p2 =	por $0x0, $0x0;
	vm1 =	veq.s32 v4, $0x1;
	v4 =	vld [tilespmem:s0+$0x0]  }
0x277: {  	_ =	sdelay $0x3  }
0x278: {  	v5 =	vshrl.u32 v4, v3  }
0x279: {  	v5 =	vand.u32 $0x1, v5  }
0x27a: {  	v6 =	vor.u32 s16, v0;
	vm2 =	veq.s32 v5, $0x1  }
0x27b: {  	vm3 =	vlt.s32 v6, v2;
	vm2 =	vmxor vm1, vm2  }
0x27c: {  	vm2 =	vmand vm3, vm2  }
0x27d: {  	v5 =	vsel vm2, $0x1, v1  }
0x27e: {  	(xrf0) =	vadd.scan.msk.s32 $0xffff, v5;
	_ =	sdelay $0x2  }
0x27f: {  	v5 =	vmov s16  }
0x280: {  	v5 =	vadd.s32 $0xFFFFFFFF, v5  }
0x281: {  	v5 =	vbroadcast v5, $0x0  }
0x282: {  	v6, _, _ =	vpop (xrf0)  }
0x283: {  	v5 =	vadd.s32 v6, v5;
	(v2sf) =	vpush v6, $0xF  }
0x284: {  	p0 =	sne.s32 s28, $0x1  }
.Ltmp63:
0x285: {  	_ = 	snop;
	(pc) =	sbr.rel @!p0 .LBB2_76-.Ltmp63, $3  }
0x286: {  	_ =	sdelay $0x1  }
0x287: {  	s1 =	simm.s32 $0x1010;
	s2 =	sadd.s32 $0xFFFFFFFF, s28;
	[tilespmem:v5+s24+$0x0] =	vst.idx.msk vm2, v4  }
0x288: {  	p2 =	por $0x1, $0x1;
	s0 =	simm.s32 $0x0;
	s28 =	simm.s32 $0x0;
	v4 =	vld [tilespmem:s1+$0x0]  }
.LBB2_77:
0x289: {  	p1 =	sne.s32 s2, $0x1;
	_ =	sdelay $0x3  }
0x28a: {  	v5 =	vshrl.u32 v4, v3  }
0x28b: {  	s0 =	sadd.s32 $0x10, s0;
	v5 =	vand.u32 $0x1, v5  }
0x28c: {  	v6 =	vor.u32 s0, v0;
	vm2 =	veq.s32 v5, $0x1  }
0x28d: {  	vm3 =	vlt.s32 v6, v2;
	vm2 =	vmxor vm1, vm2  }
0x28e: {  	vm2 =	vmand vm3, vm2;
	s3 =	spop (v2sf)  }
0x28f: {  	v5 =	vsel vm2, $0x1, v1;
	s28 =	sadd.s32 s28, s3  }
0x290: {  	v6 =	vmov s28;
	(xrf0) =	vadd.scan.msk.s32 $0xffff, v5  }
0x291: {  	v5 =	vadd.s32 $0xFFFFFFFF, v6  }
0x292: {  	v5 =	vbroadcast v5, $0x0;
	_ =	sdelay $0x3  }
0x293: {  	v6, _, _ =	vpop (xrf0)  }
0x294: {  	v5 =	vadd.s32 v6, v5;
	(v2sf) =	vpush v6, $0xF;
	_ =	sdelay $0x1  }
.Ltmp64:
0x295: {  	(pc) =	sbr.rel @p1 .LBB2_77-.Ltmp64, $3  }
0x296: {  	_ =	sdelay $0x1  }
0x297: {  	s1 =	sadd.s32 $0x10, s1;
	[tilespmem:v5+s24+$0x0] =	vst.idx.msk vm2, v4  }
0x298: {  	s2 =	sadd.s32 $0xFFFFFFFF, s2;
	v4 =	vld [tilespmem:s1+$0x0]  }
.LBB2_78:
0x299: {  	_ =	sdelay $0x3  }
0x29a: {  	s0 =	sadd.s32 @p2 $0x10, s0;
	s1 =	simm.s32 $0x0;
	v3 =	vshrl.u32 v4, v3  }
0x29b: {  	s1 =	smov.u32 @p2 s0;
	v3 =	vand.u32 $0x1, v3  }
0x29c: {  	v5 =	vor.u32 s1, v0;
	vm2 =	veq.s32 v3, $0x1  }
0x29d: {  	vm3 =	vlt.s32 v5, v2;
	vm1 =	vmxor vm1, vm2  }
0x29e: {  	vm1 =	vmand vm3, vm1  }
0x29f: {  	v2 =	vsel vm1, $0x1, v1  }
0x2a0: {  	(xrf0) =	vadd.scan.msk.s32 $0xffff, v2;
	_ =	sdelay $0x5  }
0x2a1: {  	v2, _, _ =	vpop (xrf0)  }
0x2a2: {  	(v2sf) =	vpush v2, $0xF;
	_ =	sdelay $0x2  }
0x2a3: {  	s0 =	spop @p2 (v2sf)  }
0x2a4: {  	s0 =	sadd.s32 @p2 s28, s0  }
0x2a5: {  	s16 =	smov.u32 @p2 s0  }
0x2a6: {  	v3 =	vmov s16  }
0x2a7: {  	v3 =	vadd.s32 $0xFFFFFFFF, v3  }
0x2a8: {  	v3 =	vbroadcast v3, $0x0;
	_ =	sdelay $0x1  }
0x2a9: {  	v2 =	vadd.s32 v2, v3;
	_ =	sdelay $0x4  }
0x2aa: {  	[tilespmem:v2+s24+$0x0] =	vst.idx.msk vm1, v4;
	s28 =	spop (v2sf)  }
.LBB2_79:
0x2ab: {  	s11 =	ssub.s32 s11, s29  }
0x2ac: {  	s11 =	smov.u32 @p3 s29  }
0x2ad: {  	s0 =	sadd.s32 $0xF, s11  }
0x2ae: {  	s1 =	sshra.s32 s0, $0x4  }
0x2af: {  	p0 =	slt.s32 s1, $0x1  }
.Ltmp65:
0x2b0: {  	_ = 	snop;
	(pc) =	sbr.rel @p0 .LBB2_82-.Ltmp65, $1  }
0x2b1: {  	_ =	sdelay $0x3  }
0x2b2: {  	s0 =	simm.s32 $0x1E00  }
0x2b3: {  	p0 =	sne.s32 s1, $0x1;
	v2 =	vld [tilespmem:s0+$0x0]  }
.Ltmp66:
0x2b4: {  	_ = 	snop;
	(pc) =	sbr.rel @!p0 .LBB2_82-.Ltmp66, $3  }
0x2b5: {  	_ =	sdelay $0x1  }
0x2b6: {  	s0 =	simm.s32 $0x1000  }
0x2b7: {  	s1 =	sadd.s32 $0xFFFFFFFF, s1;
	s2 =	simm.s32 $0x1E10;
	[tilespmem:s0+$0x0] =	vst v2  }
.LBB2_81:
0x2b8: {  	v2 =	vld [tilespmem:s2+$0x0];
	p0 =	sne.s32 s1, $0x1;
	s1 =	sadd.s32 $0xFFFFFFFF, s1  }
.Ltmp67:
0x2b9: {  	(pc) =	sbr.rel @p0 .LBB2_81-.Ltmp67, $3  }
0x2ba: {  	_ =	sdelay $0x1  }
0x2bb: {  	s0 =	sadd.s32 $0x10, s0  }
0x2bc: {  	s2 =	sadd.s32 $0x10, s2;
	[tilespmem:s0+$0x0] =	vst v2  }
.Ltmp68:
0x2bd: {  	_ = 	snop;
	(pc) =	sbr.rel .LBB2_82-.Ltmp68, $1  }
0x2be: {  	_ =	sdelay $0x3  }
.LBB2_61:
.Ltmp69:
0x2bf: {  	(pc) =	sbr.rel .LBB2_71-.Ltmp69, $2  }
0x2c0: {  	_ =	sdelay $0x2  }
0x2c1: {  	s16 =	simm.s32 $0x0;
	s0 =	simm.s32 $0x0  }
.LBB2_74:
.Ltmp70:
0x2c2: {  	(pc) =	sbr.rel .LBB2_78-.Ltmp70, $2  }
0x2c3: {  	_ =	sdelay $0x2  }
0x2c4: {  	s0 =	simm.s32 $0x0;
	s28 =	simm.s32 $0x0  }
.LBB2_63:
.Ltmp71:
0x2c5: {  	(pc) =	sbr.rel .LBB2_71-.Ltmp71, $2  }
0x2c6: {  	_ =	sdelay $0x2  }
0x2c7: {  	s0 =	simm.s32 $0x0  }
.LBB2_76:
.Ltmp72:
0x2c8: {  	(pc) =	sbr.rel .LBB2_78-.Ltmp72, $2  }
0x2c9: {  	_ =	sdelay $0x2  }
0x2ca: {  	s0 =	simm.s32 $0x0;
	s28 =	simm.s32 $0x0  }
.LBB2_65:
.Ltmp73:
0x2cb: {  	(pc) =	sbr.rel .LBB2_71-.Ltmp73, $2  }
0x2cc: {  	_ =	sdelay $0x2  }
0x2cd: {  	s0 =	simm.s32 $0x0  }
.LBB2_67:
.Ltmp74:
0x2ce: {  	(pc) =	sbr.rel .LBB2_71-.Ltmp74, $2  }
0x2cf: {  	_ =	sdelay $0x3  }
0x2d0: {  	s0 =	simm.s32 $0x0  }
.LBB2_69:
.Ltmp75:
0x2d1: {  	(pc) =	sbr.rel .LBB2_71-.Ltmp75, $2  }
0x2d2: {  	_ =	sdelay $0x2  }
0x2d3: {  	s0 =	simm.s32 $0x0  }
.LBB2_83:
0x2d4: {  	_ =	swait.ge [sflag:s22], $0x4000  }
0x2d5: {  	[sflag:s22] =	ssyncset.done $0x0  }
0x2d6: {  	s0 =	sadd.s32 s4, s9;
	[sflag:s22] =	ssyncadd.s32 $0xFFFFC000  }
0x2d7: {  	[tilespmem:s20], [sflag:$0x1] =	stream.linear.gather [hbm4b:s0+s5], $0x4000, $0x38;
	[tilespmem:$0x13400] =	vst v63  }
.Ltmp76:
0x2d8: {  	_ = 	snop;
	(pc) =	sbr.rel .LBB2_84-.Ltmp76, $4  }
0x2d9: {  	_ =	swait.ge [sflag:s19], $0x4000  }
0x2da: {  	s9 =	sor.u32 $0x3800, s12;
	s1 =	simm.s32 $0xB400;
	[sflag:s19] =	ssyncset.done $0x0  }
0x2db: {  	s15 =	simm.s32 $0x6;
	s29 =	sadd.s32 s18, s9;
	[sflag:s19] =	ssyncadd.s32 $0xFFFFC000  }
0x2dc: {  	[hbm4b:s29+s5] =	stream.linear.scatter [tilespmem:s1], [sflag:$0x2], $0x4000, $0x38;
	[tilespmem:$0x13400] =	vst v63  }
.LBB2_108:
0x2dd: {  	s0 =	sshrl.u32 s23, s15;
	s15 =	sadd.s32 $0x1, s15  }
0x2de: {  	p0 =	sne.s32 s15, $0x1F  }
.Ltmp77:
0x2df: {  	_ = 	snop;
	(pc) =	sbr.rel @!p0 .LBB2_109-.Ltmp77, $3  }
0x2e0: {  	_ =	sdelay $0x1  }
0x2e1: {  	s29 =	simm.s32 @p2 $0x0;
	s0 =	simm.s32 @!p2 $0x0  }
0x2e2: {  	s10 =	ssub.s32 s10, s29;
	s8 =	sor.u32 s8, s0  }
.LBB2_84:
0x2e3: {  	s0 =	sadd.s32 $0xF, s11  }
0x2e4: {  	s0 =	sshra.s32 s0, $0x4  }
0x2e5: {  	p1 =	slt.s32 s0, $0x1  }
.Ltmp78:
0x2e6: {  	_ = 	snop;
	(pc) =	sbr.rel @p1 .LBB2_85-.Ltmp78, $3  }
0x2e7: {  	_ =	sdelay $0x1  }
0x2e8: {  	s1 =	ssub.s32 $0x1E, s15  }
0x2e9: {  	v2 =	vmov s11;
	v3 =	vmov s1;
	p0 =	sne.s32 s0, $0x1;
	s28 =	sadd.s32 $0xFFFFFFFF, s0  }
0x2ea: {  	s0 =	simm.s32 $0x1000  }
0x2eb: {  	v4 =	vld [tilespmem:s0+$0x0]  }
.Ltmp79:
0x2ec: {  	_ = 	snop;
	(pc) =	sbr.rel @!p0 .LBB2_87-.Ltmp79, $3  }
0x2ed: {  	_ =	sdelay $0x1  }
0x2ee: {  	s29 =	simm.s32 $0x0;
	p2 =	por $0x0, $0x0;
	p3 =	por $0x0, $0x0  }
0x2ef: {  	p4 =	por $0x0, $0x0;
	p5 =	por $0x0, $0x0;
	s0 =	simm.s32 $0x1010;
	v4 =	vshrl.u32 v4, v3  }
0x2f0: {  	v5 =	vld [tilespmem:s0+$0x0];
	p6 =	sne.s32 s28, $0x1  }
.Ltmp80:
0x2f1: {  	v6 =	vor.u32 s29, v0;
	v4 =	vand.u32 $0x1, v4;
	(pc) =	sbr.rel @!p6 .LBB2_89-.Ltmp80, $4  }
0x2f2: {  	vm1 =	vlt.s32 v6, v2;
	vm2 =	veq.s32 v4, $0x1  }
0x2f3: {  	vm1 =	vmand vm1, vm2  }
0x2f4: {  	s0 =	sadd.s32 $0xFFFFFFFF, s28;
	v4 =	vsel vm1, $0x1, v1  }
0x2f5: {  	s1 =	simm.s32 $0x1020;
	s16 =	simm.s32 $0x10;
	p2 =	por $0x1, $0x1;
	(xrf0) =	vadd.scan.msk.s32 $0xffff, v4;
	v4 =	vshrl.u32 v5, v3  }
0x2f6: {  	_ =	sdelay $0x1  }
0x2f7: {  	v6 =	vor.u32 s16, v0;
	_ =	sdelay $0x2  }
0x2f8: {  	vm1 =	vlt.s32 v6, v2;
	v6, _, _ =	vpop (xrf0)  }
0x2f9: {  	(v2sf) =	vpush v6, $0xF;
	_ =	sdelay $0x6  }
0x2fa: {  	v5 =	vld [tilespmem:s1+$0x0];
	p6 =	sne.s32 s0, $0x1  }
.Ltmp81:
0x2fb: {  	v4 =	vand.u32 $0x1, v4;
	(pc) =	sbr.rel @!p6 .LBB2_91-.Ltmp81, $4  }
0x2fc: {  	vm2 =	veq.s32 v4, $0x1  }
0x2fd: {  	vm1 =	vmand vm1, vm2  }
0x2fe: {  	s0 =	sadd.s32 $0xFFFFFFFF, s0;
	v4 =	vsel vm1, $0x1, v1  }
0x2ff: {  	s1 =	simm.s32 $0x1030;
	s16 =	simm.s32 $0x20;
	p3 =	por $0x1, $0x1;
	(xrf0) =	vadd.scan.msk.s32 $0xffff, v4;
	v4 =	vshrl.u32 v5, v3  }
0x300: {  	_ =	sdelay $0x1  }
0x301: {  	v6 =	vor.u32 s16, v0;
	_ =	sdelay $0x2  }
0x302: {  	vm1 =	vlt.s32 v6, v2;
	v6, _, _ =	vpop (xrf0)  }
0x303: {  	(v2sf) =	vpush v6, $0xF;
	_ =	sdelay $0x3  }
0x304: {  	v5 =	vld [tilespmem:s1+$0x0];
	p6 =	sne.s32 s0, $0x1  }
.Ltmp82:
0x305: {  	v4 =	vand.u32 $0x1, v4;
	(pc) =	sbr.rel @!p6 .LBB2_93-.Ltmp82, $4  }
0x306: {  	vm2 =	veq.s32 v4, $0x1  }
0x307: {  	vm1 =	vmand vm1, vm2  }
0x308: {  	s0 =	sadd.s32 $0xFFFFFFFF, s0;
	v4 =	vsel vm1, $0x1, v1  }
0x309: {  	s1 =	simm.s32 $0x1040;
	s16 =	simm.s32 $0x30;
	p4 =	por $0x1, $0x1;
	(xrf0) =	vadd.scan.msk.s32 $0xffff, v4;
	v4 =	vshrl.u32 v5, v3  }
0x30a: {  	_ =	sdelay $0x1  }
0x30b: {  	v6 =	vor.u32 s16, v0;
	_ =	sdelay $0x2  }
0x30c: {  	vm1 =	vlt.s32 v6, v2;
	v6, _, _ =	vpop (xrf0)  }
0x30d: {  	(v2sf) =	vpush v6, $0xF;
	_ =	sdelay $0x3  }
0x30e: {  	v5 =	vld [tilespmem:s1+$0x0];
	v4 =	vand.u32 $0x1, v4;
	p6 =	sne.s32 s0, $0x1  }
.Ltmp83:
0x30f: {  	vm2 =	veq.s32 v4, $0x1;
	(pc) =	sbr.rel @!p6 .LBB2_95-.Ltmp83, $4  }
0x310: {  	vm1 =	vmand vm1, vm2  }
0x311: {  	v4 =	vsel vm1, $0x1, v1  }
0x312: {  	s1 =	sadd.s32 $0xFFFFFFFF, s0;
	s2 =	simm.s32 $0x1050;
	(xrf0) =	vadd.scan.msk.s32 $0xffff, v4  }
0x313: {  	s16 =	simm.s32 $0x40;
	p5 =	por $0x1, $0x1;
	s0 =	simm.s32 $0x0;
	v4 =	vshrl.u32 v5, v3  }
.LBB2_96:
0x314: {  	v5 =	vld [tilespmem:s2+$0x0];
	p6 =	sne.s32 s1, $0x1;
	s1 =	sadd.s32 $0xFFFFFFFF, s1;
	v6 =	vor.u32 s16, v0;
	v4 =	vand.u32 $0x1, v4  }
.Ltmp84:
0x315: {  	vm1 =	vlt.s32 v6, v2;
	vm2 =	veq.s32 v4, $0x1;
	(pc) =	sbr.rel @p6 .LBB2_96-.Ltmp84, $4  }
0x316: {  	vm1 =	vmand vm1, vm2;
	s3 =	spop (v2sf)  }
0x317: {  	v4 =	vsel vm1, $0x1, v1;
	s0 =	sadd.s32 s0, s3  }
0x318: {  	(xrf0) =	vadd.scan.msk.s32 $0xffff, v4;
	v6, _, _ =	vpop (xrf0)  }
0x319: {  	s2 =	sadd.s32 $0x10, s2;
	s16 =	sadd.s32 $0x10, s16;
	v4 =	vshrl.u32 v5, v3;
	(v2sf) =	vpush v6, $0xF  }
.LBB2_97:
0x31a: {  	v5 =	vor.u32 s16, v0;
	v4 =	vand.u32 $0x1, v4  }
0x31b: {  	vm1 =	vlt.s32 v5, v2;
	vm2 =	veq.s32 v4, $0x1  }
0x31c: {  	vm1 =	vmand vm1, vm2  }
0x31d: {  	v4 =	vsel vm1, $0x1, v1  }
0x31e: {  	(xrf0) =	vadd.scan.msk.s32 $0xffff, v4;
	_ =	sdelay $0x3  }
0x31f: {  	v4, _, _ =	vpop @p2 (xrf0)  }
0x320: {  	(v2sf) =	vpush @p2 v4, $0xF  }
0x321: {  	v4, _, _ =	vpop (xrf0)  }
0x322: {  	(v2sf) =	vpush v4, $0xF;
	_ =	sdelay $0x6  }
0x323: {  	s1 =	spop @p5 (v2sf)  }
0x324: {  	s0 =	sadd.s32 @p5 s0, s1;
	s1 =	simm.s32 $0x0  }
0x325: {  	s1 =	smov.u32 @p5 s0;
	s0 =	spop @p4 (v2sf)  }
0x326: {  	s0 =	sadd.s32 @p4 s1, s0;
	s1 =	simm.s32 $0x0  }
0x327: {  	s1 =	smov.u32 @p4 s0;
	s0 =	spop @p3 (v2sf)  }
.Ltmp85:
0x328: {  	s0 =	sadd.s32 @p3 s1, s0;
	s1 =	simm.s32 $0x0;
	(pc) =	sbr.rel .LBB2_98-.Ltmp85, $4  }
0x329: {  	s1 =	smov.u32 @p3 s0;
	s0 =	spop @p2 (v2sf)  }
0x32a: {  	s0 =	sadd.s32 @p2 s1, s0  }
0x32b: {  	s29 =	smov.u32 @p2 s0;
	s17 =	spop (v2sf)  }
0x32c: {  	s29 =	sadd.s32 s29, s17  }
.LBB2_85:
0x32d: {  	s29 =	simm.s32 $0x0  }
.LBB2_98:
.Ltmp86:
0x32e: {  	(pc) =	sbr.rel @p1 .LBB2_105-.Ltmp86, $2  }
0x32f: {  	_ =	sdelay $0x2  }
0x330: {  	p2 =	sge.s32 s29, s10  }
0x331: {  	vm1 =	vmmov vm0  }
0x332: {  	vm1 =	vmneg @p2 vm1  }
0x333: {  	vm1 =	vmneg vm1  }
.Ltmp87:
0x334: {  	v4 =	vsel vm1, $0x1, v1;
	(pc) =	sbr.rel @!p0 .LBB2_100-.Ltmp87, $3  }
0x335: {  	v4 =	vbroadcast v4, $0x0;
	_ =	sdelay $0x1  }
0x336: {  	s0 =	simm.s32 $0x1000;
	v4 =	vand.u32 $0x1, v4  }
0x337: {  	s16 =	simm.s32 $0x0;
	p1 =	por $0x0, $0x0;
	vm1 =	veq.s32 v4, $0x1;
	v4 =	vld [tilespmem:s0+$0x0]  }
0x338: {  	_ =	sdelay $0x3  }
0x339: {  	v5 =	vshrl.u32 v4, v3  }
0x33a: {  	v5 =	vand.u32 $0x1, v5  }
0x33b: {  	v6 =	vor.u32 s16, v0;
	vm2 =	veq.s32 v5, $0x1  }
0x33c: {  	vm3 =	vlt.s32 v6, v2;
	vm2 =	vmxor vm1, vm2  }
0x33d: {  	vm2 =	vmand vm3, vm2  }
0x33e: {  	v5 =	vsel vm2, $0x1, v1  }
0x33f: {  	(xrf0) =	vadd.scan.msk.s32 $0xffff, v5;
	_ =	sdelay $0x2  }
0x340: {  	v5 =	vmov s16  }
0x341: {  	v5 =	vadd.s32 $0xFFFFFFFF, v5  }
0x342: {  	v5 =	vbroadcast v5, $0x0  }
0x343: {  	v6, _, _ =	vpop (xrf0)  }
0x344: {  	v5 =	vadd.s32 v6, v5;
	(v2sf) =	vpush v6, $0xF  }
0x345: {  	p0 =	sne.s32 s28, $0x1  }
.Ltmp88:
0x346: {  	_ = 	snop;
	(pc) =	sbr.rel @!p0 .LBB2_102-.Ltmp88, $3  }
0x347: {  	_ =	sdelay $0x1  }
0x348: {  	s1 =	simm.s32 $0x1010;
	s2 =	sadd.s32 $0xFFFFFFFF, s28;
	[tilespmem:v5+s24+$0x0] =	vst.idx.msk vm2, v4  }
0x349: {  	p1 =	por $0x1, $0x1;
	s0 =	simm.s32 $0x0;
	s28 =	simm.s32 $0x0;
	v4 =	vld [tilespmem:s1+$0x0]  }
.LBB2_103:
0x34a: {  	p0 =	sne.s32 s2, $0x1;
	_ =	sdelay $0x3  }
0x34b: {  	v5 =	vshrl.u32 v4, v3  }
0x34c: {  	s0 =	sadd.s32 $0x10, s0;
	v5 =	vand.u32 $0x1, v5  }
0x34d: {  	v6 =	vor.u32 s0, v0;
	vm2 =	veq.s32 v5, $0x1  }
0x34e: {  	vm3 =	vlt.s32 v6, v2;
	vm2 =	vmxor vm1, vm2  }
0x34f: {  	vm2 =	vmand vm3, vm2;
	s3 =	spop (v2sf)  }
0x350: {  	v5 =	vsel vm2, $0x1, v1;
	s28 =	sadd.s32 s28, s3  }
0x351: {  	v6 =	vmov s28;
	(xrf0) =	vadd.scan.msk.s32 $0xffff, v5  }
0x352: {  	v5 =	vadd.s32 $0xFFFFFFFF, v6  }
0x353: {  	v5 =	vbroadcast v5, $0x0;
	_ =	sdelay $0x3  }
0x354: {  	v6, _, _ =	vpop (xrf0)  }
0x355: {  	v5 =	vadd.s32 v6, v5;
	(v2sf) =	vpush v6, $0xF;
	_ =	sdelay $0x1  }
.Ltmp89:
0x356: {  	(pc) =	sbr.rel @p0 .LBB2_103-.Ltmp89, $3  }
0x357: {  	_ =	sdelay $0x1  }
0x358: {  	s1 =	sadd.s32 $0x10, s1;
	[tilespmem:v5+s24+$0x0] =	vst.idx.msk vm2, v4  }
0x359: {  	s2 =	sadd.s32 $0xFFFFFFFF, s2;
	v4 =	vld [tilespmem:s1+$0x0]  }
.LBB2_104:
0x35a: {  	_ =	sdelay $0x3  }
0x35b: {  	s0 =	sadd.s32 @p1 $0x10, s0;
	s1 =	simm.s32 $0x0;
	v3 =	vshrl.u32 v4, v3  }
0x35c: {  	s1 =	smov.u32 @p1 s0;
	v3 =	vand.u32 $0x1, v3  }
0x35d: {  	v5 =	vor.u32 s1, v0;
	vm2 =	veq.s32 v3, $0x1  }
0x35e: {  	vm3 =	vlt.s32 v5, v2;
	vm1 =	vmxor vm1, vm2  }
0x35f: {  	vm1 =	vmand vm3, vm1  }
0x360: {  	v2 =	vsel vm1, $0x1, v1  }
0x361: {  	(xrf0) =	vadd.scan.msk.s32 $0xffff, v2;
	_ =	sdelay $0x5  }
0x362: {  	v2, _, _ =	vpop (xrf0)  }
0x363: {  	(v2sf) =	vpush v2, $0xF;
	_ =	sdelay $0x2  }
0x364: {  	s0 =	spop @p1 (v2sf)  }
0x365: {  	s0 =	sadd.s32 @p1 s28, s0  }
0x366: {  	s16 =	smov.u32 @p1 s0  }
0x367: {  	v3 =	vmov s16  }
0x368: {  	v3 =	vadd.s32 $0xFFFFFFFF, v3  }
0x369: {  	v3 =	vbroadcast v3, $0x0;
	_ =	sdelay $0x1  }
0x36a: {  	v2 =	vadd.s32 v2, v3;
	_ =	sdelay $0x4  }
0x36b: {  	[tilespmem:v2+s24+$0x0] =	vst.idx.msk vm1, v4;
	s28 =	spop (v2sf)  }
.LBB2_105:
0x36c: {  	s11 =	ssub.s32 s11, s29  }
0x36d: {  	s11 =	smov.u32 @p2 s29  }
0x36e: {  	s0 =	sadd.s32 $0xF, s11  }
0x36f: {  	s1 =	sshra.s32 s0, $0x4  }
0x370: {  	p0 =	slt.s32 s1, $0x1  }
.Ltmp90:
0x371: {  	_ = 	snop;
	(pc) =	sbr.rel @p0 .LBB2_108-.Ltmp90, $1  }
0x372: {  	_ =	sdelay $0x3  }
0x373: {  	s0 =	simm.s32 $0x1E00  }
0x374: {  	p0 =	sne.s32 s1, $0x1;
	v2 =	vld [tilespmem:s0+$0x0]  }
.Ltmp91:
0x375: {  	_ = 	snop;
	(pc) =	sbr.rel @!p0 .LBB2_108-.Ltmp91, $3  }
0x376: {  	_ =	sdelay $0x1  }
0x377: {  	s0 =	simm.s32 $0x1000  }
0x378: {  	s1 =	sadd.s32 $0xFFFFFFFF, s1;
	s2 =	simm.s32 $0x1E10;
	[tilespmem:s0+$0x0] =	vst v2  }
.LBB2_107:
0x379: {  	v2 =	vld [tilespmem:s2+$0x0];
	p0 =	sne.s32 s1, $0x1;
	s1 =	sadd.s32 $0xFFFFFFFF, s1  }
.Ltmp92:
0x37a: {  	(pc) =	sbr.rel @p0 .LBB2_107-.Ltmp92, $3  }
0x37b: {  	_ =	sdelay $0x1  }
0x37c: {  	s0 =	sadd.s32 $0x10, s0  }
0x37d: {  	s2 =	sadd.s32 $0x10, s2;
	[tilespmem:s0+$0x0] =	vst v2  }
.Ltmp93:
0x37e: {  	_ = 	snop;
	(pc) =	sbr.rel .LBB2_108-.Ltmp93, $1  }
0x37f: {  	_ =	sdelay $0x3  }
.LBB2_87:
.Ltmp94:
0x380: {  	(pc) =	sbr.rel .LBB2_97-.Ltmp94, $2  }
0x381: {  	_ =	sdelay $0x2  }
0x382: {  	s16 =	simm.s32 $0x0;
	s0 =	simm.s32 $0x0  }
.LBB2_100:
.Ltmp95:
0x383: {  	(pc) =	sbr.rel .LBB2_104-.Ltmp95, $2  }
0x384: {  	_ =	sdelay $0x2  }
0x385: {  	s0 =	simm.s32 $0x0;
	s28 =	simm.s32 $0x0  }
.LBB2_89:
.Ltmp96:
0x386: {  	(pc) =	sbr.rel .LBB2_97-.Ltmp96, $2  }
0x387: {  	_ =	sdelay $0x2  }
0x388: {  	s0 =	simm.s32 $0x0  }
.LBB2_102:
.Ltmp97:
0x389: {  	(pc) =	sbr.rel .LBB2_104-.Ltmp97, $2  }
0x38a: {  	_ =	sdelay $0x2  }
0x38b: {  	s0 =	simm.s32 $0x0;
	s28 =	simm.s32 $0x0  }
.LBB2_91:
.Ltmp98:
0x38c: {  	(pc) =	sbr.rel .LBB2_97-.Ltmp98, $2  }
0x38d: {  	_ =	sdelay $0x2  }
0x38e: {  	s0 =	simm.s32 $0x0  }
.LBB2_93:
.Ltmp99:
0x38f: {  	(pc) =	sbr.rel .LBB2_97-.Ltmp99, $2  }
0x390: {  	_ =	sdelay $0x3  }
0x391: {  	s0 =	simm.s32 $0x0  }
.LBB2_95:
.Ltmp100:
0x392: {  	(pc) =	sbr.rel .LBB2_97-.Ltmp100, $2  }
0x393: {  	_ =	sdelay $0x2  }
0x394: {  	s0 =	simm.s32 $0x0  }
.LBB2_109:
0x395: {  	s0 =	simm.s32 $0x0  }
0x396: {  	v4 =	vld [tilespmem:s0+$0x0];
	_ =	sdelay $0x1  }
0x397: {  	s29 =	sshrl.u32 s8, s7  }
0x398: {  	s0 =	sadd.s32 s31, s29  }
0x399: {  	v2 =	vmov s0  }
0x39a: {  	vm1 =	veq.s32 v4, v2  }
0x39b: {  	v3 =	vsel vm1, $0x1, v1  }
0x39c: {  	(xrf0) =	vadd.scan.msk.s32 $0xffff, v3;
	_ =	sdelay $0x5  }
0x39d: {  	v5, _, _ =	vpop (xrf0)  }
0x39e: {  	(v2sf) =	vpush v5, $0xF;
	_ =	sdelay $0x1  }
0x39f: {  	s7 =	simm.s32 $0x0  }
0x3a0: {  	v3 =	vmov s10;
	v6 =	vadd.s32 s7, v5  }
0x3a1: {  	vm2 =	vle.s32 v6, v3  }
0x3a2: {  	vm3 =	vgt.s32 v4, v2;
	vm1 =	vmand vm1, vm2  }
0x3a3: {  	vm1 =	vmor vm3, vm1  }
0x3a4: {  	v5 =	vsel vm1, $0x1, v1  }
0x3a5: {  	(xrf0) =	vadd.scan.msk.s32 $0xffff, v5;
	_ =	sdelay $0x2  }
0x3a6: {  	v5 =	vmov s7  }
0x3a7: {  	v5 =	vadd.s32 $0xFFFFFFFF, v5  }
0x3a8: {  	v5 =	vbroadcast v5, $0x0  }
0x3a9: {  	v63, _, _ =	vpop (xrf0)  }
0x3aa: {  	v5 =	vadd.s32 v63, v5;
	s31 =	spop (v2sf);
	(v2sf) =	vpush v63, $0xF;
	_ =	sdelay $0x3  }
0x3ab: {  	v7 =	vor.u32 s13, v0  }
0x3ac: {  	s11 =	simm.s32 $0x80;
	[tilespmem:v5+s25+$0x0] =	vst.idx.msk vm1, v7  }
0x3ad: {  	s8 =	smov.u32 s13;
	s0 =	simm.s32 $0x10;
	s10 =	sadd.s32 $0x0, s31;
	[tilespmem:v5+s26+$0x0] =	vst.idx.msk vm1, v4  }
.LBB2_110:
0x3ae: {  	p0 =	sne.s32 s11, $0x37C0;
	v4 =	vld [tilespmem:s0+$0x0];
	_ =	sdelay $0x4  }
0x3af: {  	vm1 =	vgt.s32 v4, v2;
	vm2 =	veq.s32 v4, v2  }
0x3b0: {  	v5 =	vsel vm2, $0x1, v1  }
0x3b1: {  	(xrf0) =	vadd.scan.msk.s32 $0xffff, v5  }
0x3b2: {  	s0 =	spop (v2sf)  }
0x3b3: {  	s7 =	sadd.s32 s7, s0  }
0x3b4: {  	v5 =	vmov s7  }
0x3b5: {  	v5 =	vadd.s32 $0xFFFFFFFF, v5  }
0x3b6: {  	v5 =	vbroadcast v5, $0x0  }
0x3b7: {  	v6, _, _ =	vpop (xrf0)  }
0x3b8: {  	v7 =	vadd.s32 s10, v6;
	(v2sf) =	vpush v6, $0xF  }
0x3b9: {  	vm3 =	vle.s32 v7, v3  }
0x3ba: {  	vm2 =	vmand vm2, vm3  }
0x3bb: {  	vm1 =	vmor vm1, vm2  }
0x3bc: {  	v6 =	vsel vm1, $0x1, v1  }
0x3bd: {  	(xrf0) =	vadd.scan.msk.s32 $0xffff, v6;
	_ =	sdelay $0x5  }
0x3be: {  	v6, _, _ =	vpop (xrf0)  }
0x3bf: {  	v5 =	vadd.s32 v6, v5;
	(v2sf) =	vpush v6, $0xF;
	_ =	sdelay $0x1  }
.Ltmp101:
0x3c0: {  	(pc) =	sbr.rel @p0 .LBB2_110-.Ltmp101, $4  }
0x3c1: {  	s8 =	sadd.s32 $0x10, s8;
	s0 =	spop (v2sf)  }
0x3c2: {  	v6 =	vor.u32 s8, v0;
	s10 =	sadd.s32 s10, s0  }
0x3c3: {  	[tilespmem:v5+s25+$0x0] =	vst.idx.msk vm1, v6  }
0x3c4: {  	s0 =	sshra.s32 s11, $0x2;
	s11 =	sadd.s32 $0x40, s11;
	[tilespmem:v5+s26+$0x0] =	vst.idx.msk vm1, v4  }
0x3c5: {  	v4 =	vld [tilespmem:s0+$0x0];
	_ =	sdelay $0x4  }
0x3c6: {  	vm1 =	veq.s32 v4, v2  }
0x3c7: {  	v5 =	vsel vm1, $0x1, v1  }
0x3c8: {  	(xrf0) =	vadd.scan.msk.s32 $0xffff, v5;
	_ =	sdelay $0x5  }
0x3c9: {  	v5, _, _ =	vpop (xrf0)  }
0x3ca: {  	v6 =	vadd.s32 s10, v5  }
0x3cb: {  	vm2 =	vle.s32 v6, v3  }
0x3cc: {  	vm3 =	vgt.s32 v4, v2;
	vm1 =	vmand vm1, vm2  }
0x3cd: {  	vm1 =	vmor vm3, vm1  }
0x3ce: {  	v2 =	vsel vm1, $0x1, v1  }
0x3cf: {  	(xrf0) =	vadd.scan.msk.s32 $0xffff, v2;
	_ =	sdelay $0x5  }
0x3d0: {  	(v2sf) =	vpush v5, $0xF;
	v2, _, _ =	vpop (xrf0)  }
0x3d1: {  	(v2sf) =	vpush v2, $0xF;
	_ =	sdelay $0x2  }
0x3d2: {  	s17 =	spop (v2sf)  }
0x3d3: {  	s0 =	sadd.s32 s7, s17  }
0x3d4: {  	v3 =	vmov s0  }
0x3d5: {  	v3 =	vadd.s32 $0xFFFFFFFF, v3  }
0x3d6: {  	v3 =	vbroadcast v3, $0x0;
	_ =	sdelay $0x1  }
0x3d7: {  	v2 =	vadd.s32 v2, v3;
	_ =	sdelay $0x2  }
0x3d8: {  	s28 =	sadd.s32 $0x10, s8  }
0x3d9: {  	v3 =	vor.u32 s28, v0  }
0x3da: {  	s29 =	spop (v2sf);
	[tilespmem:v2+s25+$0x0] =	vst.idx.msk vm1, v3  }
0x3db: {  	[tilespmem:v2+s26+$0x0] =	vst.idx.msk vm1, v4;
	s31 =	spop (v2sf)  }
0x3dc: {  	_ =	swait.ge [sflag:s22], $0x4000  }
0x3dd: {  	[sflag:s22] =	ssyncset.done $0x0  }
0x3de: {  	s11 =	simm.s32 $0x3400;
	[sflag:s22] =	ssyncadd.s32 $0xFFFFC000  }
0x3df: {  	[tilespmem:s11], [sflag:$0x1] =	stream.indirect.gather [hbm4b:s30+s14], $0x80, s25, s14, $0xb8;
	[tilespmem:$0x13400] =	vst v63  }
0x3e0: {  	_ =	swait.ge [sflag:s19], $0x4000  }
0x3e1: {  	[sflag:s19] =	ssyncset.done $0x0  }
0x3e2: {  	[sflag:s19] =	ssyncadd.s32 $0xFFFFC000  }
0x3e3: {  	s10 =	rddreg [dreg:$0x4]  }
0x3e4: {  	s1 =	simm.s32 $0x0;
	s0 =	sadd.s32 s10, s9  }
0x3e5: {  	[hbm4b:s0+s1] =	stream.linear.scatter [tilespmem:s20], [sflag:$0x2], $0x4000, $0x38;
	[tilespmem:$0x13400] =	vst v63  }
0x3e6: {  	s0 =	sand.u32 $0x1F0, s1  }
0x3e7: {  	s3 =	smov.u32 s18;
	s15 =	simm.s32 $0xB400;
	s1 =	simm.s32 $0x10;
	v2 =	vld [tilespmem:s0+$0xE00]  }
.LBB2_112:
0x3e8: {  	p0 =	sne.s32 s1, $0x1F0  }
.Ltmp102:
0x3e9: {  	_ = 	snop;
	(pc) =	sbr.rel @p0 .LBB2_112-.Ltmp102, $3  }
0x3ea: {  	_ =	sdelay $0x1  }
0x3eb: {  	[tilespmem:s0+$0x3200] =	vst v2;
	s0 =	sand.u32 $0x1F0, s1;
	s1 =	sadd.s32 $0x10, s1  }
0x3ec: {  	v2 =	vld [tilespmem:s0+$0xE00]  }
0x3ed: {  	_ =	sdelay $0x3  }
0x3ee: {  	[tilespmem:s0+$0x3200] =	vst v2  }
0x3ef: {  	_ =	swait.ge [sflag:s22], $0x4000  }
0x3f0: {  	[sflag:s22] =	ssyncset.done $0x0  }
0x3f1: {  	[sflag:s22] =	ssyncadd.s32 $0xFFFFC000  }
0x3f2: {  	[tilespmem:s21], [sflag:$0x1] =	stream.indirect.gather [hbm4b:s4+s14], $0x80, s25, s14, $0xb8;
	[tilespmem:$0x13400] =	vst v63  }
0x3f3: {  	_ =	swait.ge [sflag:s19], $0x4000  }
0x3f4: {  	s28 =	rddreg [dreg:$0xa]  }
0x3f5: {  	[sflag:s19] =	ssyncset.done $0x0;
	s1 =	rddreg [dreg:$0xe]  }
0x3f6: {  	s20 =	sadd.s32 s3, s12;
	[sflag:s19] =	ssyncadd.s32 $0xFFFFC000;
	s0 =	sadd.s32 s28, s1  }
0x3f7: {  	[hbm4b:s20+s5] =	stream.linear.scatter [tilespmem:s11], [sflag:$0x2], $0x4000, $0x38;
	[tilespmem:$0x13400] =	vst v63  }
0x3f8: {  	s29 =	rddreg [dreg:$0x7];
	s0 =	sshrl.u32 s0, $0x3  }
0x3f9: {  	s7 =	simm.s32 $0x400;
	s8 =	simm.s32 $0x3;
	s0 =	sadd.s32 s29, s0  }
0x3fa: {  	[hbm4b:s0+s14] =	stream.strided.scatter [tilespmem:s26], [sflag:$0x3], $0x400, s7, s14, $0x38;
	[tilespmem:$0x13400] =	vst v63  }
0x3fb: {  	_ =	swait.ge [sflag:s8], $0x400  }
0x3fc: {  	[sflag:s8] =	ssyncset.done $0x0  }
0x3fd: {  	[sflag:s8] =	ssyncadd.s32 $0xFFFFFC00  }
0x3fe: {  	_ =	swait.ge [sflag:s22], $0x4000  }
0x3ff: {  	[sflag:s22] =	ssyncset.done $0x0  }
0x400: {  	s31 =	simm.s32 $0x2C80;
	[sflag:s22] =	ssyncadd.s32 $0xFFFFC000  }
0x401: {  	[tilespmem:s15], [sflag:$0x1] =	stream.indirect.gather [hbm4b:s30+s14], $0x80, s31, s14, $0xb8;
	[tilespmem:$0x13400] =	vst v63  }
0x402: {  	_ =	swait.ge [sflag:s19], $0x4000  }
0x403: {  	[sflag:s19] =	ssyncset.done $0x0  }
0x404: {  	s2 =	sadd.s32 s10, s12;
	[sflag:s19] =	ssyncadd.s32 $0xFFFFC000  }
0x405: {  	[hbm4b:s2+s5] =	stream.linear.scatter [tilespmem:s21], [sflag:$0x2], $0x4000, $0x38;
	[tilespmem:$0x13400] =	vst v63  }
0x406: {  	_ =	swait.ge [sflag:s22], $0x4000  }
0x407: {  	[sflag:s22] =	ssyncset.done $0x0  }
0x408: {  	s2 =	simm.s32 $0xF400;
	[sflag:s22] =	ssyncadd.s32 $0xFFFFC000  }
0x409: {  	[tilespmem:s2], [sflag:$0x1] =	stream.indirect.gather [hbm4b:s4+s14], $0x80, s31, s14, $0xb8;
	[tilespmem:$0x13400] =	vst v63  }
0x40a: {  	_ =	swait.ge [sflag:s19], $0x4000  }
0x40b: {  	s9 =	sor.u32 $0x800, s12;
	[sflag:s19] =	ssyncset.done $0x0  }
0x40c: {  	s16 =	sadd.s32 s3, s9;
	[sflag:s19] =	ssyncadd.s32 $0xFFFFC000  }
0x40d: {  	[hbm4b:s16+s5] =	stream.linear.scatter [tilespmem:s15], [sflag:$0x2], $0x4000, $0x38;
	[tilespmem:$0x13400] =	vst v63  }
0x40e: {  	_ =	swait.ge [sflag:s22], $0x4000  }
0x40f: {  	[sflag:s22] =	ssyncset.done $0x0  }
0x410: {  	s17 =	simm.s32 $0x2D00;
	[sflag:s22] =	ssyncadd.s32 $0xFFFFC000  }
0x411: {  	[tilespmem:s11], [sflag:$0x1] =	stream.indirect.gather [hbm4b:s30+s14], $0x80, s17, s14, $0xb8;
	[tilespmem:$0x13400] =	vst v63  }
0x412: {  	_ =	swait.ge [sflag:s19], $0x4000  }
0x413: {  	[sflag:s19] =	ssyncset.done $0x0  }
0x414: {  	s0 =	sadd.s32 s10, s9;
	[sflag:s19] =	ssyncadd.s32 $0xFFFFC000  }
0x415: {  	[hbm4b:s0+s5] =	stream.linear.scatter [tilespmem:s2], [sflag:$0x2], $0x4000, $0x38;
	[tilespmem:$0x13400] =	vst v63  }
0x416: {  	_ =	swait.ge [sflag:s22], $0x4000  }
0x417: {  	[sflag:s22] =	ssyncset.done $0x0  }
0x418: {  	[sflag:s22] =	ssyncadd.s32 $0xFFFFC000  }
0x419: {  	[tilespmem:s21], [sflag:$0x1] =	stream.indirect.gather [hbm4b:s4+s14], $0x80, s17, s14, $0xb8;
	[tilespmem:$0x13400] =	vst v63  }
0x41a: {  	_ =	swait.ge [sflag:s19], $0x4000  }
0x41b: {  	s18 =	sor.u32 $0x1000, s12;
	[sflag:s19] =	ssyncset.done $0x0  }
0x41c: {  	s20 =	sadd.s32 s3, s18;
	[sflag:s19] =	ssyncadd.s32 $0xFFFFC000  }
0x41d: {  	[hbm4b:s20+s5] =	stream.linear.scatter [tilespmem:s11], [sflag:$0x2], $0x4000, $0x38;
	[tilespmem:$0x13400] =	vst v63  }
0x41e: {  	_ =	swait.ge [sflag:s22], $0x4000  }
0x41f: {  	[sflag:s22] =	ssyncset.done $0x0  }
0x420: {  	s28 =	simm.s32 $0x2D80;
	[sflag:s22] =	ssyncadd.s32 $0xFFFFC000  }
0x421: {  	[tilespmem:s15], [sflag:$0x1] =	stream.indirect.gather [hbm4b:s30+s14], $0x80, s28, s14, $0xb8;
	[tilespmem:$0x13400] =	vst v63  }
0x422: {  	_ =	swait.ge [sflag:s19], $0x4000  }
0x423: {  	[sflag:s19] =	ssyncset.done $0x0  }
0x424: {  	s0 =	sadd.s32 s10, s18;
	[sflag:s19] =	ssyncadd.s32 $0xFFFFC000  }
0x425: {  	[hbm4b:s0+s5] =	stream.linear.scatter [tilespmem:s21], [sflag:$0x2], $0x4000, $0x38;
	[tilespmem:$0x13400] =	vst v63  }
0x426: {  	_ =	swait.ge [sflag:s22], $0x4000  }
0x427: {  	[sflag:s22] =	ssyncset.done $0x0  }
0x428: {  	[sflag:s22] =	ssyncadd.s32 $0xFFFFC000  }
0x429: {  	[tilespmem:s2], [sflag:$0x1] =	stream.indirect.gather [hbm4b:s4+s14], $0x80, s28, s14, $0xb8;
	[tilespmem:$0x13400] =	vst v63  }
0x42a: {  	_ =	swait.ge [sflag:s19], $0x4000  }
0x42b: {  	s29 =	sor.u32 $0x1800, s12;
	[sflag:s19] =	ssyncset.done $0x0  }
0x42c: {  	s31 =	sadd.s32 s3, s29;
	[sflag:s19] =	ssyncadd.s32 $0xFFFFC000  }
0x42d: {  	[hbm4b:s31+s5] =	stream.linear.scatter [tilespmem:s15], [sflag:$0x2], $0x4000, $0x38;
	[tilespmem:$0x13400] =	vst v63  }
0x42e: {  	_ =	swait.ge [sflag:s19], $0x4000  }
0x42f: {  	[sflag:s19] =	ssyncset.done $0x0  }
0x430: {  	s0 =	sadd.s32 s10, s29;
	[sflag:s19] =	ssyncadd.s32 $0xFFFFC000  }
0x431: {  	[hbm4b:s0+s5] =	stream.linear.scatter [tilespmem:s2], [sflag:$0x2], $0x4000, $0x38;
	[tilespmem:$0x13400] =	vst v63  }
0x432: {  	_ =	swait.ge [sflag:s22], $0x4000  }
0x433: {  	[sflag:s22] =	ssyncset.done $0x0  }
0x434: {  	[sflag:s22] =	ssyncadd.s32 $0xFFFFC000  }
0x435: {  	_ =	swait.ge [sflag:s22], $0x4000  }
0x436: {  	[sflag:s22] =	ssyncset.done $0x0  }
0x437: {  	s6 =	sadd.s32 $0x1, s6;
	[sflag:s22] =	ssyncadd.s32 $0xFFFFC000  }
0x438: {  	p0 =	sne.s32 s6, $0x8;
	_ =	swait.ge [sflag:s22], $0x4000  }
.Ltmp103:
0x439: {  	[sflag:s22] =	ssyncset.done $0x0;
	(pc) =	sbr.rel @p0 .LBB2_2-.Ltmp103, $4  }
0x43a: {  	[sflag:s22] =	ssyncadd.s32 $0xFFFFC000  }
0x43b: {  	_ =	swait.ge [sflag:s22], $0x4000  }
0x43c: {  	[sflag:s22] =	ssyncset.done $0x0  }
0x43d: {  	s13 =	sadd.s32 $0x1000, s13;
	s20 =	simm.s32 $0xF400;
	[sflag:s22] =	ssyncadd.s32 $0xFFFFC000  }
0x43e: {  	s1 =	rddreg [dreg:$0xd]  }
0x43f: {  	s0 =	rddreg [dreg:$0xb];
	s1 =	sadd.s32 $0x1, s1  }
0x440: {  	p0 =	sne.s32 s1, s0  }
.Ltmp104:
0x441: {  	_ = 	snop;
	(pc) =	sbr.rel @p0 .LBB2_1-.Ltmp104, $1  }
0x442: {  	_ =	sdelay $0x3  }
0x443: {  	_ =	sfence.sel $0x180000  }
0x444: {  	[bflag:$0x0] =	sbarrier.arrive $0xFFFF  }
0x445: {  	_ =	strace $0x90000047  }
0x446: {  	s0 =	stileid.u32;
	[bflag:$0x2] =	sbarrier.arrive $0xFFFF  }
0x447: {  	p0 =	sne.s32 s0, $0x0;
	s0 =	rddreg [dreg:$0x5]  }
0x448: {  	s0 =	sadd.s32 @!p0 $0x100000, s0  }
0x449: {  	[sflag:s0] =	ssyncadd.tile.s32 @!p0 $0x1;
	_ =	shalt  }
.Lfunc_end2:
_tile_overlayer_lowered:
.L_overlay_start_2:
0x44a: {  	(tag) =	ssettag $0x2  }
0x44b: {  	s0 =	rddreg [dreg:$0x0];
	s2 =	stileid.u32  }
0x44c: {  	s1 =	rddreg [dreg:$0x1];
	p0 =	sne.s32 s2, $0x0  }
0x44d: {  	s3 =	rddreg [dreg:$0x2];
	[bflag:$0x3] =	sbarrier.arrive $0xFFFF;
	s2 =	simm.s32 @!p0 $0x1C03  }
0x44e: {  	[timem:s3], [sflag:s2] =	dma.local @!p0 [hbm:s0], s1  }
0x44f: {  	s0 =	simm.s32 @!p0 $0x3  }
0x450: {  	_ =	swait.ge @!p0 [sflag:s0], s1  }
0x451: {  	s1 =	ssub.s32 @!p0 $0x0, s1;
	[sflag:s0] =	ssyncset.done @!p0 $0x0  }
0x452: {  	[sflag:s0] =	ssyncadd.s32 @!p0 s1  }
0x453: {  	[bflag:$0x3] =	sbarrier.arrive $0xFFFF  }
0x454: {  	_ =	shalt  }

</sc_bundles>
